<compile_context>
chip_gen: v7x
topology: tpu7x:2x2x1
jax: 0.10.2.dev20260603
libtpu: 0.0.44.dev20260713+nightly
codegen_flags: <defaults>
</compile_context>

<pallas_src>
import functools

import jax
import jax.numpy as jnp
from jax import lax
from jax.experimental import pallas as pl
from jax.experimental.pallas import tpu as pltpu
from jax.experimental.pallas import tpu_sc as plsc

_VOCAB = 1000000
_DIM = 64
_SCALE = 8.0
_NC = 2
_NS = 16
_NW = _NC * _NS
_BATCH = 4096
_SEQ = 200

_VC = 256
_TC = 128
_NFULL = _VOCAB // _VC
_KMAX = -(-_NFULL // _NW)


_RS = _DIM


def _transpose_chunk(slab, trans, width):
  rows = [lax.iota(jnp.int32, 16) + 16 * f for f in range(_DIM // 16)]

  @plsc.parallel_loop(0, width, unroll=4)
  def _(v):
    col = jnp.full((16,), v, jnp.int32)
    for f in range(_DIM // 16):
      vec = plsc.load_gather(slab, [rows[f], col])
      trans[pl.ds(v * _DIM + 16 * f, 16)] = vec


def _a_body(tt_hbm, tail_hbm, tr_hbm, slab0, slab1, trn0, trn1, slab_t,
            trn_t, g0, g1, s0, s1, gt, st):
  slabs = [slab0, slab1]
  trns = [trn0, trn1]
  gsems = [g0, g1]
  ssems = [s0, s1]
  wid = lax.axis_index("s") * _NC + lax.axis_index("c")

  def chunk_of(k):
    return wid + k * _NW

  def slab_dst(b):
    return slabs[b]

  def wait_slab(b):
    pltpu.make_async_copy(tt_hbm.at[:, pl.ds(0, _VC)], slab_dst(b),
                          gsems[b]).wait()

  def wait_store(b):
    pltpu.make_async_copy(trns[b], tr_hbm.at[pl.ds(0, _VC * _RS)],
                          ssems[b]).wait()

  @pl.when(chunk_of(0) < _NFULL)
  def _():
    pltpu.async_copy(tt_hbm.at[:, pl.ds(chunk_of(0) * _VC, _VC)],
                     slab_dst(0), gsems[0])

  @pl.when(chunk_of(1) < _NFULL)
  def _():
    pltpu.async_copy(tt_hbm.at[:, pl.ds(chunk_of(1) * _VC, _VC)],
                     slab_dst(1), gsems[1])

  def step(o, carry):
    for b in range(2):
      k = o * 2 + b
      c = chunk_of(k)

      @pl.when(c < _NFULL)
      def _(b=b, k=k, c=c):
        wait_slab(b)

        @pl.when(k >= 2)
        def _():
          wait_store(b)
        _transpose_chunk(slabs[b], trns[b], _VC)

        @pl.when(chunk_of(k + 2) < _NFULL)
        def _():
          pltpu.async_copy(tt_hbm.at[:, pl.ds(chunk_of(k + 2) * _VC, _VC)],
                           slab_dst(b), gsems[b])
        pltpu.async_copy(trns[b], tr_hbm.at[pl.ds(c * _VC * _RS, _VC * _RS)],
                         ssems[b])
    return carry

  lax.fori_loop(0, (_KMAX + 1) // 2, step, 0)

  @pl.when(wid == _NW - 1)
  def _():
    pltpu.async_copy(tail_hbm, slab_t, gt)
    pltpu.make_async_copy(tail_hbm, slab_t, gt).wait()
    _transpose_chunk(slab_t, trn_t, _TC)
    base = (_VOCAB - _TC) * _RS
    pltpu.async_copy(trn_t, tr_hbm.at[pl.ds(base, _TC * _RS)], st)
    pltpu.make_async_copy(trn_t, tr_hbm.at[pl.ds(0, _TC * _RS)], st).wait()

  wait_store(0)
  wait_store(1)


_a_call = pl.kernel(
    _a_body,
    out_type=jax.ShapeDtypeStruct((_VOCAB * _RS,), jnp.float32),
    mesh=plsc.VectorSubcoreMesh(core_axis_name="c", subcore_axis_name="s"),
    scratch_types=(
        [pltpu.VMEM((_DIM, _VC), jnp.float32) for _ in range(2)]
        + [pltpu.VMEM((_VC * _RS,), jnp.float32) for _ in range(2)]
        + [pltpu.VMEM((_DIM, _TC), jnp.float32),
           pltpu.VMEM((_TC * _RS,), jnp.float32)]
        + [pltpu.SemaphoreType.DMA for _ in range(6)]
    ),
    compiler_params=pltpu.CompilerParams(use_tc_tiling_on_sc=True,
                                         needs_layout_passes=False),
)

_NB = 4
_NO = 2
_BPW = _BATCH // _NW
_OST = _BPW + 1


def _b_body(xt_hbm, tr_hbm, out_hbm, idx_v, r0, r1, r2, r3, o0, o1,
            g0, g1, g2, g3, s0, s1):
  rbufs = [r0, r1, r2, r3]
  obufs = [o0, o1]
  gsems = [g0, g1, g2, g3]
  osems = [s0, s1]
  wid = lax.axis_index("s") * _NC + lax.axis_index("c")
  b0 = wid * _BPW

  pltpu.sync_copy(xt_hbm.at[:, pl.ds(b0, _BPW)], idx_v)

  def gather(t, b):
    pltpu.async_copy(tr_hbm.at[idx_v.at[t]], rbufs[b], gsems[b])

  def wait_gather(b):
    pltpu.make_async_copy(tr_hbm.at[idx_v.at[0]], rbufs[b],
                          gsems[b]).wait()

  def ostore(t, o):
    pltpu.async_copy(obufs[o].at[:, pl.ds(0, _BPW)],
                     out_hbm.at[t, :, pl.ds(b0, _BPW)], osems[o])

  def wait_ostore(o):
    pltpu.make_async_copy(obufs[o].at[:, pl.ds(0, _BPW)],
                          out_hbm.at[0, :, pl.ds(0, _BPW)], osems[o]).wait()

  rows = [lax.iota(jnp.int32, 16) + 16 * c for c in range(_DIM // 16)]

  def transpose_block(b, o):
    @plsc.parallel_loop(0, _BPW, unroll=2)
    def _(j):
      jful = jnp.full((16,), j, jnp.int32)
      for c in range(_DIM // 16):
        vec = rbufs[b][j, pl.ds(16 * c, 16)]
        plsc.store_scatter(obufs[o], [rows[c], jful], vec * _SCALE)

  for b in range(_NB):
    gather(b, b)

  def step(o_, carry):
    for v in range(_NB):
      t = o_ * _NB + v
      b = v
      u = v % _NO
      wait_gather(b)

      @pl.when(t >= _NO)
      def _():
        wait_ostore(u)
      transpose_block(b, u)

      @pl.when(t < _SEQ - _NB)
      def _():
        gather(t + _NB, b)
      ostore(t, u)
    return carry

  lax.fori_loop(0, _SEQ // _NB, step, 0)

  for o in range(_NO):
    wait_ostore(o)


_b_call = pl.kernel(
    _b_body,
    out_type=jax.ShapeDtypeStruct((_SEQ, _DIM, _BATCH), jnp.float32),
    mesh=plsc.VectorSubcoreMesh(core_axis_name="c", subcore_axis_name="s"),
    scratch_types=(
        [pltpu.VMEM((_SEQ, _BPW), jnp.int32)]
        + [pltpu.VMEM((_BPW, _RS), jnp.float32) for _ in range(_NB)]
        + [pltpu.VMEM((_DIM, _OST), jnp.float32) for _ in range(_NO)]
        + [pltpu.SemaphoreType.DMA for _ in range(_NB + _NO)]
    ),
    compiler_params=pltpu.CompilerParams(use_tc_tiling_on_sc=False,
                                         needs_layout_passes=False),
)


@jax.jit
def kernel(x, table):
  xt = x.astype(jnp.int32).T
  tt = table.T
  tail = lax.slice(tt, (0, _VOCAB - _TC), (_DIM, _VOCAB))
  tr = _a_call(tt, tail).reshape(_VOCAB, _RS)
  out_t = _b_call(xt, tr)
  return out_t.transpose(2, 0, 1)

# --- scband reference (transcript-rebuilt; emitter-appended) ---
"""Pipeline reference for scband-embeddings-807453852446 (READ-ONLY COPY).

The authoritative reference and input builder live on the scoring server;
editing this copy changes nothing except your own understanding.
"""

import jax, jax.numpy as jnp
import numpy as np
import math

VOCAB = 1000000
DIM = 64

def setup_inputs(seed: int = 0) -> dict:
    key = jax.random.key(seed)
    k1, k2 = jax.random.split(key)
    x = jax.random.randint(k1, (4096, 200), 0, VOCAB, dtype=jnp.int64 if jax.config.jax_enable_x64 else jnp.int32)
    table = jax.random.normal(k2, (VOCAB, DIM), dtype=jnp.float32)
    return {"x": x, "table": table}

def reference(x, table):
    scale = math.sqrt(DIM)
    out = jnp.take(table, x, axis=0) * scale
    return out

if __name__ == "__main__":
    import jax
    _d = setup_inputs()
    print(jax.jit(kernel)(*tuple(_d.values())))

</pallas_src>

<mosaic_0001>
#map = affine_map<(d0, d1) -> (0, 0)>
#map1 = affine_map<(d0, d1) -> (0)>
module attributes {stable_mosaic.version = 14 : i64} {
  func.func @_a_body(%arg0: i32, %arg1: i32, %arg2: memref<64x1000000xf32, #tpu.memory_space<hbm>>, %arg3: memref<64x128xf32, #tpu.memory_space<hbm>>, %arg4: memref<64000000xf32, #tpu.memory_space<hbm>>, %arg5: memref<64x256xf32, #tpu.memory_space<vmem>>, %arg6: memref<64x256xf32, #tpu.memory_space<vmem>>, %arg7: memref<16384xf32, #tpu.memory_space<vmem>>, %arg8: memref<16384xf32, #tpu.memory_space<vmem>>, %arg9: memref<64x128xf32, #tpu.memory_space<vmem>>, %arg10: memref<8192xf32, #tpu.memory_space<vmem>>, %arg11: memref<!tpu.dma_semaphore, #tpu.memory_space<semaphore_mem>>, %arg12: memref<!tpu.dma_semaphore, #tpu.memory_space<semaphore_mem>>, %arg13: memref<!tpu.dma_semaphore, #tpu.memory_space<semaphore_mem>>, %arg14: memref<!tpu.dma_semaphore, #tpu.memory_space<semaphore_mem>>, %arg15: memref<!tpu.dma_semaphore, #tpu.memory_space<semaphore_mem>>, %arg16: memref<!tpu.dma_semaphore, #tpu.memory_space<semaphore_mem>>) attributes {dimension_semantics = [#tpu.dimension_semantics<core_parallel>, #tpu.dimension_semantics<subcore_parallel>], iteration_bounds = array<i64: 2, 16>, scalar_prefetch = 0 : i64, scratch_operands = 12 : i64, tpu.core_type = #tpu.core_type<sc_vector_subcore>, window_params = [{transform_indices = #map}, {transform_indices = #map}, {transform_indices = #map1}]} {
    %mul3A = arith.constant 2 : i32
    %mul3A_0 = arith.muli %arg1, %mul3A : i32
    %add3A = arith.addi %mul3A_0, %arg0 : i32
    %add3A_1 = arith.constant 0 : i32
    %add3A_2 = arith.addi %add3A, %add3A_1 : i32
    %lt3A = arith.constant 3906 : i32
    %lt3A_3 = arith.cmpi slt, %add3A_2, %lt3A : i32
    %convert_element_type3A = arith.extui %lt3A_3 : i1 to i32
    %cond3A = arith.constant 0 : i32
    %cond3A_4 = arith.cmpi ne, %convert_element_type3A, %cond3A : i32
    scf.if %cond3A_4 {
      %add3A_28 = arith.constant 0 : i32
      %add3A_29 = arith.addi %add3A, %add3A_28 : i32
      %mul3A_30 = arith.constant 256 : i32
      %mul3A_31 = arith.muli %add3A_29, %mul3A_30 : i32
      %dma_start3A = arith.constant 0 : i32
      %dma_start3A_32 = tpu.memref_slice %arg2[%dma_start3A, %mul3A_31] : memref<64x1000000xf32, #tpu.memory_space<hbm>> -> memref<64x256xf32, #tpu.memory_space<hbm>>
      %dma_start3A_33 = arith.constant 0 : i32
      %dma_start3A_34 = tpu.memref_slice %arg2[%dma_start3A_33, %mul3A_31] : memref<64x1000000xf32, #tpu.memory_space<hbm>> -> memref<64x256xf32, #tpu.memory_space<hbm>>
      tpu.enqueue_dma source(%dma_start3A_34 : memref<64x256xf32, #tpu.memory_space<hbm>>) target(%arg5 : memref<64x256xf32, #tpu.memory_space<vmem>>) target_semaphore(%arg11 : memref<!tpu.dma_semaphore, #tpu.memory_space<semaphore_mem>>)
    } else {
    }
    %add3A_5 = arith.constant 32 : i32
    %add3A_6 = arith.addi %add3A, %add3A_5 : i32
    %lt3A_7 = arith.constant 3906 : i32
    %lt3A_8 = arith.cmpi slt, %add3A_6, %lt3A_7 : i32
    %convert_element_type3A_9 = arith.extui %lt3A_8 : i1 to i32
    %cond3A_10 = arith.constant 0 : i32
    %cond3A_11 = arith.cmpi ne, %convert_element_type3A_9, %cond3A_10 : i32
    scf.if %cond3A_11 {
      %add3A_28 = arith.constant 32 : i32
      %add3A_29 = arith.addi %add3A, %add3A_28 : i32
      %mul3A_30 = arith.constant 256 : i32
      %mul3A_31 = arith.muli %add3A_29, %mul3A_30 : i32
      %dma_start3A = arith.constant 0 : i32
      %dma_start3A_32 = tpu.memref_slice %arg2[%dma_start3A, %mul3A_31] : memref<64x1000000xf32, #tpu.memory_space<hbm>> -> memref<64x256xf32, #tpu.memory_space<hbm>>
      %dma_start3A_33 = arith.constant 0 : i32
      %dma_start3A_34 = tpu.memref_slice %arg2[%dma_start3A_33, %mul3A_31] : memref<64x1000000xf32, #tpu.memory_space<hbm>> -> memref<64x256xf32, #tpu.memory_space<hbm>>
      tpu.enqueue_dma source(%dma_start3A_34 : memref<64x256xf32, #tpu.memory_space<hbm>>) target(%arg6 : memref<64x256xf32, #tpu.memory_space<vmem>>) target_semaphore(%arg12 : memref<!tpu.dma_semaphore, #tpu.memory_space<semaphore_mem>>)
    } else {
    }
    %scan3A = arith.constant 0 : i32
    %scan3A_12 = arith.constant 0 : i32
    %scan3A_13 = arith.constant 62 : i32
    %scan3A_14 = arith.addi %scan3A_12, %scan3A_13 : i32
    %scan3A_15 = arith.constant 1 : i32
    scf.for %scan3A_28 = %scan3A_12 to %scan3A_14 step %scan3A_15  : i32 {
      %mul3A_29 = arith.constant 2 : i32
      %mul3A_30 = arith.muli %scan3A_28, %mul3A_29 : i32
      %add3A_31 = arith.constant 0 : i32
      %add3A_32 = arith.addi %mul3A_30, %add3A_31 : i32
      %mul3A_33 = arith.constant 32 : i32
      %mul3A_34 = arith.muli %add3A_32, %mul3A_33 : i32
      %add3A_35 = arith.addi %add3A, %mul3A_34 : i32
      %lt3A_36 = arith.constant 3906 : i32
      %lt3A_37 = arith.cmpi slt, %add3A_35, %lt3A_36 : i32
      %convert_element_type3A_38 = arith.extui %lt3A_37 : i1 to i32
      %cond3A_39 = arith.constant 0 : i32
      %cond3A_40 = arith.cmpi ne, %convert_element_type3A_38, %cond3A_39 : i32
      scf.if %cond3A_40 {
        %dma_wait3A_53 = arith.constant 0 : i32
        %dma_wait3A_54 = arith.constant 0 : i32
        %dma_wait3A_55 = tpu.memref_slice %arg2[%dma_wait3A_53, %dma_wait3A_54] : memref<64x1000000xf32, #tpu.memory_space<hbm>> -> memref<64x256xf32, #tpu.memory_space<hbm>>
        %dma_wait3A_56 = arith.constant 0 : i32
        %dma_wait3A_57 = arith.constant 0 : i32
        %dma_wait3A_58 = tpu.memref_slice %arg2[%dma_wait3A_56, %dma_wait3A_57] : memref<64x1000000xf32, #tpu.memory_space<hbm>> -> memref<64x256xf32, #tpu.memory_space<hbm>>
        tpu.wait_dma2 semaphore(%arg11 : memref<!tpu.dma_semaphore, #tpu.memory_space<semaphore_mem>>) src(%dma_wait3A_58 : memref<64x256xf32, #tpu.memory_space<hbm>>) dst(%arg5 : memref<64x256xf32, #tpu.memory_space<vmem>>)
        %ge3A = arith.constant 2 : i32
        %ge3A_59 = arith.cmpi sge, %add3A_32, %ge3A : i32
        %convert_element_type3A_60 = arith.extui %ge3A_59 : i1 to i32
        %cond3A_61 = arith.constant 0 : i32
        %cond3A_62 = arith.cmpi ne, %convert_element_type3A_60, %cond3A_61 : i32
        scf.if %cond3A_62 {
          %dma_wait3A_95 = arith.constant 0 : i32
          %dma_wait3A_96 = tpu.memref_slice %arg4[%dma_wait3A_95] : memref<64000000xf32, #tpu.memory_space<hbm>> -> memref<16384xf32, #tpu.memory_space<hbm>>
          %dma_wait3A_97 = arith.constant 0 : i32
          %dma_wait3A_98 = tpu.memref_slice %arg4[%dma_wait3A_97] : memref<64000000xf32, #tpu.memory_space<hbm>> -> memref<16384xf32, #tpu.memory_space<hbm>>
          tpu.wait_dma2 semaphore(%arg13 : memref<!tpu.dma_semaphore, #tpu.memory_space<semaphore_mem>>) src(%arg7 : memref<16384xf32, #tpu.memory_space<vmem>>) dst(%dma_wait3A_98 : memref<16384xf32, #tpu.memory_space<hbm>>)
        } else {
        }
        %iota3A = tpu.iota {dimensions = array<i32: 0>} : vector<16xi32>
        %add3A_63 = arith.constant 0 : i32
        %add3A_64 = vector.broadcast %add3A_63 : i32 to vector<16xi32>
        %add3A_65 = arith.addi %iota3A, %add3A_64 : vector<16xi32>
        %iota3A_66 = tpu.iota {dimensions = array<i32: 0>} : vector<16xi32>
        %add3A_67 = arith.constant 16 : i32
        %add3A_68 = vector.broadcast %add3A_67 : i32 to vector<16xi32>
        %add3A_69 = arith.addi %iota3A_66, %add3A_68 : vector<16xi32>
        %iota3A_70 = tpu.iota {dimensions = array<i32: 0>} : vector<16xi32>
        %add3A_71 = arith.constant 32 : i32
        %add3A_72 = vector.broadcast %add3A_71 : i32 to vector<16xi32>
        %add3A_73 = arith.addi %iota3A_70, %add3A_72 : vector<16xi32>
        %iota3A_74 = tpu.iota {dimensions = array<i32: 0>} : vector<16xi32>
        %add3A_75 = arith.constant 48 : i32
        %add3A_76 = vector.broadcast %add3A_75 : i32 to vector<16xi32>
        %add3A_77 = arith.addi %iota3A_74, %add3A_76 : vector<16xi32>
        %parallel_loop3A = arith.constant 0 : i32
        %parallel_loop3A_78 = arith.constant 256 : i32
        %parallel_loop3A_79 = arith.constant 1 : i32
        scf.for %parallel_loop3A_95 = %parallel_loop3A to %parallel_loop3A_78 step %parallel_loop3A_79  : i32 {
          %parallel_loop3A_96 = vector.broadcast %parallel_loop3A_95 : i32 to vector<16xi32>
          %parallel_loop3A_97 = tpu.vector_load_idx %arg5[%add3A_65, %parallel_loop3A_96] : memref<64x256xf32, #tpu.memory_space<vmem>>[vector<16xi32>, vector<16xi32>], vector<16xf32>,
          %parallel_loop3A_98 = arith.constant 64 : i32
          %parallel_loop3A_99 = arith.muli %parallel_loop3A_95, %parallel_loop3A_98 : i32
          %parallel_loop3A_100 = arith.constant 0 : i32
          %parallel_loop3A_101 = arith.addi %parallel_loop3A_99, %parallel_loop3A_100 : i32
          %parallel_loop3A_102 = arith.index_cast %parallel_loop3A_101 : i32 to index
          %parallel_loop3A_103 = tpu.vector_load %arg7[%parallel_loop3A_102] {strides = array<i32>} : memref<16384xf32, #tpu.memory_space<vmem>>, vector<16xf32>,
          tpu.vector_store %arg7[%parallel_loop3A_102], %parallel_loop3A_97 {strides = array<i32>} : memref<16384xf32, #tpu.memory_space<vmem>>, vector<16xf32>,
          %parallel_loop3A_104 = tpu.vector_load_idx %arg5[%add3A_69, %parallel_loop3A_96] : memref<64x256xf32, #tpu.memory_space<vmem>>[vector<16xi32>, vector<16xi32>], vector<16xf32>,
          %parallel_loop3A_105 = arith.constant 64 : i32
          %parallel_loop3A_106 = arith.muli %parallel_loop3A_95, %parallel_loop3A_105 : i32
          %parallel_loop3A_107 = arith.constant 16 : i32
          %parallel_loop3A_108 = arith.addi %parallel_loop3A_106, %parallel_loop3A_107 : i32
          %parallel_loop3A_109 = arith.index_cast %parallel_loop3A_108 : i32 to index
          %parallel_loop3A_110 = tpu.vector_load %arg7[%parallel_loop3A_109] {strides = array<i32>} : memref<16384xf32, #tpu.memory_space<vmem>>, vector<16xf32>,
          tpu.vector_store %arg7[%parallel_loop3A_109], %parallel_loop3A_104 {strides = array<i32>} : memref<16384xf32, #tpu.memory_space<vmem>>, vector<16xf32>,
          %parallel_loop3A_111 = tpu.vector_load_idx %arg5[%add3A_73, %parallel_loop3A_96] : memref<64x256xf32, #tpu.memory_space<vmem>>[vector<16xi32>, vector<16xi32>], vector<16xf32>,
          %parallel_loop3A_112 = arith.constant 64 : i32
          %parallel_loop3A_113 = arith.muli %parallel_loop3A_95, %parallel_loop3A_112 : i32
          %parallel_loop3A_114 = arith.constant 32 : i32
          %parallel_loop3A_115 = arith.addi %parallel_loop3A_113, %parallel_loop3A_114 : i32
          %parallel_loop3A_116 = arith.index_cast %parallel_loop3A_115 : i32 to index
          %parallel_loop3A_117 = tpu.vector_load %arg7[%parallel_loop3A_116] {strides = array<i32>} : memref<16384xf32, #tpu.memory_space<vmem>>, vector<16xf32>,
          tpu.vector_store %arg7[%parallel_loop3A_116], %parallel_loop3A_111 {strides = array<i32>} : memref<16384xf32, #tpu.memory_space<vmem>>, vector<16xf32>,
          %parallel_loop3A_118 = tpu.vector_load_idx %arg5[%add3A_77, %parallel_loop3A_96] : memref<64x256xf32, #tpu.memory_space<vmem>>[vector<16xi32>, vector<16xi32>], vector<16xf32>,
          %parallel_loop3A_119 = arith.constant 64 : i32
          %parallel_loop3A_120 = arith.muli %parallel_loop3A_95, %parallel_loop3A_119 : i32
          %parallel_loop3A_121 = arith.constant 48 : i32
          %parallel_loop3A_122 = arith.addi %parallel_loop3A_120, %parallel_loop3A_121 : i32
          %parallel_loop3A_123 = arith.index_cast %parallel_loop3A_122 : i32 to index
          %parallel_loop3A_124 = tpu.vector_load %arg7[%parallel_loop3A_123] {strides = array<i32>} : memref<16384xf32, #tpu.memory_space<vmem>>, vector<16xf32>,
          tpu.vector_store %arg7[%parallel_loop3A_123], %parallel_loop3A_118 {strides = array<i32>} : memref<16384xf32, #tpu.memory_space<vmem>>, vector<16xf32>,
        } {sc.loop_unroll_factor = 4 : i64, sc.parallel_access}
        %add3A_80 = arith.constant 2 : i32
        %add3A_81 = arith.addi %add3A_32, %add3A_80 : i32
        %mul3A_82 = arith.constant 32 : i32
        %mul3A_83 = arith.muli %add3A_81, %mul3A_82 : i32
        %add3A_84 = arith.addi %add3A, %mul3A_83 : i32
        %lt3A_85 = arith.constant 3906 : i32
        %lt3A_86 = arith.cmpi slt, %add3A_84, %lt3A_85 : i32
        %convert_element_type3A_87 = arith.extui %lt3A_86 : i1 to i32
        %cond3A_88 = arith.constant 0 : i32
        %cond3A_89 = arith.cmpi ne, %convert_element_type3A_87, %cond3A_88 : i32
        scf.if %cond3A_89 {
          %add3A_95 = arith.constant 2 : i32
          %add3A_96 = arith.addi %add3A_32, %add3A_95 : i32
          %mul3A_97 = arith.constant 32 : i32
          %mul3A_98 = arith.muli %add3A_96, %mul3A_97 : i32
          %add3A_99 = arith.addi %add3A, %mul3A_98 : i32
          %mul3A_100 = arith.constant 256 : i32
          %mul3A_101 = arith.muli %add3A_99, %mul3A_100 : i32
          %dma_start3A_102 = arith.constant 0 : i32
          %dma_start3A_103 = tpu.memref_slice %arg2[%dma_start3A_102, %mul3A_101] : memref<64x1000000xf32, #tpu.memory_space<hbm>> -> memref<64x256xf32, #tpu.memory_space<hbm>>
          %dma_start3A_104 = arith.constant 0 : i32
          %dma_start3A_105 = tpu.memref_slice %arg2[%dma_start3A_104, %mul3A_101] : memref<64x1000000xf32, #tpu.memory_space<hbm>> -> memref<64x256xf32, #tpu.memory_space<hbm>>
          tpu.enqueue_dma source(%dma_start3A_105 : memref<64x256xf32, #tpu.memory_space<hbm>>) target(%arg5 : memref<64x256xf32, #tpu.memory_space<vmem>>) target_semaphore(%arg11 : memref<!tpu.dma_semaphore, #tpu.memory_space<semaphore_mem>>)
        } else {
        }
        %mul3A_90 = arith.constant 256 : i32
        %mul3A_91 = arith.muli %add3A_35, %mul3A_90 : i32
        %mul3A_92 = arith.constant 64 : i32
        %mul3A_93 = arith.muli %mul3A_91, %mul3A_92 : i32
        %dma_start3A = tpu.memref_slice %arg4[%mul3A_93] : memref<64000000xf32, #tpu.memory_space<hbm>> -> memref<16384xf32, #tpu.memory_space<hbm>>
        %dma_start3A_94 = tpu.memref_slice %arg4[%mul3A_93] : memref<64000000xf32, #tpu.memory_space<hbm>> -> memref<16384xf32, #tpu.memory_space<hbm>>
        tpu.enqueue_dma source(%arg7 : memref<16384xf32, #tpu.memory_space<vmem>>) target(%dma_start3A_94 : memref<16384xf32, #tpu.memory_space<hbm>>) target_semaphore(%arg13 : memref<!tpu.dma_semaphore, #tpu.memory_space<semaphore_mem>>)
      } else {
      }
      %mul3A_41 = arith.constant 2 : i32
      %mul3A_42 = arith.muli %scan3A_28, %mul3A_41 : i32
      %add3A_43 = arith.constant 1 : i32
      %add3A_44 = arith.addi %mul3A_42, %add3A_43 : i32
      %mul3A_45 = arith.constant 32 : i32
      %mul3A_46 = arith.muli %add3A_44, %mul3A_45 : i32
      %add3A_47 = arith.addi %add3A, %mul3A_46 : i32
      %lt3A_48 = arith.constant 3906 : i32
      %lt3A_49 = arith.cmpi slt, %add3A_47, %lt3A_48 : i32
      %convert_element_type3A_50 = arith.extui %lt3A_49 : i1 to i32
      %cond3A_51 = arith.constant 0 : i32
      %cond3A_52 = arith.cmpi ne, %convert_element_type3A_50, %cond3A_51 : i32
      scf.if %cond3A_52 {
        %dma_wait3A_53 = arith.constant 0 : i32
        %dma_wait3A_54 = arith.constant 0 : i32
        %dma_wait3A_55 = tpu.memref_slice %arg2[%dma_wait3A_53, %dma_wait3A_54] : memref<64x1000000xf32, #tpu.memory_space<hbm>> -> memref<64x256xf32, #tpu.memory_space<hbm>>
        %dma_wait3A_56 = arith.constant 0 : i32
        %dma_wait3A_57 = arith.constant 0 : i32
        %dma_wait3A_58 = tpu.memref_slice %arg2[%dma_wait3A_56, %dma_wait3A_57] : memref<64x1000000xf32, #tpu.memory_space<hbm>> -> memref<64x256xf32, #tpu.memory_space<hbm>>
        tpu.wait_dma2 semaphore(%arg12 : memref<!tpu.dma_semaphore, #tpu.memory_space<semaphore_mem>>) src(%dma_wait3A_58 : memref<64x256xf32, #tpu.memory_space<hbm>>) dst(%arg6 : memref<64x256xf32, #tpu.memory_space<vmem>>)
        %ge3A = arith.constant 2 : i32
        %ge3A_59 = arith.cmpi sge, %add3A_44, %ge3A : i32
        %convert_element_type3A_60 = arith.extui %ge3A_59 : i1 to i32
        %cond3A_61 = arith.constant 0 : i32
        %cond3A_62 = arith.cmpi ne, %convert_element_type3A_60, %cond3A_61 : i32
        scf.if %cond3A_62 {
          %dma_wait3A_95 = arith.constant 0 : i32
          %dma_wait3A_96 = tpu.memref_slice %arg4[%dma_wait3A_95] : memref<64000000xf32, #tpu.memory_space<hbm>> -> memref<16384xf32, #tpu.memory_space<hbm>>
          %dma_wait3A_97 = arith.constant 0 : i32
          %dma_wait3A_98 = tpu.memref_slice %arg4[%dma_wait3A_97] : memref<64000000xf32, #tpu.memory_space<hbm>> -> memref<16384xf32, #tpu.memory_space<hbm>>
          tpu.wait_dma2 semaphore(%arg14 : memref<!tpu.dma_semaphore, #tpu.memory_space<semaphore_mem>>) src(%arg8 : memref<16384xf32, #tpu.memory_space<vmem>>) dst(%dma_wait3A_98 : memref<16384xf32, #tpu.memory_space<hbm>>)
        } else {
        }
        %iota3A = tpu.iota {dimensions = array<i32: 0>} : vector<16xi32>
        %add3A_63 = arith.constant 0 : i32
        %add3A_64 = vector.broadcast %add3A_63 : i32 to vector<16xi32>
        %add3A_65 = arith.addi %iota3A, %add3A_64 : vector<16xi32>
        %iota3A_66 = tpu.iota {dimensions = array<i32: 0>} : vector<16xi32>
        %add3A_67 = arith.constant 16 : i32
        %add3A_68 = vector.broadcast %add3A_67 : i32 to vector<16xi32>
        %add3A_69 = arith.addi %iota3A_66, %add3A_68 : vector<16xi32>
        %iota3A_70 = tpu.iota {dimensions = array<i32: 0>} : vector<16xi32>
        %add3A_71 = arith.constant 32 : i32
        %add3A_72 = vector.broadcast %add3A_71 : i32 to vector<16xi32>
        %add3A_73 = arith.addi %iota3A_70, %add3A_72 : vector<16xi32>
        %iota3A_74 = tpu.iota {dimensions = array<i32: 0>} : vector<16xi32>
        %add3A_75 = arith.constant 48 : i32
        %add3A_76 = vector.broadcast %add3A_75 : i32 to vector<16xi32>
        %add3A_77 = arith.addi %iota3A_74, %add3A_76 : vector<16xi32>
        %parallel_loop3A = arith.constant 0 : i32
        %parallel_loop3A_78 = arith.constant 256 : i32
        %parallel_loop3A_79 = arith.constant 1 : i32
        scf.for %parallel_loop3A_95 = %parallel_loop3A to %parallel_loop3A_78 step %parallel_loop3A_79  : i32 {
          %parallel_loop3A_96 = vector.broadcast %parallel_loop3A_95 : i32 to vector<16xi32>
          %parallel_loop3A_97 = tpu.vector_load_idx %arg6[%add3A_65, %parallel_loop3A_96] : memref<64x256xf32, #tpu.memory_space<vmem>>[vector<16xi32>, vector<16xi32>], vector<16xf32>,
          %parallel_loop3A_98 = arith.constant 64 : i32
          %parallel_loop3A_99 = arith.muli %parallel_loop3A_95, %parallel_loop3A_98 : i32
          %parallel_loop3A_100 = arith.constant 0 : i32
          %parallel_loop3A_101 = arith.addi %parallel_loop3A_99, %parallel_loop3A_100 : i32
          %parallel_loop3A_102 = arith.index_cast %parallel_loop3A_101 : i32 to index
          %parallel_loop3A_103 = tpu.vector_load %arg8[%parallel_loop3A_102] {strides = array<i32>} : memref<16384xf32, #tpu.memory_space<vmem>>, vector<16xf32>,
          tpu.vector_store %arg8[%parallel_loop3A_102], %parallel_loop3A_97 {strides = array<i32>} : memref<16384xf32, #tpu.memory_space<vmem>>, vector<16xf32>,
          %parallel_loop3A_104 = tpu.vector_load_idx %arg6[%add3A_69, %parallel_loop3A_96] : memref<64x256xf32, #tpu.memory_space<vmem>>[vector<16xi32>, vector<16xi32>], vector<16xf32>,
          %parallel_loop3A_105 = arith.constant 64 : i32
          %parallel_loop3A_106 = arith.muli %parallel_loop3A_95, %parallel_loop3A_105 : i32
          %parallel_loop3A_107 = arith.constant 16 : i32
          %parallel_loop3A_108 = arith.addi %parallel_loop3A_106, %parallel_loop3A_107 : i32
          %parallel_loop3A_109 = arith.index_cast %parallel_loop3A_108 : i32 to index
          %parallel_loop3A_110 = tpu.vector_load %arg8[%parallel_loop3A_109] {strides = array<i32>} : memref<16384xf32, #tpu.memory_space<vmem>>, vector<16xf32>,
          tpu.vector_store %arg8[%parallel_loop3A_109], %parallel_loop3A_104 {strides = array<i32>} : memref<16384xf32, #tpu.memory_space<vmem>>, vector<16xf32>,
          %parallel_loop3A_111 = tpu.vector_load_idx %arg6[%add3A_73, %parallel_loop3A_96] : memref<64x256xf32, #tpu.memory_space<vmem>>[vector<16xi32>, vector<16xi32>], vector<16xf32>,
          %parallel_loop3A_112 = arith.constant 64 : i32
          %parallel_loop3A_113 = arith.muli %parallel_loop3A_95, %parallel_loop3A_112 : i32
          %parallel_loop3A_114 = arith.constant 32 : i32
          %parallel_loop3A_115 = arith.addi %parallel_loop3A_113, %parallel_loop3A_114 : i32
          %parallel_loop3A_116 = arith.index_cast %parallel_loop3A_115 : i32 to index
          %parallel_loop3A_117 = tpu.vector_load %arg8[%parallel_loop3A_116] {strides = array<i32>} : memref<16384xf32, #tpu.memory_space<vmem>>, vector<16xf32>,
          tpu.vector_store %arg8[%parallel_loop3A_116], %parallel_loop3A_111 {strides = array<i32>} : memref<16384xf32, #tpu.memory_space<vmem>>, vector<16xf32>,
          %parallel_loop3A_118 = tpu.vector_load_idx %arg6[%add3A_77, %parallel_loop3A_96] : memref<64x256xf32, #tpu.memory_space<vmem>>[vector<16xi32>, vector<16xi32>], vector<16xf32>,
          %parallel_loop3A_119 = arith.constant 64 : i32
          %parallel_loop3A_120 = arith.muli %parallel_loop3A_95, %parallel_loop3A_119 : i32
          %parallel_loop3A_121 = arith.constant 48 : i32
          %parallel_loop3A_122 = arith.addi %parallel_loop3A_120, %parallel_loop3A_121 : i32
          %parallel_loop3A_123 = arith.index_cast %parallel_loop3A_122 : i32 to index
          %parallel_loop3A_124 = tpu.vector_load %arg8[%parallel_loop3A_123] {strides = array<i32>} : memref<16384xf32, #tpu.memory_space<vmem>>, vector<16xf32>,
          tpu.vector_store %arg8[%parallel_loop3A_123], %parallel_loop3A_118 {strides = array<i32>} : memref<16384xf32, #tpu.memory_space<vmem>>, vector<16xf32>,
        } {sc.loop_unroll_factor = 4 : i64, sc.parallel_access}
        %add3A_80 = arith.constant 2 : i32
        %add3A_81 = arith.addi %add3A_44, %add3A_80 : i32
        %mul3A_82 = arith.constant 32 : i32
        %mul3A_83 = arith.muli %add3A_81, %mul3A_82 : i32
        %add3A_84 = arith.addi %add3A, %mul3A_83 : i32
        %lt3A_85 = arith.constant 3906 : i32
        %lt3A_86 = arith.cmpi slt, %add3A_84, %lt3A_85 : i32
        %convert_element_type3A_87 = arith.extui %lt3A_86 : i1 to i32
        %cond3A_88 = arith.constant 0 : i32
        %cond3A_89 = arith.cmpi ne, %convert_element_type3A_87, %cond3A_88 : i32
        scf.if %cond3A_89 {
          %add3A_95 = arith.constant 2 : i32
          %add3A_96 = arith.addi %add3A_44, %add3A_95 : i32
          %mul3A_97 = arith.constant 32 : i32
          %mul3A_98 = arith.muli %add3A_96, %mul3A_97 : i32
          %add3A_99 = arith.addi %add3A, %mul3A_98 : i32
          %mul3A_100 = arith.constant 256 : i32
          %mul3A_101 = arith.muli %add3A_99, %mul3A_100 : i32
          %dma_start3A_102 = arith.constant 0 : i32
          %dma_start3A_103 = tpu.memref_slice %arg2[%dma_start3A_102, %mul3A_101] : memref<64x1000000xf32, #tpu.memory_space<hbm>> -> memref<64x256xf32, #tpu.memory_space<hbm>>
          %dma_start3A_104 = arith.constant 0 : i32
          %dma_start3A_105 = tpu.memref_slice %arg2[%dma_start3A_104, %mul3A_101] : memref<64x1000000xf32, #tpu.memory_space<hbm>> -> memref<64x256xf32, #tpu.memory_space<hbm>>
          tpu.enqueue_dma source(%dma_start3A_105 : memref<64x256xf32, #tpu.memory_space<hbm>>) target(%arg6 : memref<64x256xf32, #tpu.memory_space<vmem>>) target_semaphore(%arg12 : memref<!tpu.dma_semaphore, #tpu.memory_space<semaphore_mem>>)
        } else {
        }
        %mul3A_90 = arith.constant 256 : i32
        %mul3A_91 = arith.muli %add3A_47, %mul3A_90 : i32
        %mul3A_92 = arith.constant 64 : i32
        %mul3A_93 = arith.muli %mul3A_91, %mul3A_92 : i32
        %dma_start3A = tpu.memref_slice %arg4[%mul3A_93] : memref<64000000xf32, #tpu.memory_space<hbm>> -> memref<16384xf32, #tpu.memory_space<hbm>>
        %dma_start3A_94 = tpu.memref_slice %arg4[%mul3A_93] : memref<64000000xf32, #tpu.memory_space<hbm>> -> memref<16384xf32, #tpu.memory_space<hbm>>
        tpu.enqueue_dma source(%arg8 : memref<16384xf32, #tpu.memory_space<vmem>>) target(%dma_start3A_94 : memref<16384xf32, #tpu.memory_space<hbm>>) target_semaphore(%arg14 : memref<!tpu.dma_semaphore, #tpu.memory_space<semaphore_mem>>)
      } else {
      }
    }
    %scan3A_16 = arith.constant 62 : i32
    %eq3A = arith.constant 31 : i32
    %eq3A_17 = arith.cmpi eq, %add3A, %eq3A : i32
    %convert_element_type3A_18 = arith.extui %eq3A_17 : i1 to i32
    %cond3A_19 = arith.constant 0 : i32
    %cond3A_20 = arith.cmpi ne, %convert_element_type3A_18, %cond3A_19 : i32
    scf.if %cond3A_20 {
      tpu.enqueue_dma source(%arg3 : memref<64x128xf32, #tpu.memory_space<hbm>>) target(%arg9 : memref<64x128xf32, #tpu.memory_space<vmem>>) target_semaphore(%arg15 : memref<!tpu.dma_semaphore, #tpu.memory_space<semaphore_mem>>)
      tpu.wait_dma2 semaphore(%arg15 : memref<!tpu.dma_semaphore, #tpu.memory_space<semaphore_mem>>) src(%arg3 : memref<64x128xf32, #tpu.memory_space<hbm>>) dst(%arg9 : memref<64x128xf32, #tpu.memory_space<vmem>>)
      %iota3A = tpu.iota {dimensions = array<i32: 0>} : vector<16xi32>
      %add3A_28 = arith.constant 0 : i32
      %add3A_29 = vector.broadcast %add3A_28 : i32 to vector<16xi32>
      %add3A_30 = arith.addi %iota3A, %add3A_29 : vector<16xi32>
      %iota3A_31 = tpu.iota {dimensions = array<i32: 0>} : vector<16xi32>
      %add3A_32 = arith.constant 16 : i32
      %add3A_33 = vector.broadcast %add3A_32 : i32 to vector<16xi32>
      %add3A_34 = arith.addi %iota3A_31, %add3A_33 : vector<16xi32>
      %iota3A_35 = tpu.iota {dimensions = array<i32: 0>} : vector<16xi32>
      %add3A_36 = arith.constant 32 : i32
      %add3A_37 = vector.broadcast %add3A_36 : i32 to vector<16xi32>
      %add3A_38 = arith.addi %iota3A_35, %add3A_37 : vector<16xi32>
      %iota3A_39 = tpu.iota {dimensions = array<i32: 0>} : vector<16xi32>
      %add3A_40 = arith.constant 48 : i32
      %add3A_41 = vector.broadcast %add3A_40 : i32 to vector<16xi32>
      %add3A_42 = arith.addi %iota3A_39, %add3A_41 : vector<16xi32>
      %parallel_loop3A = arith.constant 0 : i32
      %parallel_loop3A_43 = arith.constant 128 : i32
      %parallel_loop3A_44 = arith.constant 1 : i32
      scf.for %parallel_loop3A_52 = %parallel_loop3A to %parallel_loop3A_43 step %parallel_loop3A_44  : i32 {
        %parallel_loop3A_53 = vector.broadcast %parallel_loop3A_52 : i32 to vector<16xi32>
        %parallel_loop3A_54 = tpu.vector_load_idx %arg9[%add3A_30, %parallel_loop3A_53] : memref<64x128xf32, #tpu.memory_space<vmem>>[vector<16xi32>, vector<16xi32>], vector<16xf32>,
        %parallel_loop3A_55 = arith.constant 64 : i32
        %parallel_loop3A_56 = arith.muli %parallel_loop3A_52, %parallel_loop3A_55 : i32
        %parallel_loop3A_57 = arith.constant 0 : i32
        %parallel_loop3A_58 = arith.addi %parallel_loop3A_56, %parallel_loop3A_57 : i32
        %parallel_loop3A_59 = arith.index_cast %parallel_loop3A_58 : i32 to index
        %parallel_loop3A_60 = tpu.vector_load %arg10[%parallel_loop3A_59] {strides = array<i32>} : memref<8192xf32, #tpu.memory_space<vmem>>, vector<16xf32>,
        tpu.vector_store %arg10[%parallel_loop3A_59], %parallel_loop3A_54 {strides = array<i32>} : memref<8192xf32, #tpu.memory_space<vmem>>, vector<16xf32>,
        %parallel_loop3A_61 = tpu.vector_load_idx %arg9[%add3A_34, %parallel_loop3A_53] : memref<64x128xf32, #tpu.memory_space<vmem>>[vector<16xi32>, vector<16xi32>], vector<16xf32>,
        %parallel_loop3A_62 = arith.constant 64 : i32
        %parallel_loop3A_63 = arith.muli %parallel_loop3A_52, %parallel_loop3A_62 : i32
        %parallel_loop3A_64 = arith.constant 16 : i32
        %parallel_loop3A_65 = arith.addi %parallel_loop3A_63, %parallel_loop3A_64 : i32
        %parallel_loop3A_66 = arith.index_cast %parallel_loop3A_65 : i32 to index
        %parallel_loop3A_67 = tpu.vector_load %arg10[%parallel_loop3A_66] {strides = array<i32>} : memref<8192xf32, #tpu.memory_space<vmem>>, vector<16xf32>,
        tpu.vector_store %arg10[%parallel_loop3A_66], %parallel_loop3A_61 {strides = array<i32>} : memref<8192xf32, #tpu.memory_space<vmem>>, vector<16xf32>,
        %parallel_loop3A_68 = tpu.vector_load_idx %arg9[%add3A_38, %parallel_loop3A_53] : memref<64x128xf32, #tpu.memory_space<vmem>>[vector<16xi32>, vector<16xi32>], vector<16xf32>,
        %parallel_loop3A_69 = arith.constant 64 : i32
        %parallel_loop3A_70 = arith.muli %parallel_loop3A_52, %parallel_loop3A_69 : i32
        %parallel_loop3A_71 = arith.constant 32 : i32
        %parallel_loop3A_72 = arith.addi %parallel_loop3A_70, %parallel_loop3A_71 : i32
        %parallel_loop3A_73 = arith.index_cast %parallel_loop3A_72 : i32 to index
        %parallel_loop3A_74 = tpu.vector_load %arg10[%parallel_loop3A_73] {strides = array<i32>} : memref<8192xf32, #tpu.memory_space<vmem>>, vector<16xf32>,
        tpu.vector_store %arg10[%parallel_loop3A_73], %parallel_loop3A_68 {strides = array<i32>} : memref<8192xf32, #tpu.memory_space<vmem>>, vector<16xf32>,
        %parallel_loop3A_75 = tpu.vector_load_idx %arg9[%add3A_42, %parallel_loop3A_53] : memref<64x128xf32, #tpu.memory_space<vmem>>[vector<16xi32>, vector<16xi32>], vector<16xf32>,
        %parallel_loop3A_76 = arith.constant 64 : i32
        %parallel_loop3A_77 = arith.muli %parallel_loop3A_52, %parallel_loop3A_76 : i32
        %parallel_loop3A_78 = arith.constant 48 : i32
        %parallel_loop3A_79 = arith.addi %parallel_loop3A_77, %parallel_loop3A_78 : i32
        %parallel_loop3A_80 = arith.index_cast %parallel_loop3A_79 : i32 to index
        %parallel_loop3A_81 = tpu.vector_load %arg10[%parallel_loop3A_80] {strides = array<i32>} : memref<8192xf32, #tpu.memory_space<vmem>>, vector<16xf32>,
        tpu.vector_store %arg10[%parallel_loop3A_80], %parallel_loop3A_75 {strides = array<i32>} : memref<8192xf32, #tpu.memory_space<vmem>>, vector<16xf32>,
      } {sc.loop_unroll_factor = 4 : i64, sc.parallel_access}
      %dma_start3A = arith.constant 63991808 : i32
      %dma_start3A_45 = tpu.memref_slice %arg4[%dma_start3A] : memref<64000000xf32, #tpu.memory_space<hbm>> -> memref<8192xf32, #tpu.memory_space<hbm>>
      %dma_start3A_46 = arith.constant 63991808 : i32
      %dma_start3A_47 = tpu.memref_slice %arg4[%dma_start3A_46] : memref<64000000xf32, #tpu.memory_space<hbm>> -> memref<8192xf32, #tpu.memory_space<hbm>>
      tpu.enqueue_dma source(%arg10 : memref<8192xf32, #tpu.memory_space<vmem>>) target(%dma_start3A_47 : memref<8192xf32, #tpu.memory_space<hbm>>) target_semaphore(%arg16 : memref<!tpu.dma_semaphore, #tpu.memory_space<semaphore_mem>>)
      %dma_wait3A_48 = arith.constant 0 : i32
      %dma_wait3A_49 = tpu.memref_slice %arg4[%dma_wait3A_48] : memref<64000000xf32, #tpu.memory_space<hbm>> -> memref<8192xf32, #tpu.memory_space<hbm>>
      %dma_wait3A_50 = arith.constant 0 : i32
      %dma_wait3A_51 = tpu.memref_slice %arg4[%dma_wait3A_50] : memref<64000000xf32, #tpu.memory_space<hbm>> -> memref<8192xf32, #tpu.memory_space<hbm>>
      tpu.wait_dma2 semaphore(%arg16 : memref<!tpu.dma_semaphore, #tpu.memory_space<semaphore_mem>>) src(%arg10 : memref<8192xf32, #tpu.memory_space<vmem>>) dst(%dma_wait3A_51 : memref<8192xf32, #tpu.memory_space<hbm>>)
    } else {
    }
    %dma_wait3A = arith.constant 0 : i32
    %dma_wait3A_21 = tpu.memref_slice %arg4[%dma_wait3A] : memref<64000000xf32, #tpu.memory_space<hbm>> -> memref<16384xf32, #tpu.memory_space<hbm>>
    %dma_wait3A_22 = arith.constant 0 : i32
    %dma_wait3A_23 = tpu.memref_slice %arg4[%dma_wait3A_22] : memref<64000000xf32, #tpu.memory_space<hbm>> -> memref<16384xf32, #tpu.memory_space<hbm>>
    tpu.wait_dma2 semaphore(%arg13 : memref<!tpu.dma_semaphore, #tpu.memory_space<semaphore_mem>>) src(%arg7 : memref<16384xf32, #tpu.memory_space<vmem>>) dst(%dma_wait3A_23 : memref<16384xf32, #tpu.memory_space<hbm>>)
    %dma_wait3A_24 = arith.constant 0 : i32
    %dma_wait3A_25 = tpu.memref_slice %arg4[%dma_wait3A_24] : memref<64000000xf32, #tpu.memory_space<hbm>> -> memref<16384xf32, #tpu.memory_space<hbm>>
    %dma_wait3A_26 = arith.constant 0 : i32
    %dma_wait3A_27 = tpu.memref_slice %arg4[%dma_wait3A_26] : memref<64000000xf32, #tpu.memory_space<hbm>> -> memref<16384xf32, #tpu.memory_space<hbm>>
    tpu.wait_dma2 semaphore(%arg14 : memref<!tpu.dma_semaphore, #tpu.memory_space<semaphore_mem>>) src(%arg8 : memref<16384xf32, #tpu.memory_space<vmem>>) dst(%dma_wait3A_27 : memref<16384xf32, #tpu.memory_space<hbm>>)
    return
  }
}

#map = affine_map<(d0, d1) -> (0, 0)>
#map1 = affine_map<(d0, d1) -> (0, 0, 0)>
module attributes {stable_mosaic.version = 14 : i64} {
  func.func @_b_body(%arg0: i32, %arg1: i32, %arg2: memref<200x4096xi32, #tpu.memory_space<hbm>>, %arg3: memref<1000000x64xf32, #tpu.memory_space<hbm>>, %arg4: memref<200x64x4096xf32, #tpu.memory_space<hbm>>, %arg5: memref<200x128xi32, #tpu.memory_space<vmem>>, %arg6: memref<128x64xf32, #tpu.memory_space<vmem>>, %arg7: memref<128x64xf32, #tpu.memory_space<vmem>>, %arg8: memref<128x64xf32, #tpu.memory_space<vmem>>, %arg9: memref<128x64xf32, #tpu.memory_space<vmem>>, %arg10: memref<64x129xf32, #tpu.memory_space<vmem>>, %arg11: memref<64x129xf32, #tpu.memory_space<vmem>>, %arg12: memref<!tpu.dma_semaphore, #tpu.memory_space<semaphore_mem>>, %arg13: memref<!tpu.dma_semaphore, #tpu.memory_space<semaphore_mem>>, %arg14: memref<!tpu.dma_semaphore, #tpu.memory_space<semaphore_mem>>, %arg15: memref<!tpu.dma_semaphore, #tpu.memory_space<semaphore_mem>>, %arg16: memref<!tpu.dma_semaphore, #tpu.memory_space<semaphore_mem>>, %arg17: memref<!tpu.dma_semaphore, #tpu.memory_space<semaphore_mem>>) attributes {dimension_semantics = [#tpu.dimension_semantics<core_parallel>, #tpu.dimension_semantics<subcore_parallel>], iteration_bounds = array<i64: 2, 16>, scalar_prefetch = 0 : i64, scratch_operands = 13 : i64, tpu.core_type = #tpu.core_type<sc_vector_subcore>, window_params = [{transform_indices = #map}, {transform_indices = #map}, {transform_indices = #map1}]} {
    %mul3A = arith.constant 2 : i32
    %mul3A_0 = arith.muli %arg1, %mul3A : i32
    %add3A = arith.addi %mul3A_0, %arg0 : i32
    %mul3A_1 = arith.constant 128 : i32
    %mul3A_2 = arith.muli %add3A, %mul3A_1 : i32
    "tpu.region"() ({
      %run_scoped3A = tpu.sem_alloc : memref<!tpu.dma_semaphore, #tpu.memory_space<semaphore_mem>>
      %dma_start3A_79 = arith.constant 0 : i32
      %dma_start3A_80 = tpu.memref_slice %arg2[%dma_start3A_79, %mul3A_2] : memref<200x4096xi32, #tpu.memory_space<hbm>> -> memref<200x128xi32, #tpu.memory_space<hbm>>
      %dma_start3A_81 = arith.constant 0 : i32
      %dma_start3A_82 = tpu.memref_slice %arg2[%dma_start3A_81, %mul3A_2] : memref<200x4096xi32, #tpu.memory_space<hbm>> -> memref<200x128xi32, #tpu.memory_space<hbm>>
      tpu.enqueue_dma source(%dma_start3A_82 : memref<200x128xi32, #tpu.memory_space<hbm>>) target(%arg5 : memref<200x128xi32, #tpu.memory_space<vmem>>) target_semaphore(%run_scoped3A : memref<!tpu.dma_semaphore, #tpu.memory_space<semaphore_mem>>)
      %dma_wait3A_83 = arith.constant 0 : i32
      %dma_wait3A_84 = tpu.memref_slice %arg2[%dma_wait3A_83, %mul3A_2] : memref<200x4096xi32, #tpu.memory_space<hbm>> -> memref<200x128xi32, #tpu.memory_space<hbm>>
      %dma_wait3A_85 = arith.constant 0 : i32
      %dma_wait3A_86 = tpu.memref_slice %arg2[%dma_wait3A_85, %mul3A_2] : memref<200x4096xi32, #tpu.memory_space<hbm>> -> memref<200x128xi32, #tpu.memory_space<hbm>>
      tpu.wait_dma2 semaphore(%run_scoped3A : memref<!tpu.dma_semaphore, #tpu.memory_space<semaphore_mem>>) src(%dma_wait3A_86 : memref<200x128xi32, #tpu.memory_space<hbm>>) dst(%arg5 : memref<200x128xi32, #tpu.memory_space<vmem>>)
      tpu.yield
    }) : () -> ()
    %iota3A = tpu.iota {dimensions = array<i32: 0>} : vector<16xi32>
    %add3A_3 = arith.constant 0 : i32
    %add3A_4 = vector.broadcast %add3A_3 : i32 to vector<16xi32>
    %add3A_5 = arith.addi %iota3A, %add3A_4 : vector<16xi32>
    %iota3A_6 = tpu.iota {dimensions = array<i32: 0>} : vector<16xi32>
    %add3A_7 = arith.constant 16 : i32
    %add3A_8 = vector.broadcast %add3A_7 : i32 to vector<16xi32>
    %add3A_9 = arith.addi %iota3A_6, %add3A_8 : vector<16xi32>
    %iota3A_10 = tpu.iota {dimensions = array<i32: 0>} : vector<16xi32>
    %add3A_11 = arith.constant 32 : i32
    %add3A_12 = vector.broadcast %add3A_11 : i32 to vector<16xi32>
    %add3A_13 = arith.addi %iota3A_10, %add3A_12 : vector<16xi32>
    %iota3A_14 = tpu.iota {dimensions = array<i32: 0>} : vector<16xi32>
    %add3A_15 = arith.constant 48 : i32
    %add3A_16 = vector.broadcast %add3A_15 : i32 to vector<16xi32>
    %add3A_17 = arith.addi %iota3A_14, %add3A_16 : vector<16xi32>
    %dma_start3A = arith.constant 0 : i32
    %dma_start3A_18 = arith.constant 0 : i32
    %dma_start3A_19 = tpu.memref_slice %arg5[%dma_start3A, %dma_start3A_18] : memref<200x128xi32, #tpu.memory_space<vmem>> -> memref<1x128xi32, #tpu.memory_space<vmem>>
    %dma_start3A_20 = tpu.memref_squeeze %dma_start3A_19 : memref<1x128xi32, #tpu.memory_space<vmem>> -> memref<128xi32, #tpu.memory_space<vmem>>
    %dma_start3A_21 = arith.constant 0 : i32
    %dma_start3A_22 = arith.constant 0 : i32
    %dma_start3A_23 = tpu.memref_slice %arg3[%dma_start3A_21, %dma_start3A_22] : memref<1000000x64xf32, #tpu.memory_space<hbm>> -> memref<1000000x64xf32, #tpu.memory_space<hbm>>
    tpu.enqueue_indirect_dma source(%dma_start3A_23 : memref<1000000x64xf32, #tpu.memory_space<hbm>>) target(%arg6 : memref<128x64xf32, #tpu.memory_space<vmem>>) offsets(%dma_start3A_20 : memref<128xi32, #tpu.memory_space<vmem>>) semaphore(%arg12 : memref<!tpu.dma_semaphore, #tpu.memory_space<semaphore_mem>>)
    %dma_start3A_24 = arith.constant 1 : i32
    %dma_start3A_25 = arith.constant 0 : i32
    %dma_start3A_26 = tpu.memref_slice %arg5[%dma_start3A_24, %dma_start3A_25] : memref<200x128xi32, #tpu.memory_space<vmem>> -> memref<1x128xi32, #tpu.memory_space<vmem>>
    %dma_start3A_27 = tpu.memref_squeeze %dma_start3A_26 : memref<1x128xi32, #tpu.memory_space<vmem>> -> memref<128xi32, #tpu.memory_space<vmem>>
    %dma_start3A_28 = arith.constant 0 : i32
    %dma_start3A_29 = arith.constant 0 : i32
    %dma_start3A_30 = tpu.memref_slice %arg3[%dma_start3A_28, %dma_start3A_29] : memref<1000000x64xf32, #tpu.memory_space<hbm>> -> memref<1000000x64xf32, #tpu.memory_space<hbm>>
    tpu.enqueue_indirect_dma source(%dma_start3A_30 : memref<1000000x64xf32, #tpu.memory_space<hbm>>) target(%arg7 : memref<128x64xf32, #tpu.memory_space<vmem>>) offsets(%dma_start3A_27 : memref<128xi32, #tpu.memory_space<vmem>>) semaphore(%arg13 : memref<!tpu.dma_semaphore, #tpu.memory_space<semaphore_mem>>)
    %dma_start3A_31 = arith.constant 2 : i32
    %dma_start3A_32 = arith.constant 0 : i32
    %dma_start3A_33 = tpu.memref_slice %arg5[%dma_start3A_31, %dma_start3A_32] : memref<200x128xi32, #tpu.memory_space<vmem>> -> memref<1x128xi32, #tpu.memory_space<vmem>>
    %dma_start3A_34 = tpu.memref_squeeze %dma_start3A_33 : memref<1x128xi32, #tpu.memory_space<vmem>> -> memref<128xi32, #tpu.memory_space<vmem>>
    %dma_start3A_35 = arith.constant 0 : i32
    %dma_start3A_36 = arith.constant 0 : i32
    %dma_start3A_37 = tpu.memref_slice %arg3[%dma_start3A_35, %dma_start3A_36] : memref<1000000x64xf32, #tpu.memory_space<hbm>> -> memref<1000000x64xf32, #tpu.memory_space<hbm>>
    tpu.enqueue_indirect_dma source(%dma_start3A_37 : memref<1000000x64xf32, #tpu.memory_space<hbm>>) target(%arg8 : memref<128x64xf32, #tpu.memory_space<vmem>>) offsets(%dma_start3A_34 : memref<128xi32, #tpu.memory_space<vmem>>) semaphore(%arg14 : memref<!tpu.dma_semaphore, #tpu.memory_space<semaphore_mem>>)
    %dma_start3A_38 = arith.constant 3 : i32
    %dma_start3A_39 = arith.constant 0 : i32
    %dma_start3A_40 = tpu.memref_slice %arg5[%dma_start3A_38, %dma_start3A_39] : memref<200x128xi32, #tpu.memory_space<vmem>> -> memref<1x128xi32, #tpu.memory_space<vmem>>
    %dma_start3A_41 = tpu.memref_squeeze %dma_start3A_40 : memref<1x128xi32, #tpu.memory_space<vmem>> -> memref<128xi32, #tpu.memory_space<vmem>>
    %dma_start3A_42 = arith.constant 0 : i32
    %dma_start3A_43 = arith.constant 0 : i32
    %dma_start3A_44 = tpu.memref_slice %arg3[%dma_start3A_42, %dma_start3A_43] : memref<1000000x64xf32, #tpu.memory_space<hbm>> -> memref<1000000x64xf32, #tpu.memory_space<hbm>>
    tpu.enqueue_indirect_dma source(%dma_start3A_44 : memref<1000000x64xf32, #tpu.memory_space<hbm>>) target(%arg9 : memref<128x64xf32, #tpu.memory_space<vmem>>) offsets(%dma_start3A_41 : memref<128xi32, #tpu.memory_space<vmem>>) semaphore(%arg15 : memref<!tpu.dma_semaphore, #tpu.memory_space<semaphore_mem>>)
    %scan3A = arith.constant 0 : i32
    %scan3A_45 = arith.constant 0 : i32
    %scan3A_46 = arith.constant 50 : i32
    %scan3A_47 = arith.addi %scan3A_45, %scan3A_46 : i32
    %scan3A_48 = arith.constant 1 : i32
    scf.for %scan3A_79 = %scan3A_45 to %scan3A_47 step %scan3A_48  : i32 {
      %mul3A_80 = arith.constant 4 : i32
      %mul3A_81 = arith.muli %scan3A_79, %mul3A_80 : i32
      %add3A_82 = arith.constant 0 : i32
      %add3A_83 = arith.addi %mul3A_81, %add3A_82 : i32
      %dma_wait3A_84 = arith.constant 0 : i32
      %dma_wait3A_85 = arith.constant 0 : i32
      %dma_wait3A_86 = tpu.memref_slice %arg5[%dma_wait3A_84, %dma_wait3A_85] : memref<200x128xi32, #tpu.memory_space<vmem>> -> memref<1x128xi32, #tpu.memory_space<vmem>>
      %dma_wait3A_87 = tpu.memref_squeeze %dma_wait3A_86 : memref<1x128xi32, #tpu.memory_space<vmem>> -> memref<128xi32, #tpu.memory_space<vmem>>
      %dma_wait3A_88 = arith.constant 0 : i32
      %dma_wait3A_89 = arith.constant 0 : i32
      %dma_wait3A_90 = tpu.memref_slice %arg3[%dma_wait3A_88, %dma_wait3A_89] : memref<1000000x64xf32, #tpu.memory_space<hbm>> -> memref<1000000x64xf32, #tpu.memory_space<hbm>>
      tpu.wait_indirect_dma semaphore(%arg12 : memref<!tpu.dma_semaphore, #tpu.memory_space<semaphore_mem>>) src(%dma_wait3A_90 : memref<1000000x64xf32, #tpu.memory_space<hbm>>) dst(%arg6 : memref<128x64xf32, #tpu.memory_space<vmem>>)
      %ge3A = arith.constant 2 : i32
      %ge3A_91 = arith.cmpi sge, %add3A_83, %ge3A : i32
      %convert_element_type3A = arith.extui %ge3A_91 : i1 to i32
      %cond3A = arith.constant 0 : i32
      %cond3A_92 = arith.cmpi ne, %convert_element_type3A, %cond3A : i32
      scf.if %cond3A_92 {
        %dma_wait3A_219 = arith.constant 0 : i32
        %dma_wait3A_220 = arith.constant 0 : i32
        %dma_wait3A_221 = arith.constant 0 : i32
        %dma_wait3A_222 = tpu.memref_slice %arg10[%dma_wait3A_220, %dma_wait3A_221] : memref<64x129xf32, #tpu.memory_space<vmem>> -> memref<64x128xf32, #tpu.memory_space<vmem>>
        %dma_wait3A_223 = arith.constant 0 : i32
        %dma_wait3A_224 = arith.constant 0 : i32
        %dma_wait3A_225 = tpu.memref_slice %arg4[%dma_wait3A_219, %dma_wait3A_223, %dma_wait3A_224] : memref<200x64x4096xf32, #tpu.memory_space<hbm>> -> memref<1x64x128xf32, #tpu.memory_space<hbm>>
        %dma_wait3A_226 = tpu.memref_squeeze %dma_wait3A_225 : memref<1x64x128xf32, #tpu.memory_space<hbm>> -> memref<64x128xf32, #tpu.memory_space<hbm>>
        %dma_wait3A_227 = arith.constant 0 : i32
        %dma_wait3A_228 = arith.constant 0 : i32
        %dma_wait3A_229 = tpu.memref_slice %arg4[%dma_wait3A_219, %dma_wait3A_227, %dma_wait3A_228] : memref<200x64x4096xf32, #tpu.memory_space<hbm>> -> memref<1x64x128xf32, #tpu.memory_space<hbm>>
        %dma_wait3A_230 = tpu.memref_squeeze %dma_wait3A_229 : memref<1x64x128xf32, #tpu.memory_space<hbm>> -> memref<64x128xf32, #tpu.memory_space<hbm>>
        %dma_wait3A_231 = arith.constant 0 : i32
        %dma_wait3A_232 = arith.constant 0 : i32
        %dma_wait3A_233 = tpu.memref_slice %arg10[%dma_wait3A_231, %dma_wait3A_232] : memref<64x129xf32, #tpu.memory_space<vmem>> -> memref<64x128xf32, #tpu.memory_space<vmem>>
        tpu.wait_dma2 semaphore(%arg16 : memref<!tpu.dma_semaphore, #tpu.memory_space<semaphore_mem>>) src(%dma_wait3A_233 : memref<64x128xf32, #tpu.memory_space<vmem>>) dst(%dma_wait3A_230 : memref<64x128xf32, #tpu.memory_space<hbm>>)
      } else {
      }
      %parallel_loop3A = arith.constant 0 : i32
      %parallel_loop3A_93 = arith.constant 128 : i32
      %parallel_loop3A_94 = arith.constant 1 : i32
      scf.for %parallel_loop3A_219 = %parallel_loop3A to %parallel_loop3A_93 step %parallel_loop3A_94  : i32 {
        %parallel_loop3A_220 = vector.broadcast %parallel_loop3A_219 : i32 to vector<16xi32>
        %parallel_loop3A_221 = arith.index_cast %parallel_loop3A_219 : i32 to index
        %parallel_loop3A_222 = arith.constant 0 : index
        %parallel_loop3A_223 = tpu.vector_load %arg6[%parallel_loop3A_221, %parallel_loop3A_222] {strides = array<i32>} : memref<128x64xf32, #tpu.memory_space<vmem>>, vector<16xf32>,
        %parallel_loop3A_224 = arith.constant 8.000000e+00 : f32
        %parallel_loop3A_225 = vector.broadcast %parallel_loop3A_224 : f32 to vector<16xf32>
        %parallel_loop3A_226 = arith.mulf %parallel_loop3A_223, %parallel_loop3A_225 : vector<16xf32>
        tpu.vector_store_idx %arg10[%add3A_5, %parallel_loop3A_220], %parallel_loop3A_226 : memref<64x129xf32, #tpu.memory_space<vmem>>[vector<16xi32>, vector<16xi32>], vector<16xf32>,
        %parallel_loop3A_227 = arith.index_cast %parallel_loop3A_219 : i32 to index
        %parallel_loop3A_228 = arith.constant 16 : index
        %parallel_loop3A_229 = tpu.vector_load %arg6[%parallel_loop3A_227, %parallel_loop3A_228] {strides = array<i32>} : memref<128x64xf32, #tpu.memory_space<vmem>>, vector<16xf32>,
        %parallel_loop3A_230 = arith.constant 8.000000e+00 : f32
        %parallel_loop3A_231 = vector.broadcast %parallel_loop3A_230 : f32 to vector<16xf32>
        %parallel_loop3A_232 = arith.mulf %parallel_loop3A_229, %parallel_loop3A_231 : vector<16xf32>
        tpu.vector_store_idx %arg10[%add3A_9, %parallel_loop3A_220], %parallel_loop3A_232 : memref<64x129xf32, #tpu.memory_space<vmem>>[vector<16xi32>, vector<16xi32>], vector<16xf32>,
        %parallel_loop3A_233 = arith.index_cast %parallel_loop3A_219 : i32 to index
        %parallel_loop3A_234 = arith.constant 32 : index
        %parallel_loop3A_235 = tpu.vector_load %arg6[%parallel_loop3A_233, %parallel_loop3A_234] {strides = array<i32>} : memref<128x64xf32, #tpu.memory_space<vmem>>, vector<16xf32>,
        %parallel_loop3A_236 = arith.constant 8.000000e+00 : f32
        %parallel_loop3A_237 = vector.broadcast %parallel_loop3A_236 : f32 to vector<16xf32>
        %parallel_loop3A_238 = arith.mulf %parallel_loop3A_235, %parallel_loop3A_237 : vector<16xf32>
        tpu.vector_store_idx %arg10[%add3A_13, %parallel_loop3A_220], %parallel_loop3A_238 : memref<64x129xf32, #tpu.memory_space<vmem>>[vector<16xi32>, vector<16xi32>], vector<16xf32>,
        %parallel_loop3A_239 = arith.index_cast %parallel_loop3A_219 : i32 to index
        %parallel_loop3A_240 = arith.constant 48 : index
        %parallel_loop3A_241 = tpu.vector_load %arg6[%parallel_loop3A_239, %parallel_loop3A_240] {strides = array<i32>} : memref<128x64xf32, #tpu.memory_space<vmem>>, vector<16xf32>,
        %parallel_loop3A_242 = arith.constant 8.000000e+00 : f32
        %parallel_loop3A_243 = vector.broadcast %parallel_loop3A_242 : f32 to vector<16xf32>
        %parallel_loop3A_244 = arith.mulf %parallel_loop3A_241, %parallel_loop3A_243 : vector<16xf32>
        tpu.vector_store_idx %arg10[%add3A_17, %parallel_loop3A_220], %parallel_loop3A_244 : memref<64x129xf32, #tpu.memory_space<vmem>>[vector<16xi32>, vector<16xi32>], vector<16xf32>,
      } {sc.loop_unroll_factor = 2 : i64, sc.parallel_access}
      %lt3A = arith.constant 196 : i32
      %lt3A_95 = arith.cmpi slt, %add3A_83, %lt3A : i32
      %convert_element_type3A_96 = arith.extui %lt3A_95 : i1 to i32
      %cond3A_97 = arith.constant 0 : i32
      %cond3A_98 = arith.cmpi ne, %convert_element_type3A_96, %cond3A_97 : i32
      scf.if %cond3A_98 {
        %add3A_219 = arith.constant 4 : i32
        %add3A_220 = arith.addi %add3A_83, %add3A_219 : i32
        %dma_start3A_221 = arith.constant 0 : i32
        %dma_start3A_222 = tpu.memref_slice %arg5[%add3A_220, %dma_start3A_221] : memref<200x128xi32, #tpu.memory_space<vmem>> -> memref<1x128xi32, #tpu.memory_space<vmem>>
        %dma_start3A_223 = tpu.memref_squeeze %dma_start3A_222 : memref<1x128xi32, #tpu.memory_space<vmem>> -> memref<128xi32, #tpu.memory_space<vmem>>
        %dma_start3A_224 = arith.constant 0 : i32
        %dma_start3A_225 = arith.constant 0 : i32
        %dma_start3A_226 = tpu.memref_slice %arg3[%dma_start3A_224, %dma_start3A_225] : memref<1000000x64xf32, #tpu.memory_space<hbm>> -> memref<1000000x64xf32, #tpu.memory_space<hbm>>
        tpu.enqueue_indirect_dma source(%dma_start3A_226 : memref<1000000x64xf32, #tpu.memory_space<hbm>>) target(%arg6 : memref<128x64xf32, #tpu.memory_space<vmem>>) offsets(%dma_start3A_223 : memref<128xi32, #tpu.memory_space<vmem>>) semaphore(%arg12 : memref<!tpu.dma_semaphore, #tpu.memory_space<semaphore_mem>>)
      } else {
      }
      %dma_start3A_99 = arith.constant 0 : i32
      %dma_start3A_100 = arith.constant 0 : i32
      %dma_start3A_101 = tpu.memref_slice %arg10[%dma_start3A_99, %dma_start3A_100] : memref<64x129xf32, #tpu.memory_space<vmem>> -> memref<64x128xf32, #tpu.memory_space<vmem>>
      %dma_start3A_102 = arith.constant 0 : i32
      %dma_start3A_103 = tpu.memref_slice %arg4[%add3A_83, %dma_start3A_102, %mul3A_2] : memref<200x64x4096xf32, #tpu.memory_space<hbm>> -> memref<1x64x128xf32, #tpu.memory_space<hbm>>
      %dma_start3A_104 = tpu.memref_squeeze %dma_start3A_103 : memref<1x64x128xf32, #tpu.memory_space<hbm>> -> memref<64x128xf32, #tpu.memory_space<hbm>>
      %dma_start3A_105 = arith.constant 0 : i32
      %dma_start3A_106 = tpu.memref_slice %arg4[%add3A_83, %dma_start3A_105, %mul3A_2] : memref<200x64x4096xf32, #tpu.memory_space<hbm>> -> memref<1x64x128xf32, #tpu.memory_space<hbm>>
      %dma_start3A_107 = tpu.memref_squeeze %dma_start3A_106 : memref<1x64x128xf32, #tpu.memory_space<hbm>> -> memref<64x128xf32, #tpu.memory_space<hbm>>
      %dma_start3A_108 = arith.constant 0 : i32
      %dma_start3A_109 = arith.constant 0 : i32
      %dma_start3A_110 = tpu.memref_slice %arg10[%dma_start3A_108, %dma_start3A_109] : memref<64x129xf32, #tpu.memory_space<vmem>> -> memref<64x128xf32, #tpu.memory_space<vmem>>
      tpu.enqueue_dma source(%dma_start3A_110 : memref<64x128xf32, #tpu.memory_space<vmem>>) target(%dma_start3A_107 : memref<64x128xf32, #tpu.memory_space<hbm>>) target_semaphore(%arg16 : memref<!tpu.dma_semaphore, #tpu.memory_space<semaphore_mem>>)
      %mul3A_111 = arith.constant 4 : i32
      %mul3A_112 = arith.muli %scan3A_79, %mul3A_111 : i32
      %add3A_113 = arith.constant 1 : i32
      %add3A_114 = arith.addi %mul3A_112, %add3A_113 : i32
      %dma_wait3A_115 = arith.constant 0 : i32
      %dma_wait3A_116 = arith.constant 0 : i32
      %dma_wait3A_117 = tpu.memref_slice %arg5[%dma_wait3A_115, %dma_wait3A_116] : memref<200x128xi32, #tpu.memory_space<vmem>> -> memref<1x128xi32, #tpu.memory_space<vmem>>
      %dma_wait3A_118 = tpu.memref_squeeze %dma_wait3A_117 : memref<1x128xi32, #tpu.memory_space<vmem>> -> memref<128xi32, #tpu.memory_space<vmem>>
      %dma_wait3A_119 = arith.constant 0 : i32
      %dma_wait3A_120 = arith.constant 0 : i32
      %dma_wait3A_121 = tpu.memref_slice %arg3[%dma_wait3A_119, %dma_wait3A_120] : memref<1000000x64xf32, #tpu.memory_space<hbm>> -> memref<1000000x64xf32, #tpu.memory_space<hbm>>
      tpu.wait_indirect_dma semaphore(%arg13 : memref<!tpu.dma_semaphore, #tpu.memory_space<semaphore_mem>>) src(%dma_wait3A_121 : memref<1000000x64xf32, #tpu.memory_space<hbm>>) dst(%arg7 : memref<128x64xf32, #tpu.memory_space<vmem>>)
      %ge3A_122 = arith.constant 2 : i32
      %ge3A_123 = arith.cmpi sge, %add3A_114, %ge3A_122 : i32
      %convert_element_type3A_124 = arith.extui %ge3A_123 : i1 to i32
      %cond3A_125 = arith.constant 0 : i32
      %cond3A_126 = arith.cmpi ne, %convert_element_type3A_124, %cond3A_125 : i32
      scf.if %cond3A_126 {
        %dma_wait3A_219 = arith.constant 0 : i32
        %dma_wait3A_220 = arith.constant 0 : i32
        %dma_wait3A_221 = arith.constant 0 : i32
        %dma_wait3A_222 = tpu.memref_slice %arg11[%dma_wait3A_220, %dma_wait3A_221] : memref<64x129xf32, #tpu.memory_space<vmem>> -> memref<64x128xf32, #tpu.memory_space<vmem>>
        %dma_wait3A_223 = arith.constant 0 : i32
        %dma_wait3A_224 = arith.constant 0 : i32
        %dma_wait3A_225 = tpu.memref_slice %arg4[%dma_wait3A_219, %dma_wait3A_223, %dma_wait3A_224] : memref<200x64x4096xf32, #tpu.memory_space<hbm>> -> memref<1x64x128xf32, #tpu.memory_space<hbm>>
        %dma_wait3A_226 = tpu.memref_squeeze %dma_wait3A_225 : memref<1x64x128xf32, #tpu.memory_space<hbm>> -> memref<64x128xf32, #tpu.memory_space<hbm>>
        %dma_wait3A_227 = arith.constant 0 : i32
        %dma_wait3A_228 = arith.constant 0 : i32
        %dma_wait3A_229 = tpu.memref_slice %arg4[%dma_wait3A_219, %dma_wait3A_227, %dma_wait3A_228] : memref<200x64x4096xf32, #tpu.memory_space<hbm>> -> memref<1x64x128xf32, #tpu.memory_space<hbm>>
        %dma_wait3A_230 = tpu.memref_squeeze %dma_wait3A_229 : memref<1x64x128xf32, #tpu.memory_space<hbm>> -> memref<64x128xf32, #tpu.memory_space<hbm>>
        %dma_wait3A_231 = arith.constant 0 : i32
        %dma_wait3A_232 = arith.constant 0 : i32
        %dma_wait3A_233 = tpu.memref_slice %arg11[%dma_wait3A_231, %dma_wait3A_232] : memref<64x129xf32, #tpu.memory_space<vmem>> -> memref<64x128xf32, #tpu.memory_space<vmem>>
        tpu.wait_dma2 semaphore(%arg17 : memref<!tpu.dma_semaphore, #tpu.memory_space<semaphore_mem>>) src(%dma_wait3A_233 : memref<64x128xf32, #tpu.memory_space<vmem>>) dst(%dma_wait3A_230 : memref<64x128xf32, #tpu.memory_space<hbm>>)
      } else {
      }
      %parallel_loop3A_127 = arith.constant 0 : i32
      %parallel_loop3A_128 = arith.constant 128 : i32
      %parallel_loop3A_129 = arith.constant 1 : i32
      scf.for %parallel_loop3A_219 = %parallel_loop3A_127 to %parallel_loop3A_128 step %parallel_loop3A_129  : i32 {
        %parallel_loop3A_220 = vector.broadcast %parallel_loop3A_219 : i32 to vector<16xi32>
        %parallel_loop3A_221 = arith.index_cast %parallel_loop3A_219 : i32 to index
        %parallel_loop3A_222 = arith.constant 0 : index
        %parallel_loop3A_223 = tpu.vector_load %arg7[%parallel_loop3A_221, %parallel_loop3A_222] {strides = array<i32>} : memref<128x64xf32, #tpu.memory_space<vmem>>, vector<16xf32>,
        %parallel_loop3A_224 = arith.constant 8.000000e+00 : f32
        %parallel_loop3A_225 = vector.broadcast %parallel_loop3A_224 : f32 to vector<16xf32>
        %parallel_loop3A_226 = arith.mulf %parallel_loop3A_223, %parallel_loop3A_225 : vector<16xf32>
        tpu.vector_store_idx %arg11[%add3A_5, %parallel_loop3A_220], %parallel_loop3A_226 : memref<64x129xf32, #tpu.memory_space<vmem>>[vector<16xi32>, vector<16xi32>], vector<16xf32>,
        %parallel_loop3A_227 = arith.index_cast %parallel_loop3A_219 : i32 to index
        %parallel_loop3A_228 = arith.constant 16 : index
        %parallel_loop3A_229 = tpu.vector_load %arg7[%parallel_loop3A_227, %parallel_loop3A_228] {strides = array<i32>} : memref<128x64xf32, #tpu.memory_space<vmem>>, vector<16xf32>,
        %parallel_loop3A_230 = arith.constant 8.000000e+00 : f32
        %parallel_loop3A_231 = vector.broadcast %parallel_loop3A_230 : f32 to vector<16xf32>
        %parallel_loop3A_232 = arith.mulf %parallel_loop3A_229, %parallel_loop3A_231 : vector<16xf32>
        tpu.vector_store_idx %arg11[%add3A_9, %parallel_loop3A_220], %parallel_loop3A_232 : memref<64x129xf32, #tpu.memory_space<vmem>>[vector<16xi32>, vector<16xi32>], vector<16xf32>,
        %parallel_loop3A_233 = arith.index_cast %parallel_loop3A_219 : i32 to index
        %parallel_loop3A_234 = arith.constant 32 : index
        %parallel_loop3A_235 = tpu.vector_load %arg7[%parallel_loop3A_233, %parallel_loop3A_234] {strides = array<i32>} : memref<128x64xf32, #tpu.memory_space<vmem>>, vector<16xf32>,
        %parallel_loop3A_236 = arith.constant 8.000000e+00 : f32
        %parallel_loop3A_237 = vector.broadcast %parallel_loop3A_236 : f32 to vector<16xf32>
        %parallel_loop3A_238 = arith.mulf %parallel_loop3A_235, %parallel_loop3A_237 : vector<16xf32>
        tpu.vector_store_idx %arg11[%add3A_13, %parallel_loop3A_220], %parallel_loop3A_238 : memref<64x129xf32, #tpu.memory_space<vmem>>[vector<16xi32>, vector<16xi32>], vector<16xf32>,
        %parallel_loop3A_239 = arith.index_cast %parallel_loop3A_219 : i32 to index
        %parallel_loop3A_240 = arith.constant 48 : index
        %parallel_loop3A_241 = tpu.vector_load %arg7[%parallel_loop3A_239, %parallel_loop3A_240] {strides = array<i32>} : memref<128x64xf32, #tpu.memory_space<vmem>>, vector<16xf32>,
        %parallel_loop3A_242 = arith.constant 8.000000e+00 : f32
        %parallel_loop3A_243 = vector.broadcast %parallel_loop3A_242 : f32 to vector<16xf32>
        %parallel_loop3A_244 = arith.mulf %parallel_loop3A_241, %parallel_loop3A_243 : vector<16xf32>
        tpu.vector_store_idx %arg11[%add3A_17, %parallel_loop3A_220], %parallel_loop3A_244 : memref<64x129xf32, #tpu.memory_space<vmem>>[vector<16xi32>, vector<16xi32>], vector<16xf32>,
      } {sc.loop_unroll_factor = 2 : i64, sc.parallel_access}
      %lt3A_130 = arith.constant 196 : i32
      %lt3A_131 = arith.cmpi slt, %add3A_114, %lt3A_130 : i32
      %convert_element_type3A_132 = arith.extui %lt3A_131 : i1 to i32
      %cond3A_133 = arith.constant 0 : i32
      %cond3A_134 = arith.cmpi ne, %convert_element_type3A_132, %cond3A_133 : i32
      scf.if %cond3A_134 {
        %add3A_219 = arith.constant 4 : i32
        %add3A_220 = arith.addi %add3A_114, %add3A_219 : i32
        %dma_start3A_221 = arith.constant 0 : i32
        %dma_start3A_222 = tpu.memref_slice %arg5[%add3A_220, %dma_start3A_221] : memref<200x128xi32, #tpu.memory_space<vmem>> -> memref<1x128xi32, #tpu.memory_space<vmem>>
        %dma_start3A_223 = tpu.memref_squeeze %dma_start3A_222 : memref<1x128xi32, #tpu.memory_space<vmem>> -> memref<128xi32, #tpu.memory_space<vmem>>
        %dma_start3A_224 = arith.constant 0 : i32
        %dma_start3A_225 = arith.constant 0 : i32
        %dma_start3A_226 = tpu.memref_slice %arg3[%dma_start3A_224, %dma_start3A_225] : memref<1000000x64xf32, #tpu.memory_space<hbm>> -> memref<1000000x64xf32, #tpu.memory_space<hbm>>
        tpu.enqueue_indirect_dma source(%dma_start3A_226 : memref<1000000x64xf32, #tpu.memory_space<hbm>>) target(%arg7 : memref<128x64xf32, #tpu.memory_space<vmem>>) offsets(%dma_start3A_223 : memref<128xi32, #tpu.memory_space<vmem>>) semaphore(%arg13 : memref<!tpu.dma_semaphore, #tpu.memory_space<semaphore_mem>>)
      } else {
      }
      %dma_start3A_135 = arith.constant 0 : i32
      %dma_start3A_136 = arith.constant 0 : i32
      %dma_start3A_137 = tpu.memref_slice %arg11[%dma_start3A_135, %dma_start3A_136] : memref<64x129xf32, #tpu.memory_space<vmem>> -> memref<64x128xf32, #tpu.memory_space<vmem>>
      %dma_start3A_138 = arith.constant 0 : i32
      %dma_start3A_139 = tpu.memref_slice %arg4[%add3A_114, %dma_start3A_138, %mul3A_2] : memref<200x64x4096xf32, #tpu.memory_space<hbm>> -> memref<1x64x128xf32, #tpu.memory_space<hbm>>
      %dma_start3A_140 = tpu.memref_squeeze %dma_start3A_139 : memref<1x64x128xf32, #tpu.memory_space<hbm>> -> memref<64x128xf32, #tpu.memory_space<hbm>>
      %dma_start3A_141 = arith.constant 0 : i32
      %dma_start3A_142 = tpu.memref_slice %arg4[%add3A_114, %dma_start3A_141, %mul3A_2] : memref<200x64x4096xf32, #tpu.memory_space<hbm>> -> memref<1x64x128xf32, #tpu.memory_space<hbm>>
      %dma_start3A_143 = tpu.memref_squeeze %dma_start3A_142 : memref<1x64x128xf32, #tpu.memory_space<hbm>> -> memref<64x128xf32, #tpu.memory_space<hbm>>
      %dma_start3A_144 = arith.constant 0 : i32
      %dma_start3A_145 = arith.constant 0 : i32
      %dma_start3A_146 = tpu.memref_slice %arg11[%dma_start3A_144, %dma_start3A_145] : memref<64x129xf32, #tpu.memory_space<vmem>> -> memref<64x128xf32, #tpu.memory_space<vmem>>
      tpu.enqueue_dma source(%dma_start3A_146 : memref<64x128xf32, #tpu.memory_space<vmem>>) target(%dma_start3A_143 : memref<64x128xf32, #tpu.memory_space<hbm>>) target_semaphore(%arg17 : memref<!tpu.dma_semaphore, #tpu.memory_space<semaphore_mem>>)
      %mul3A_147 = arith.constant 4 : i32
      %mul3A_148 = arith.muli %scan3A_79, %mul3A_147 : i32
      %add3A_149 = arith.constant 2 : i32
      %add3A_150 = arith.addi %mul3A_148, %add3A_149 : i32
      %dma_wait3A_151 = arith.constant 0 : i32
      %dma_wait3A_152 = arith.constant 0 : i32
      %dma_wait3A_153 = tpu.memref_slice %arg5[%dma_wait3A_151, %dma_wait3A_152] : memref<200x128xi32, #tpu.memory_space<vmem>> -> memref<1x128xi32, #tpu.memory_space<vmem>>
      %dma_wait3A_154 = tpu.memref_squeeze %dma_wait3A_153 : memref<1x128xi32, #tpu.memory_space<vmem>> -> memref<128xi32, #tpu.memory_space<vmem>>
      %dma_wait3A_155 = arith.constant 0 : i32
      %dma_wait3A_156 = arith.constant 0 : i32
      %dma_wait3A_157 = tpu.memref_slice %arg3[%dma_wait3A_155, %dma_wait3A_156] : memref<1000000x64xf32, #tpu.memory_space<hbm>> -> memref<1000000x64xf32, #tpu.memory_space<hbm>>
      tpu.wait_indirect_dma semaphore(%arg14 : memref<!tpu.dma_semaphore, #tpu.memory_space<semaphore_mem>>) src(%dma_wait3A_157 : memref<1000000x64xf32, #tpu.memory_space<hbm>>) dst(%arg8 : memref<128x64xf32, #tpu.memory_space<vmem>>)
      %ge3A_158 = arith.constant 2 : i32
      %ge3A_159 = arith.cmpi sge, %add3A_150, %ge3A_158 : i32
      %convert_element_type3A_160 = arith.extui %ge3A_159 : i1 to i32
      %cond3A_161 = arith.constant 0 : i32
      %cond3A_162 = arith.cmpi ne, %convert_element_type3A_160, %cond3A_161 : i32
      scf.if %cond3A_162 {
        %dma_wait3A_219 = arith.constant 0 : i32
        %dma_wait3A_220 = arith.constant 0 : i32
        %dma_wait3A_221 = arith.constant 0 : i32
        %dma_wait3A_222 = tpu.memref_slice %arg10[%dma_wait3A_220, %dma_wait3A_221] : memref<64x129xf32, #tpu.memory_space<vmem>> -> memref<64x128xf32, #tpu.memory_space<vmem>>
        %dma_wait3A_223 = arith.constant 0 : i32
        %dma_wait3A_224 = arith.constant 0 : i32
        %dma_wait3A_225 = tpu.memref_slice %arg4[%dma_wait3A_219, %dma_wait3A_223, %dma_wait3A_224] : memref<200x64x4096xf32, #tpu.memory_space<hbm>> -> memref<1x64x128xf32, #tpu.memory_space<hbm>>
        %dma_wait3A_226 = tpu.memref_squeeze %dma_wait3A_225 : memref<1x64x128xf32, #tpu.memory_space<hbm>> -> memref<64x128xf32, #tpu.memory_space<hbm>>
        %dma_wait3A_227 = arith.constant 0 : i32
        %dma_wait3A_228 = arith.constant 0 : i32
        %dma_wait3A_229 = tpu.memref_slice %arg4[%dma_wait3A_219, %dma_wait3A_227, %dma_wait3A_228] : memref<200x64x4096xf32, #tpu.memory_space<hbm>> -> memref<1x64x128xf32, #tpu.memory_space<hbm>>
        %dma_wait3A_230 = tpu.memref_squeeze %dma_wait3A_229 : memref<1x64x128xf32, #tpu.memory_space<hbm>> -> memref<64x128xf32, #tpu.memory_space<hbm>>
        %dma_wait3A_231 = arith.constant 0 : i32
        %dma_wait3A_232 = arith.constant 0 : i32
        %dma_wait3A_233 = tpu.memref_slice %arg10[%dma_wait3A_231, %dma_wait3A_232] : memref<64x129xf32, #tpu.memory_space<vmem>> -> memref<64x128xf32, #tpu.memory_space<vmem>>
        tpu.wait_dma2 semaphore(%arg16 : memref<!tpu.dma_semaphore, #tpu.memory_space<semaphore_mem>>) src(%dma_wait3A_233 : memref<64x128xf32, #tpu.memory_space<vmem>>) dst(%dma_wait3A_230 : memref<64x128xf32, #tpu.memory_space<hbm>>)
      } else {
      }
      %parallel_loop3A_163 = arith.constant 0 : i32
      %parallel_loop3A_164 = arith.constant 128 : i32
      %parallel_loop3A_165 = arith.constant 1 : i32
      scf.for %parallel_loop3A_219 = %parallel_loop3A_163 to %parallel_loop3A_164 step %parallel_loop3A_165  : i32 {
        %parallel_loop3A_220 = vector.broadcast %parallel_loop3A_219 : i32 to vector<16xi32>
        %parallel_loop3A_221 = arith.index_cast %parallel_loop3A_219 : i32 to index
        %parallel_loop3A_222 = arith.constant 0 : index
        %parallel_loop3A_223 = tpu.vector_load %arg8[%parallel_loop3A_221, %parallel_loop3A_222] {strides = array<i32>} : memref<128x64xf32, #tpu.memory_space<vmem>>, vector<16xf32>,
        %parallel_loop3A_224 = arith.constant 8.000000e+00 : f32
        %parallel_loop3A_225 = vector.broadcast %parallel_loop3A_224 : f32 to vector<16xf32>
        %parallel_loop3A_226 = arith.mulf %parallel_loop3A_223, %parallel_loop3A_225 : vector<16xf32>
        tpu.vector_store_idx %arg10[%add3A_5, %parallel_loop3A_220], %parallel_loop3A_226 : memref<64x129xf32, #tpu.memory_space<vmem>>[vector<16xi32>, vector<16xi32>], vector<16xf32>,
        %parallel_loop3A_227 = arith.index_cast %parallel_loop3A_219 : i32 to index
        %parallel_loop3A_228 = arith.constant 16 : index
        %parallel_loop3A_229 = tpu.vector_load %arg8[%parallel_loop3A_227, %parallel_loop3A_228] {strides = array<i32>} : memref<128x64xf32, #tpu.memory_space<vmem>>, vector<16xf32>,
        %parallel_loop3A_230 = arith.constant 8.000000e+00 : f32
        %parallel_loop3A_231 = vector.broadcast %parallel_loop3A_230 : f32 to vector<16xf32>
        %parallel_loop3A_232 = arith.mulf %parallel_loop3A_229, %parallel_loop3A_231 : vector<16xf32>
        tpu.vector_store_idx %arg10[%add3A_9, %parallel_loop3A_220], %parallel_loop3A_232 : memref<64x129xf32, #tpu.memory_space<vmem>>[vector<16xi32>, vector<16xi32>], vector<16xf32>,
        %parallel_loop3A_233 = arith.index_cast %parallel_loop3A_219 : i32 to index
        %parallel_loop3A_234 = arith.constant 32 : index
        %parallel_loop3A_235 = tpu.vector_load %arg8[%parallel_loop3A_233, %parallel_loop3A_234] {strides = array<i32>} : memref<128x64xf32, #tpu.memory_space<vmem>>, vector<16xf32>,
        %parallel_loop3A_236 = arith.constant 8.000000e+00 : f32
        %parallel_loop3A_237 = vector.broadcast %parallel_loop3A_236 : f32 to vector<16xf32>
        %parallel_loop3A_238 = arith.mulf %parallel_loop3A_235, %parallel_loop3A_237 : vector<16xf32>
        tpu.vector_store_idx %arg10[%add3A_13, %parallel_loop3A_220], %parallel_loop3A_238 : memref<64x129xf32, #tpu.memory_space<vmem>>[vector<16xi32>, vector<16xi32>], vector<16xf32>,
        %parallel_loop3A_239 = arith.index_cast %parallel_loop3A_219 : i32 to index
        %parallel_loop3A_240 = arith.constant 48 : index
        %parallel_loop3A_241 = tpu.vector_load %arg8[%parallel_loop3A_239, %parallel_loop3A_240] {strides = array<i32>} : memref<128x64xf32, #tpu.memory_space<vmem>>, vector<16xf32>,
        %parallel_loop3A_242 = arith.constant 8.000000e+00 : f32
        %parallel_loop3A_243 = vector.broadcast %parallel_loop3A_242 : f32 to vector<16xf32>
        %parallel_loop3A_244 = arith.mulf %parallel_loop3A_241, %parallel_loop3A_243 : vector<16xf32>
        tpu.vector_store_idx %arg10[%add3A_17, %parallel_loop3A_220], %parallel_loop3A_244 : memref<64x129xf32, #tpu.memory_space<vmem>>[vector<16xi32>, vector<16xi32>], vector<16xf32>,
      } {sc.loop_unroll_factor = 2 : i64, sc.parallel_access}
      %lt3A_166 = arith.constant 196 : i32
      %lt3A_167 = arith.cmpi slt, %add3A_150, %lt3A_166 : i32
      %convert_element_type3A_168 = arith.extui %lt3A_167 : i1 to i32
      %cond3A_169 = arith.constant 0 : i32
      %cond3A_170 = arith.cmpi ne, %convert_element_type3A_168, %cond3A_169 : i32
      scf.if %cond3A_170 {
        %add3A_219 = arith.constant 4 : i32
        %add3A_220 = arith.addi %add3A_150, %add3A_219 : i32
        %dma_start3A_221 = arith.constant 0 : i32
        %dma_start3A_222 = tpu.memref_slice %arg5[%add3A_220, %dma_start3A_221] : memref<200x128xi32, #tpu.memory_space<vmem>> -> memref<1x128xi32, #tpu.memory_space<vmem>>
        %dma_start3A_223 = tpu.memref_squeeze %dma_start3A_222 : memref<1x128xi32, #tpu.memory_space<vmem>> -> memref<128xi32, #tpu.memory_space<vmem>>
        %dma_start3A_224 = arith.constant 0 : i32
        %dma_start3A_225 = arith.constant 0 : i32
        %dma_start3A_226 = tpu.memref_slice %arg3[%dma_start3A_224, %dma_start3A_225] : memref<1000000x64xf32, #tpu.memory_space<hbm>> -> memref<1000000x64xf32, #tpu.memory_space<hbm>>
        tpu.enqueue_indirect_dma source(%dma_start3A_226 : memref<1000000x64xf32, #tpu.memory_space<hbm>>) target(%arg8 : memref<128x64xf32, #tpu.memory_space<vmem>>) offsets(%dma_start3A_223 : memref<128xi32, #tpu.memory_space<vmem>>) semaphore(%arg14 : memref<!tpu.dma_semaphore, #tpu.memory_space<semaphore_mem>>)
      } else {
      }
      %dma_start3A_171 = arith.constant 0 : i32
      %dma_start3A_172 = arith.constant 0 : i32
      %dma_start3A_173 = tpu.memref_slice %arg10[%dma_start3A_171, %dma_start3A_172] : memref<64x129xf32, #tpu.memory_space<vmem>> -> memref<64x128xf32, #tpu.memory_space<vmem>>
      %dma_start3A_174 = arith.constant 0 : i32
      %dma_start3A_175 = tpu.memref_slice %arg4[%add3A_150, %dma_start3A_174, %mul3A_2] : memref<200x64x4096xf32, #tpu.memory_space<hbm>> -> memref<1x64x128xf32, #tpu.memory_space<hbm>>
      %dma_start3A_176 = tpu.memref_squeeze %dma_start3A_175 : memref<1x64x128xf32, #tpu.memory_space<hbm>> -> memref<64x128xf32, #tpu.memory_space<hbm>>
      %dma_start3A_177 = arith.constant 0 : i32
      %dma_start3A_178 = tpu.memref_slice %arg4[%add3A_150, %dma_start3A_177, %mul3A_2] : memref<200x64x4096xf32, #tpu.memory_space<hbm>> -> memref<1x64x128xf32, #tpu.memory_space<hbm>>
      %dma_start3A_179 = tpu.memref_squeeze %dma_start3A_178 : memref<1x64x128xf32, #tpu.memory_space<hbm>> -> memref<64x128xf32, #tpu.memory_space<hbm>>
      %dma_start3A_180 = arith.constant 0 : i32
      %dma_start3A_181 = arith.constant 0 : i32
      %dma_start3A_182 = tpu.memref_slice %arg10[%dma_start3A_180, %dma_start3A_181] : memref<64x129xf32, #tpu.memory_space<vmem>> -> memref<64x128xf32, #tpu.memory_space<vmem>>
      tpu.enqueue_dma source(%dma_start3A_182 : memref<64x128xf32, #tpu.memory_space<vmem>>) target(%dma_start3A_179 : memref<64x128xf32, #tpu.memory_space<hbm>>) target_semaphore(%arg16 : memref<!tpu.dma_semaphore, #tpu.memory_space<semaphore_mem>>)
      %mul3A_183 = arith.constant 4 : i32
      %mul3A_184 = arith.muli %scan3A_79, %mul3A_183 : i32
      %add3A_185 = arith.constant 3 : i32
      %add3A_186 = arith.addi %mul3A_184, %add3A_185 : i32
      %dma_wait3A_187 = arith.constant 0 : i32
      %dma_wait3A_188 = arith.constant 0 : i32
      %dma_wait3A_189 = tpu.memref_slice %arg5[%dma_wait3A_187, %dma_wait3A_188] : memref<200x128xi32, #tpu.memory_space<vmem>> -> memref<1x128xi32, #tpu.memory_space<vmem>>
      %dma_wait3A_190 = tpu.memref_squeeze %dma_wait3A_189 : memref<1x128xi32, #tpu.memory_space<vmem>> -> memref<128xi32, #tpu.memory_space<vmem>>
      %dma_wait3A_191 = arith.constant 0 : i32
      %dma_wait3A_192 = arith.constant 0 : i32
      %dma_wait3A_193 = tpu.memref_slice %arg3[%dma_wait3A_191, %dma_wait3A_192] : memref<1000000x64xf32, #tpu.memory_space<hbm>> -> memref<1000000x64xf32, #tpu.memory_space<hbm>>
      tpu.wait_indirect_dma semaphore(%arg15 : memref<!tpu.dma_semaphore, #tpu.memory_space<semaphore_mem>>) src(%dma_wait3A_193 : memref<1000000x64xf32, #tpu.memory_space<hbm>>) dst(%arg9 : memref<128x64xf32, #tpu.memory_space<vmem>>)
      %ge3A_194 = arith.constant 2 : i32
      %ge3A_195 = arith.cmpi sge, %add3A_186, %ge3A_194 : i32
      %convert_element_type3A_196 = arith.extui %ge3A_195 : i1 to i32
      %cond3A_197 = arith.constant 0 : i32
      %cond3A_198 = arith.cmpi ne, %convert_element_type3A_196, %cond3A_197 : i32
      scf.if %cond3A_198 {
        %dma_wait3A_219 = arith.constant 0 : i32
        %dma_wait3A_220 = arith.constant 0 : i32
        %dma_wait3A_221 = arith.constant 0 : i32
        %dma_wait3A_222 = tpu.memref_slice %arg11[%dma_wait3A_220, %dma_wait3A_221] : memref<64x129xf32, #tpu.memory_space<vmem>> -> memref<64x128xf32, #tpu.memory_space<vmem>>
        %dma_wait3A_223 = arith.constant 0 : i32
        %dma_wait3A_224 = arith.constant 0 : i32
        %dma_wait3A_225 = tpu.memref_slice %arg4[%dma_wait3A_219, %dma_wait3A_223, %dma_wait3A_224] : memref<200x64x4096xf32, #tpu.memory_space<hbm>> -> memref<1x64x128xf32, #tpu.memory_space<hbm>>
        %dma_wait3A_226 = tpu.memref_squeeze %dma_wait3A_225 : memref<1x64x128xf32, #tpu.memory_space<hbm>> -> memref<64x128xf32, #tpu.memory_space<hbm>>
        %dma_wait3A_227 = arith.constant 0 : i32
        %dma_wait3A_228 = arith.constant 0 : i32
        %dma_wait3A_229 = tpu.memref_slice %arg4[%dma_wait3A_219, %dma_wait3A_227, %dma_wait3A_228] : memref<200x64x4096xf32, #tpu.memory_space<hbm>> -> memref<1x64x128xf32, #tpu.memory_space<hbm>>
        %dma_wait3A_230 = tpu.memref_squeeze %dma_wait3A_229 : memref<1x64x128xf32, #tpu.memory_space<hbm>> -> memref<64x128xf32, #tpu.memory_space<hbm>>
        %dma_wait3A_231 = arith.constant 0 : i32
        %dma_wait3A_232 = arith.constant 0 : i32
        %dma_wait3A_233 = tpu.memref_slice %arg11[%dma_wait3A_231, %dma_wait3A_232] : memref<64x129xf32, #tpu.memory_space<vmem>> -> memref<64x128xf32, #tpu.memory_space<vmem>>
        tpu.wait_dma2 semaphore(%arg17 : memref<!tpu.dma_semaphore, #tpu.memory_space<semaphore_mem>>) src(%dma_wait3A_233 : memref<64x128xf32, #tpu.memory_space<vmem>>) dst(%dma_wait3A_230 : memref<64x128xf32, #tpu.memory_space<hbm>>)
      } else {
      }
      %parallel_loop3A_199 = arith.constant 0 : i32
      %parallel_loop3A_200 = arith.constant 128 : i32
      %parallel_loop3A_201 = arith.constant 1 : i32
      scf.for %parallel_loop3A_219 = %parallel_loop3A_199 to %parallel_loop3A_200 step %parallel_loop3A_201  : i32 {
        %parallel_loop3A_220 = vector.broadcast %parallel_loop3A_219 : i32 to vector<16xi32>
        %parallel_loop3A_221 = arith.index_cast %parallel_loop3A_219 : i32 to index
        %parallel_loop3A_222 = arith.constant 0 : index
        %parallel_loop3A_223 = tpu.vector_load %arg9[%parallel_loop3A_221, %parallel_loop3A_222] {strides = array<i32>} : memref<128x64xf32, #tpu.memory_space<vmem>>, vector<16xf32>,
        %parallel_loop3A_224 = arith.constant 8.000000e+00 : f32
        %parallel_loop3A_225 = vector.broadcast %parallel_loop3A_224 : f32 to vector<16xf32>
        %parallel_loop3A_226 = arith.mulf %parallel_loop3A_223, %parallel_loop3A_225 : vector<16xf32>
        tpu.vector_store_idx %arg11[%add3A_5, %parallel_loop3A_220], %parallel_loop3A_226 : memref<64x129xf32, #tpu.memory_space<vmem>>[vector<16xi32>, vector<16xi32>], vector<16xf32>,
        %parallel_loop3A_227 = arith.index_cast %parallel_loop3A_219 : i32 to index
        %parallel_loop3A_228 = arith.constant 16 : index
        %parallel_loop3A_229 = tpu.vector_load %arg9[%parallel_loop3A_227, %parallel_loop3A_228] {strides = array<i32>} : memref<128x64xf32, #tpu.memory_space<vmem>>, vector<16xf32>,
        %parallel_loop3A_230 = arith.constant 8.000000e+00 : f32
        %parallel_loop3A_231 = vector.broadcast %parallel_loop3A_230 : f32 to vector<16xf32>
        %parallel_loop3A_232 = arith.mulf %parallel_loop3A_229, %parallel_loop3A_231 : vector<16xf32>
        tpu.vector_store_idx %arg11[%add3A_9, %parallel_loop3A_220], %parallel_loop3A_232 : memref<64x129xf32, #tpu.memory_space<vmem>>[vector<16xi32>, vector<16xi32>], vector<16xf32>,
        %parallel_loop3A_233 = arith.index_cast %parallel_loop3A_219 : i32 to index
        %parallel_loop3A_234 = arith.constant 32 : index
        %parallel_loop3A_235 = tpu.vector_load %arg9[%parallel_loop3A_233, %parallel_loop3A_234] {strides = array<i32>} : memref<128x64xf32, #tpu.memory_space<vmem>>, vector<16xf32>,
        %parallel_loop3A_236 = arith.constant 8.000000e+00 : f32
        %parallel_loop3A_237 = vector.broadcast %parallel_loop3A_236 : f32 to vector<16xf32>
        %parallel_loop3A_238 = arith.mulf %parallel_loop3A_235, %parallel_loop3A_237 : vector<16xf32>
        tpu.vector_store_idx %arg11[%add3A_13, %parallel_loop3A_220], %parallel_loop3A_238 : memref<64x129xf32, #tpu.memory_space<vmem>>[vector<16xi32>, vector<16xi32>], vector<16xf32>,
        %parallel_loop3A_239 = arith.index_cast %parallel_loop3A_219 : i32 to index
        %parallel_loop3A_240 = arith.constant 48 : index
        %parallel_loop3A_241 = tpu.vector_load %arg9[%parallel_loop3A_239, %parallel_loop3A_240] {strides = array<i32>} : memref<128x64xf32, #tpu.memory_space<vmem>>, vector<16xf32>,
        %parallel_loop3A_242 = arith.constant 8.000000e+00 : f32
        %parallel_loop3A_243 = vector.broadcast %parallel_loop3A_242 : f32 to vector<16xf32>
        %parallel_loop3A_244 = arith.mulf %parallel_loop3A_241, %parallel_loop3A_243 : vector<16xf32>
        tpu.vector_store_idx %arg11[%add3A_17, %parallel_loop3A_220], %parallel_loop3A_244 : memref<64x129xf32, #tpu.memory_space<vmem>>[vector<16xi32>, vector<16xi32>], vector<16xf32>,
      } {sc.loop_unroll_factor = 2 : i64, sc.parallel_access}
      %lt3A_202 = arith.constant 196 : i32
      %lt3A_203 = arith.cmpi slt, %add3A_186, %lt3A_202 : i32
      %convert_element_type3A_204 = arith.extui %lt3A_203 : i1 to i32
      %cond3A_205 = arith.constant 0 : i32
      %cond3A_206 = arith.cmpi ne, %convert_element_type3A_204, %cond3A_205 : i32
      scf.if %cond3A_206 {
        %add3A_219 = arith.constant 4 : i32
        %add3A_220 = arith.addi %add3A_186, %add3A_219 : i32
        %dma_start3A_221 = arith.constant 0 : i32
        %dma_start3A_222 = tpu.memref_slice %arg5[%add3A_220, %dma_start3A_221] : memref<200x128xi32, #tpu.memory_space<vmem>> -> memref<1x128xi32, #tpu.memory_space<vmem>>
        %dma_start3A_223 = tpu.memref_squeeze %dma_start3A_222 : memref<1x128xi32, #tpu.memory_space<vmem>> -> memref<128xi32, #tpu.memory_space<vmem>>
        %dma_start3A_224 = arith.constant 0 : i32
        %dma_start3A_225 = arith.constant 0 : i32
        %dma_start3A_226 = tpu.memref_slice %arg3[%dma_start3A_224, %dma_start3A_225] : memref<1000000x64xf32, #tpu.memory_space<hbm>> -> memref<1000000x64xf32, #tpu.memory_space<hbm>>
        tpu.enqueue_indirect_dma source(%dma_start3A_226 : memref<1000000x64xf32, #tpu.memory_space<hbm>>) target(%arg9 : memref<128x64xf32, #tpu.memory_space<vmem>>) offsets(%dma_start3A_223 : memref<128xi32, #tpu.memory_space<vmem>>) semaphore(%arg15 : memref<!tpu.dma_semaphore, #tpu.memory_space<semaphore_mem>>)
      } else {
      }
      %dma_start3A_207 = arith.constant 0 : i32
      %dma_start3A_208 = arith.constant 0 : i32
      %dma_start3A_209 = tpu.memref_slice %arg11[%dma_start3A_207, %dma_start3A_208] : memref<64x129xf32, #tpu.memory_space<vmem>> -> memref<64x128xf32, #tpu.memory_space<vmem>>
      %dma_start3A_210 = arith.constant 0 : i32
      %dma_start3A_211 = tpu.memref_slice %arg4[%add3A_186, %dma_start3A_210, %mul3A_2] : memref<200x64x4096xf32, #tpu.memory_space<hbm>> -> memref<1x64x128xf32, #tpu.memory_space<hbm>>
      %dma_start3A_212 = tpu.memref_squeeze %dma_start3A_211 : memref<1x64x128xf32, #tpu.memory_space<hbm>> -> memref<64x128xf32, #tpu.memory_space<hbm>>
      %dma_start3A_213 = arith.constant 0 : i32
      %dma_start3A_214 = tpu.memref_slice %arg4[%add3A_186, %dma_start3A_213, %mul3A_2] : memref<200x64x4096xf32, #tpu.memory_space<hbm>> -> memref<1x64x128xf32, #tpu.memory_space<hbm>>
      %dma_start3A_215 = tpu.memref_squeeze %dma_start3A_214 : memref<1x64x128xf32, #tpu.memory_space<hbm>> -> memref<64x128xf32, #tpu.memory_space<hbm>>
      %dma_start3A_216 = arith.constant 0 : i32
      %dma_start3A_217 = arith.constant 0 : i32
      %dma_start3A_218 = tpu.memref_slice %arg11[%dma_start3A_216, %dma_start3A_217] : memref<64x129xf32, #tpu.memory_space<vmem>> -> memref<64x128xf32, #tpu.memory_space<vmem>>
      tpu.enqueue_dma source(%dma_start3A_218 : memref<64x128xf32, #tpu.memory_space<vmem>>) target(%dma_start3A_215 : memref<64x128xf32, #tpu.memory_space<hbm>>) target_semaphore(%arg17 : memref<!tpu.dma_semaphore, #tpu.memory_space<semaphore_mem>>)
    }
    %scan3A_49 = arith.constant 50 : i32
    %dma_wait3A = arith.constant 0 : i32
    %dma_wait3A_50 = arith.constant 0 : i32
    %dma_wait3A_51 = arith.constant 0 : i32
    %dma_wait3A_52 = tpu.memref_slice %arg10[%dma_wait3A_50, %dma_wait3A_51] : memref<64x129xf32, #tpu.memory_space<vmem>> -> memref<64x128xf32, #tpu.memory_space<vmem>>
    %dma_wait3A_53 = arith.constant 0 : i32
    %dma_wait3A_54 = arith.constant 0 : i32
    %dma_wait3A_55 = tpu.memref_slice %arg4[%dma_wait3A, %dma_wait3A_53, %dma_wait3A_54] : memref<200x64x4096xf32, #tpu.memory_space<hbm>> -> memref<1x64x128xf32, #tpu.memory_space<hbm>>
    %dma_wait3A_56 = tpu.memref_squeeze %dma_wait3A_55 : memref<1x64x128xf32, #tpu.memory_space<hbm>> -> memref<64x128xf32, #tpu.memory_space<hbm>>
    %dma_wait3A_57 = arith.constant 0 : i32
    %dma_wait3A_58 = arith.constant 0 : i32
    %dma_wait3A_59 = tpu.memref_slice %arg4[%dma_wait3A, %dma_wait3A_57, %dma_wait3A_58] : memref<200x64x4096xf32, #tpu.memory_space<hbm>> -> memref<1x64x128xf32, #tpu.memory_space<hbm>>
    %dma_wait3A_60 = tpu.memref_squeeze %dma_wait3A_59 : memref<1x64x128xf32, #tpu.memory_space<hbm>> -> memref<64x128xf32, #tpu.memory_space<hbm>>
    %dma_wait3A_61 = arith.constant 0 : i32
    %dma_wait3A_62 = arith.constant 0 : i32
    %dma_wait3A_63 = tpu.memref_slice %arg10[%dma_wait3A_61, %dma_wait3A_62] : memref<64x129xf32, #tpu.memory_space<vmem>> -> memref<64x128xf32, #tpu.memory_space<vmem>>
    tpu.wait_dma2 semaphore(%arg16 : memref<!tpu.dma_semaphore, #tpu.memory_space<semaphore_mem>>) src(%dma_wait3A_63 : memref<64x128xf32, #tpu.memory_space<vmem>>) dst(%dma_wait3A_60 : memref<64x128xf32, #tpu.memory_space<hbm>>)
    %dma_wait3A_64 = arith.constant 0 : i32
    %dma_wait3A_65 = arith.constant 0 : i32
    %dma_wait3A_66 = arith.constant 0 : i32
    %dma_wait3A_67 = tpu.memref_slice %arg11[%dma_wait3A_65, %dma_wait3A_66] : memref<64x129xf32, #tpu.memory_space<vmem>> -> memref<64x128xf32, #tpu.memory_space<vmem>>
    %dma_wait3A_68 = arith.constant 0 : i32
    %dma_wait3A_69 = arith.constant 0 : i32
    %dma_wait3A_70 = tpu.memref_slice %arg4[%dma_wait3A_64, %dma_wait3A_68, %dma_wait3A_69] : memref<200x64x4096xf32, #tpu.memory_space<hbm>> -> memref<1x64x128xf32, #tpu.memory_space<hbm>>
    %dma_wait3A_71 = tpu.memref_squeeze %dma_wait3A_70 : memref<1x64x128xf32, #tpu.memory_space<hbm>> -> memref<64x128xf32, #tpu.memory_space<hbm>>
    %dma_wait3A_72 = arith.constant 0 : i32
    %dma_wait3A_73 = arith.constant 0 : i32
    %dma_wait3A_74 = tpu.memref_slice %arg4[%dma_wait3A_64, %dma_wait3A_72, %dma_wait3A_73] : memref<200x64x4096xf32, #tpu.memory_space<hbm>> -> memref<1x64x128xf32, #tpu.memory_space<hbm>>
    %dma_wait3A_75 = tpu.memref_squeeze %dma_wait3A_74 : memref<1x64x128xf32, #tpu.memory_space<hbm>> -> memref<64x128xf32, #tpu.memory_space<hbm>>
    %dma_wait3A_76 = arith.constant 0 : i32
    %dma_wait3A_77 = arith.constant 0 : i32
    %dma_wait3A_78 = tpu.memref_slice %arg11[%dma_wait3A_76, %dma_wait3A_77] : memref<64x129xf32, #tpu.memory_space<vmem>> -> memref<64x128xf32, #tpu.memory_space<vmem>>
    tpu.wait_dma2 semaphore(%arg17 : memref<!tpu.dma_semaphore, #tpu.memory_space<semaphore_mem>>) src(%dma_wait3A_78 : memref<64x128xf32, #tpu.memory_space<vmem>>) dst(%dma_wait3A_75 : memref<64x128xf32, #tpu.memory_space<hbm>>)
    return
  }
}

</mosaic_0001>

<sc_bundles>
// kernel: kernel.4.cloned.1.call-start
scs
__scs_entry_jumppad:
0x0: {  	(pc) =	sbr.rel $0x88, $3  }
0x1: {  	(tag) =	ssettag $0x0;
	lr =	simm.s32 $0x1  }
0x2: {  	[smem:$0x3F9F] =	sst lr;
	_ =	strace $0xD0000000  }
0x3: {  	_ = 	snop  }
0x4: {  	_ = 	snop  }
0x5: {  	_ = 	snop  }
0x6: {  	_ = 	snop  }
0x7: {  	_ = 	snop  }
__scs_overlays_trampoline_lowered:
0x8: {  	[smem:$0x3FAE] =	sst s0  }
0x9: {  	[smem:$0x3FAF] =	sst s1  }
0xa: {  	[smem:$0x3FB0] =	sst s2  }
0xb: {  	[smem:$0x3FB1] =	sst s3  }
0xc: {  	[smem:$0x3FB2] =	sst s4  }
0xd: {  	[smem:$0x3FB3] =	sst s5  }
0xe: {  	[smem:$0x3FB4] =	sst s6  }
0xf: {  	[smem:$0x3FB5] =	sst s7  }
0x10: {  	[smem:$0x3FB6] =	sst s8  }
0x11: {  	[smem:$0x3FB7] =	sst s9;
	s0 =	simm.s32 @!p0 $0x0  }
0x12: {  	s1 =	sld [smem:$0x3F9D];
	s0 =	simm.s32 @p0 $0x1  }
0x13: {  	[smem:$0x3FB8] =	sst s0;
	s0 =	simm.s32 @!p1 $0x0  }
0x14: {  	s2 =	sld [smem:$0x3F9C];
	s0 =	simm.s32 @p1 $0x1  }
0x15: {  	[smem:$0x3FB9] =	sst s0;
	s0 =	simm.s32 @!p2 $0x0  }
0x16: {  	s3 =	sld [smem:$0x3FDB];
	s0 =	simm.s32 @p2 $0x1  }
0x17: {  	s4 =	simm.s32 $0x1BF5;
	[smem:$0x3FBB] =	sst s0  }
0x18: {  	s0 =	sld [smem:$0x3F9E];
	_ =	swait.ge [sflag:s4], $0x0  }
0x19: {  	s7 =	sld [smem:$0x3F9F]  }
0x1a: {  	s8 =	sadd.s32 $0xFFFFE003, lr  }
0x1b: {  	s9 =	sadd.s32 $0xFFFFFEF7, lr;
	s5 =	simm.s32 $0xFFFFFFFF;
	p2 =	slt.u32 s8, $0xFFFFF086  }
0x1c: {  	p1 =	slt.u32 s9, $0xF7A;
	s5 =	simm.s32 @!p2 $0x0  }
0x1d: {  	s5 =	simm.s32 @p1 $0x1;
	p0 =	seq.s32 s7, s2  }
0x1e: {  	s7 =	smul.u32 @!p0 $0xF7A, s2;
	p2 =	seq.s32 @!p0 s5, $0x0  }
0x1f: {  	s9 =	smul.u32 $0xF7A, s1;
	s8 =	simm.s32 @!p0 $0x1BF5;
	p2 =	por !p2, p0  }
0x20: {  	[sflag:s8] =	ssyncset.s32 @!p0 $0xFFFFF086;
	s6 =	sadd.s32 @!p0 s3, s7;
	s7 =	simm.s32 @!p0 $0x108  }
0x21: {  	s3 =	sadd.s32 s3, s9;
	s6 =	sadd.s32 @!p0 $0x88, s6;
	s7 =	simm.s32 @p2 $0x1082  }
0x22: {  	[simem:s7], [sflag:s8] =	dma.local @!p0 [hbm:s6], $0xF7A  }
0x23: {  	s9 =	sor.u32 $0xD0000000, s2;
	s6 =	simm.s32 $0x108;
	_ =	swait.ge @!p0 [sflag:s8], $0x0  }
0x24: {  	s3 =	sadd.s32 $0x88, s3;
	s6 =	simm.s32 @!p1 $0x1082;
	[sflag:s4] =	ssyncset.s32 $0xFFFFF086  }
0x25: {  	[simem:s6], [sflag:s4] =	dma.local [hbm:s3], $0xF7A  }
0x26: {  	[smem:$0x3F9F] =	sst s1;
	(tag) =	ssettag s2;
	_ =	strace s9  }
0x27: {  	s1 =	sld [smem:$0x3FAF]  }
0x28: {  	s2 =	sld [smem:$0x3FB0]  }
0x29: {  	s4 =	sld [smem:$0x3FB2]  }
0x2a: {  	p0 =	seq.s32 s5, $0x0;
	s5 =	sld [smem:$0x3FB3]  }
0x2b: {  	s6 =	sld [smem:$0x3FB4]  }
0x2c: {  	s7 =	sld [smem:$0x3FB5]  }
0x2d: {  	s3 =	simm.s32 $0x108;
	s8 =	sld [smem:$0x3FB6]  }
0x2e: {  	s3 =	simm.s32 @!p0 $0x1082;
	s9 =	sld [smem:$0x3FB7]  }
0x2f: {  	lr =	sadd.s32 s0, s3;
	s0 =	sld [smem:$0x3FAE]  }
0x30: {  	s3 =	sld [smem:$0x3FB1]  }
0x31: {  	[smem:$0x3FBA] =	sst s10  }
0x32: {  	s10 =	sld [smem:$0x3FB8];
	_ =	sdelay $0x3  }
0x33: {  	p0 =	seq.s32 s10, $0x1;
	s10 =	sld [smem:$0x3FBA];
	_ =	sdelay $0x3  }
0x34: {  	[smem:$0x3FBA] =	sst s10  }
0x35: {  	s10 =	sld [smem:$0x3FB9];
	_ =	sdelay $0x3  }
0x36: {  	p1 =	seq.s32 s10, $0x1;
	s10 =	sld [smem:$0x3FBA];
	_ =	sdelay $0x3  }
0x37: {  	[smem:$0x3FBA] =	sst s10  }
0x38: {  	s10 =	sld [smem:$0x3FBB]  }
0x39: {  	_ = 	snop;
	(pc) =	sbr.ind lr, $3  }
0x3a: {  	_ = 	snop  }
0x3b: {  	_ = 	snop  }
0x3c: {  	p2 =	seq.s32 s10, $0x1;
	s10 =	sld [smem:$0x3FBA]  }
0x3d: {  	_ =	shalt  }
0x3e: {  	_ =	shalt  }
0x3f: {  	_ =	shalt  }
0x40: {  	_ =	shalt  }
0x41: {  	_ =	shalt  }
0x42: {  	_ =	shalt  }
0x43: {  	_ =	shalt  }
0x44: {  	_ =	shalt  }
0x45: {  	_ =	shalt  }
0x46: {  	_ =	shalt  }
0x47: {  	_ =	shalt  }
0x48: {  	_ =	shalt  }
0x49: {  	_ =	shalt  }
0x4a: {  	_ =	shalt  }
0x4b: {  	_ =	shalt  }
0x4c: {  	_ =	shalt  }
0x4d: {  	_ =	shalt  }
0x4e: {  	_ =	shalt  }
0x4f: {  	_ =	shalt  }
0x50: {  	_ =	shalt  }
0x51: {  	_ =	shalt  }
0x52: {  	_ =	shalt  }
0x53: {  	_ =	shalt  }
0x54: {  	_ =	shalt  }
0x55: {  	_ =	shalt  }
0x56: {  	_ =	shalt  }
0x57: {  	_ =	shalt  }
0x58: {  	_ =	shalt  }
0x59: {  	_ =	shalt  }
0x5a: {  	_ =	shalt  }
0x5b: {  	_ =	shalt  }
0x5c: {  	_ =	shalt  }
0x5d: {  	_ =	shalt  }
0x5e: {  	_ =	shalt  }
0x5f: {  	_ =	shalt  }
0x60: {  	_ =	shalt  }
0x61: {  	_ =	shalt  }
0x62: {  	_ =	shalt  }
0x63: {  	_ =	shalt  }
0x64: {  	_ =	shalt  }
0x65: {  	_ =	shalt  }
0x66: {  	_ =	shalt  }
0x67: {  	_ =	shalt  }
0x68: {  	_ =	shalt  }
0x69: {  	_ =	shalt  }
0x6a: {  	_ =	shalt  }
0x6b: {  	_ =	shalt  }
0x6c: {  	_ =	shalt  }
0x6d: {  	_ =	shalt  }
0x6e: {  	_ =	shalt  }
0x6f: {  	_ =	shalt  }
0x70: {  	_ =	shalt  }
0x71: {  	_ =	shalt  }
0x72: {  	_ =	shalt  }
0x73: {  	_ =	shalt  }
0x74: {  	_ =	shalt  }
0x75: {  	_ =	shalt  }
0x76: {  	_ =	shalt  }
0x77: {  	_ =	shalt  }
0x78: {  	_ =	shalt  }
0x79: {  	_ =	shalt  }
0x7a: {  	_ =	shalt  }
0x7b: {  	_ =	shalt  }
0x7c: {  	_ =	shalt  }
0x7d: {  	_ =	shalt  }
0x7e: {  	_ =	shalt  }
0x7f: {  	_ =	shalt  }
0x80: {  	_ =	shalt  }
0x81: {  	_ =	shalt  }
0x82: {  	_ =	shalt  }
0x83: {  	_ =	shalt  }
0x84: {  	_ =	shalt  }
0x85: {  	_ =	shalt  }
0x86: {  	_ =	shalt  }
0x87: {  	_ =	shalt  }
.Lfunc_end0:
.L_simem_size_0:
called_computation_lowered:
.L_overlay_start_0:
0x88: {  	s2 =	sld [smem:$0x3FD9]  }
0x89: {  	s3 =	sld [smem:$0x3FFE];
	_ =	sdelay $0x1  }
0x8a: {  	s1 =	srdreg.scid  }
0x8b: {  	s0 =	sand.u32 $0x1, s1  }
0x8c: {  	s17 =	sshll.u32 s0, $0xA;
	s2 =	sadd.s32 s3, s2  }
0x8d: {  	s2 =	sadd.s32 s2, s17  }
0x8e: {  	[smem:$0x3FC6] =	sst s2  }
0x8f: {  	_ = 	snop  }
0x90: {  	s2 =	sld [smem:$0x3FC8];
	(tm) =	ssettm $0x1  }
0x91: {  	s18 =	sld [smem:$0x3FFB];
	_ =	sdelay $0x3  }
0x92: {  	_ =	strace s18  }
0x93: {  	s3 =	sld [smem:$0x3FFC];
	_ =	sdelay $0x3  }
0x94: {  	_ =	strace s3  }
0x95: {  	s3 =	sld [smem:$0x3FFD];
	_ =	sdelay $0x3  }
0x96: {  	_ =	strace s3  }
0x97: {  	_ =	strace $0x8FFFFFFF  }
0x98: {  	s19 =	sld [smem:$0x3FDB];
	_ =	sdelay $0x1  }
0x99: {  	s4 =	simm.s32 $_scs_section_size  }
0x9a: {  	s5 =	simm.s32 $_size__tile_overlayer_lowered;
	s6 =	simm.s32 $_tile_overlayer_lowered  }
0x9b: {  	s22 =	simm.s32 $0x1BFF;
	s21 =	sshll.u32 s6, $0x1;
	s3 =	sadd.s32 s4, s19  }
0x9c: {  	s7 =	simm.s32 $0x0;
	s20 =	sshll.u32 s5, $0x1;
	s5 =	sadd.s32 s21, s3  }
0x9d: {  	[timem:s7], [sflag:s22] =	dma.local [hbm:s5], s20  }
0x9e: {  	_ =	swait.ge [sflag:s22], s20  }
0x9f: {  	s4 =	ssub.s32 $0x0, s20;
	[sflag:s22] =	ssyncset.done $0x0  }
0xa0: {  	[sflag:s22] =	ssyncadd.s32 s4;
	_ =	sdelay $0x1  }
0xa1: {  	s23 =	simm.s32 $0x1B8B  }
0xa2: {  	_ =	swait.ge [sflag:s23], $0x1  }
0xa3: {  	[sflag:s23] =	ssyncset.done $0x0  }
0xa4: {  	s25 =	simm.s32 $0x1B8E;
	s24 =	sld [smem:$0x3FFE];
	[sflag:s23] =	ssyncadd.s32 $0xFFFFFFFF  }
0xa5: {  	s26 =	simm.s32 $execute0_lowered;
	[smem:$0x3FD2] =	sst s25  }
0xa6: {  	s5 =	sshll.u32 s26, $0x1;
	_ =	strace $0x80000046;
	[dreg:$0x1] =	wrdreg $0xFFFFFFFF  }
0xa7: {  	s28 =	simm.s32 $_size_execute0_lowered;
	s3 =	sadd.s32 s3, s5;
	[dreg:$0x0] =	wrdreg $0x0  }
0xa8: {  	s5 =	sshll.u32 s28, $0x1;
	[dreg:$0x2] =	wrdreg s3  }
0xa9: {  	[dreg:$0x3] =	wrdreg s5  }
0xaa: {  	[dreg:$0x4] =	wrdreg $0xC0  }
0xab: {  	_ =	task [dreg:s7], $0x5FFFF  }
0xac: {  	[dreg:$0x1] =	wrdreg $0xFFFFFFFF  }
0xad: {  	[dreg:$0x0] =	wrdreg $0x60  }
0xae: {  	[dreg:$0x2] =	wrdreg s2  }
0xaf: {  	[dreg:$0x3] =	wrdreg s24  }
0xb0: {  	[dreg:$0x4] =	wrdreg $0x9  }
0xb1: {  	_ =	task.clear_ibuf [dreg:s7], $0x5FFFF;
	_ =	strace $0x90000046  }
0xb2: {  	s29 =	simm.s32 $0x9;
	_ =	strace $0x80000048  }
0xb3: {  	_ =	swait.ge [sflag:s29], $0x1  }
0xb4: {  	[sflag:s29] =	ssyncadd.s32 $0xFFFFFFFF  }
0xb5: {  	_ =	strace $0x90000048  }
0xb6: {  	_ =	sfence  }
0xb7: {  	s30 =	sld [smem:$0x0];
	_ =	sdelay $0x2  }
0xb8: {  	s31 =	sshll.u32 s1, $0xD;
	s1 =	sshrl.u32 s1, $0x2  }
0xb9: {  	s3 =	sand.u32 $0x4000, s31;
	s1 =	sadd.s32 s1, s30  }
0xba: {  	s0 =	sor.u32 s3, s0;
	s1 =	sshll.u32 s1, $0x11  }
0xbb: {  	s0 =	sor.u32 s1, s0  }
0xbc: {  	s0 =	sadd.s32 $0x8F2B, s0  }
0xbd: {  	[sflag:s0] =	ssyncadd.remote.s32 $0x1  }
0xbe: {  	_ =	sfence.sel $0xFFFF  }
0xbf: {  	[dreg:$0x0] =	wrdreg $0xFFFFFFFF;
	(pc) =	sbr.abs _section_cstart, $3  }
0xc0: {  	[dreg:$0x1] =	wrdreg $0xFFFFFFFF  }
0xc1: {  	_ =	task.clear_ibuf [dreg:s7], $0x2FFFF;
	_ =	strace $0x9FFFFFFF  }
0xc2: {  	(tm) =	ssettm $0x7FFFFFFF  }
0xc3: {  	_ =	shalt  }
tec
execute0_lowered:
.L_overlay_start_1:
0x0: {  	(tag) =	ssettag $0x1  }
0x1: {  	v0 =	vimm.s32 $0xB80;
	vm14 =	vcmask $0x300;
	vm13 =	vcmask $0x704  }
0x2: {  	vm12 =	vcmask $0xB08;
	vm11 =	vcmask $0xF0C;
	vm10 =	vcmask $0x1310  }
0x3: {  	vm9 =	vcmask $0x1714;
	vm8 =	vcmask $0x1B18;
	vm7 =	vcmask $0x1F1C  }
0x4: {  	vm6 =	vcmask $0x2320;
	vm5 =	vcmask $0x2724;
	vm4 =	vcmask $0x2B28  }
0x5: {  	vm3 =	vcmask $0x2F2C;
	vm2 =	vcmask $0x3330;
	vm1 =	vcmask $0x3734  }
0x6: {  	vm0 =	vcmask $0x3B38;
	v1 =	vimm.s32 $0x1B80;
	v2 =	vimm.s32 $0x2B80  }
0x7: {  	v3 =	vimm.s32 $0x3B80;
	v0 =	vsel vm14, $0x0, v0;
	v1 =	vsel vm14, $0x1000, v1  }
0x8: {  	v2 =	vsel vm14, $0x2000, v2;
	v3 =	vsel vm14, $0x3000, v3;
	v0 =	vsel vm13, $0x80, v0  }
0x9: {  	v1 =	vsel vm13, $0x1080, v1;
	v2 =	vsel vm13, $0x2080, v2;
	v3 =	vsel vm13, $0x3080, v3  }
0xa: {  	v0 =	vsel vm12, $0x100, v0;
	v1 =	vsel vm12, $0x1100, v1;
	v2 =	vsel vm12, $0x2100, v2  }
0xb: {  	v3 =	vsel vm12, $0x3100, v3;
	v0 =	vsel vm11, $0x180, v0;
	v1 =	vsel vm11, $0x1180, v1  }
0xc: {  	v2 =	vsel vm11, $0x2180, v2;
	v3 =	vsel vm11, $0x3180, v3;
	v0 =	vsel vm10, $0x200, v0  }
0xd: {  	v1 =	vsel vm10, $0x1200, v1;
	v2 =	vsel vm10, $0x2200, v2;
	v3 =	vsel vm10, $0x3200, v3  }
0xe: {  	v0 =	vsel vm9, $0x280, v0;
	v1 =	vsel vm9, $0x1280, v1;
	v2 =	vsel vm9, $0x2280, v2  }
0xf: {  	v3 =	vsel vm9, $0x3280, v3;
	v0 =	vsel vm8, $0x300, v0;
	v1 =	vsel vm8, $0x1300, v1  }
0x10: {  	s0 =	rddreg [dreg:$0x0];
	v2 =	vsel vm8, $0x2300, v2;
	v3 =	vsel vm8, $0x3300, v3;
	v0 =	vsel vm7, $0x380, v0  }
0x11: {  	s1 =	rddreg [dreg:$0x1];
	v1 =	vsel vm7, $0x1380, v1;
	v2 =	vsel vm7, $0x2380, v2;
	v3 =	vsel vm7, $0x3380, v3  }
0x12: {  	s3 =	simm.s32 $0x0;
	s2 =	srdreg.scid;
	s4 =	stileid.u32;
	v0 =	vsel vm6, $0x800, v0;
	v1 =	vsel vm6, $0x1800, v1;
	v2 =	vsel vm6, $0x2800, v2  }
0x13: {  	s15 =	simm.s32 $0x4000;
	s16 =	simm.s32 $0x1;
	s17 =	simm.s32 $0x8000;
	v3 =	vsel vm6, $0x3800, v3;
	v0 =	vsel vm5, $0x880, v0;
	v1 =	vsel vm5, $0x1880, v1  }
0x14: {  	s18 =	simm.s32 $0x2;
	s19 =	simm.s32 $0xC000;
	s20 =	simm.s32 $0x10000;
	v2 =	vsel vm5, $0x2880, v2;
	v0 =	vsel vm4, $0x900, v0;
	v1 =	vsel vm4, $0x1900, v1  }
0x15: {  	s24 =	simm.s32 $0x3;
	s25 =	simm.s32 $0x4;
	s26 =	simm.s32 $0x0;
	v3 =	vsel vm5, $0x3880, v3;
	v0 =	vsel vm3, $0x980, v0;
	v1 =	vsel vm3, $0x1980, v1  }
0x16: {  	[smem:$0x7FF] =	sst s3;
	s2 =	sand.u32 $0x1, s2;
	s5 =	sadd.s32 $0xA00, s1;
	v2 =	vsel vm4, $0x2900, v2;
	v0 =	vsel vm2, $0xA00, v0;
	v1 =	vsel vm2, $0x1A00, v1  }
0x17: {  	s4 =	sshll.u32 s4, $0x1;
	s6 =	sadd.s32 $0xE00, s1;
	s1 =	sadd.s32 $0x7A1C00, s1;
	v3 =	vsel vm4, $0x3900, v3;
	v0 =	vsel vm1, $0xA80, v0;
	v4 =	vsel vm1, $0x1A80, v1  }
.Ltmp0:
0x18: {  	_ =	strace $0x80000047;
	[dreg:$0x3] =	wrdreg s5;
	v1 =	vsel vm3, $0x2980, v2;
	v2 =	vsel vm3, $0x3980, v3;
	v3 =	vlaneseq.u32;
	(pc) =	sbr.rel .LBB2_1-.Ltmp0, $4  }
0x19: {  	s4 =	sor.u32 s2, s4;
	s2 =	ssub.s32 $0x2, s2;
	[dreg:$0x4] =	wrdreg s1;
	v0 =	vsel vm0, $0xB00, v0;
	v1 =	vsel vm2, $0x2A00, v1;
	v2 =	vsel vm2, $0x3A00, v2  }
0x1a: {  	s31 =	sshll.u32 s4, $0x8;
	s8 =	sshrl.u32 s2, $0x1;
	s9 =	sor.u32 $0x40, s4;
	v5 =	vsel vm1, $0x2A80, v1;
	v6 =	vsel vm1, $0x3A80, v2;
	v1 =	vmul.u32 $0x80, v3  }
0x1b: {  	s10 =	sor.u32 $0x60, s4;
	s7 =	sadd.s32 s0, s31;
	s2 =	ssub.s32 s2, s8;
	v2 =	vsel vm0, $0x1B00, v4;
	v3 =	vsel vm0, $0x2B00, v5;
	v4 =	vsel vm0, $0x3B00, v6  }
0x1c: {  	p0 =	sne.s32 s4, $0x1F;
	s8 =	sadd.s32 $0x2000, s7;
	s13 =	smax.u32 s2, $0x1;
	v5 =	vor.u32 $0x800, v1;
	v6 =	vor.u32 $0x1000, v1;
	v7 =	vor.u32 $0x1800, v1  }
.LBB2_15:
0x1d: {  	s26 =	sadd.s32 $0x1, s26  }
0x1e: {  	_ =	swait.ge [sflag:s24], $0x4000;
	p1 =	sne.s32 s26, s13  }
.Ltmp1:
0x1f: {  	[sflag:s24] =	ssyncset.done $0x0;
	(pc) =	sbr.rel @!p1 .LBB2_16-.Ltmp1, $4  }
0x20: {  	[sflag:s24] =	ssyncadd.s32 $0xFFFFC000  }
0x21: {  	_ =	swait.ge [sflag:s25], $0x4000  }
0x22: {  	[sflag:s25] =	ssyncset.done $0x0  }
0x23: {  	[sflag:s25] =	ssyncadd.s32 $0xFFFFC000  }
.LBB2_1:
.Ltmp2:
0x24: {  	(pc) =	sbr.rel .LBB2_2-.Ltmp2, $4  }
0x25: {  	s1 =	simm.s32 $0x800;
	s2 =	simm.s32 $0x7A1400  }
0x26: {  	[tilespmem:s3], [sflag:$0x1] =	stream.strided.gather [hbm4b:s7+s1], $0x4000, s2, s1, $0x38;
	[tilespmem:$0x14000] =	vst v63  }
0x27: {  	s28 =	simm.s32 $0x0  }
0x28: {  	[tilespmem:s15], [sflag:$0x2] =	stream.strided.gather [hbm4b:s8+s1], $0x4000, s2, s1, $0x38;
	[tilespmem:$0x14000] =	vst v63  }
.LBB2_10:
0x29: {  	s28 =	sadd.s32 $0x1, s28  }
0x2a: {  	p1 =	sne.s32 s28, $0x3E  }
.Ltmp3:
0x2b: {  	_ = 	snop;
	(pc) =	sbr.rel @!p1 .LBB2_11-.Ltmp3, $1  }
0x2c: {  	_ =	sdelay $0x3  }
.LBB2_2:
0x2d: {  	s29 =	sshll.u32 s28, $0x6  }
0x2e: {  	s30 =	sor.u32 s4, s29  }
0x2f: {  	p2 =	sgt.u32 s30, $0xF41  }
.Ltmp4:
0x30: {  	_ = 	snop;
	(pc) =	sbr.rel @p2 .LBB2_6-.Ltmp4, $2  }
0x31: {  	_ =	sdelay $0x2  }
0x32: {  	p1 =	seq.s32 s28, $0x0  }
0x33: {  	s1 =	simm.s32 $0x1  }
0x34: {  	s21 =	simm.s32 $0x3;
	v8 =	vmov s1  }
0x35: {  	v10 =	vmov s21;
	v9 =	vshll.u32 v8, $0x3  }
0x36: {  	v8 =	vand.u32 $0x7D, v8;
	v11 =	vshll.u32 v10, $0x3;
	v9 =	vand.u32 $0x400, v9  }
0x37: {  	s22 =	simm.s32 $0x2;
	_ =	swait.ge [sflag:s16], $0x4000;
	v12 =	vor.u32 v8, v9;
	v8 =	vand.u32 $0x7F, v10;
	v9 =	vand.u32 $0x400, v11  }
0x38: {  	s2 =	simm.s32 $0x0;
	[sflag:s16] =	ssyncset.done $0x0;
	v11 =	vmov s22;
	v10 =	vor.u32 v0, v12;
	v16 =	vor.u32 v8, v9  }
0x39: {  	s1 =	simm.s32 @!p1 $0x3;
	[sflag:s16] =	ssyncadd.s32 $0xFFFFC000;
	v8 =	vshll.u32 v11, $0x3;
	v9 =	vmov s2;
	v13 =	vor.u32 v0, v16  }
0x3a: {  	_ =	swait.ge @!p1 [sflag:s1], $0x4000;
	v11 =	vand.u32 $0x7E, v11;
	v8 =	vand.u32 $0x400, v8;
	v14 =	vshll.u32 v9, $0x3  }
0x3b: {  	s23 =	simm.s32 $0x5;
	[sflag:s1] =	ssyncset.done @!p1 $0x0;
	v24 =	vor.u32 v11, v8;
	v8 =	vand.u32 $0x7C, v9;
	v9 =	vand.u32 $0x400, v14  }
0x3c: {  	[sflag:s1] =	ssyncadd.s32 @!p1 $0xFFFFC000;
	v14 =	vor.u32 v0, v24;
	v11 =	vor.u32 v8, v9;
	v8 =	vmov s23  }
0x3d: {  	v15 =	vor.u32 v0, v11;
	v9 =	vshll.u32 v8, $0x3;
	v10 =	vld.idx.msk [tilespmem:v10+s3+$0x0], $0xffff  }
0x3e: {  	v18 =	vor.u32 v2, v12;
	v8 =	vand.u32 $0x7D, v8;
	v9 =	vand.u32 $0x400, v9;
	v13 =	vld.idx.msk [tilespmem:v13+s3+$0x0], $0xffff  }
0x3f: {  	s5 =	simm.s32 $0x6;
	v17 =	vor.u32 v2, v16;
	v9 =	vor.u32 v8, v9  }
0x40: {  	v8 =	vmov s5;
	v19 =	vor.u32 v0, v9  }
0x41: {  	s31 =	simm.s32 $0x8080;
	v27 =	vor.u32 v3, v16;
	v20 =	vshll.u32 v8, $0x3;
	v14 =	vld.idx.msk [tilespmem:v14+s3+$0x0], $0xffff  }
0x42: {  	s12 =	simm.s32 $0x7;
	v21 =	vor.u32 v2, v24;
	v8 =	vand.u32 $0x7E, v8;
	v22 =	vld.idx.msk [tilespmem:v15+s3+$0x0], $0xffff;
	v15 =	vand.u32 $0x400, v20;
	[tilespmem:s31+$0xFFFFFFC0] =	vst v10  }
0x43: {  	s11 =	simm.s32 $0x4;
	v20 =	vor.u32 v2, v11;
	v8 =	vor.u32 v8, v15;
	v15 =	vmov s12;
	[tilespmem:s31+$0x40] =	vst v13;
	v18 =	vld.idx.msk [tilespmem:v18+s3+$0x0], $0xffff  }
0x44: {  	v13 =	vmov s11;
	v23 =	vor.u32 v0, v8;
	v10 =	vld.idx.msk [tilespmem:v17+s3+$0x0], $0xffff;
	v17 =	vshll.u32 v15, $0x3  }
0x45: {  	v26 =	vand.u32 $0x7F, v15;
	v15 =	vld.idx.msk [tilespmem:v19+s3+$0x0], $0xffff;
	v19 =	vor.u32 v3, v12;
	v17 =	vand.u32 $0x400, v17  }
0x46: {  	s14 =	simm.s32 $0x9;
	v25 =	vand.u32 $0x7C, v13;
	[tilespmem:s31+$0x0] =	vst v14;
	v14 =	vshll.u32 v13, $0x3;
	v13 =	vor.u32 v26, v17  }
0x47: {  	v29 =	vor.u32 v3, v24;
	s11 =	simm.s32 $0x40;
	[tilespmem:s31+$0xFFFFFF80] =	vst v22;
	v21 =	vld.idx.msk [tilespmem:v21+s3+$0x0], $0xffff;
	v17 =	vmov s14;
	v22 =	vor.u32 v0, v13  }
0x48: {  	s2 =	simm.s32 $0xC0;
	s5 =	sor.u32 $0x50, s11;
	v14 =	vand.u32 $0x400, v14;
	v20 =	vld.idx.msk [tilespmem:v20+s3+$0x0], $0xffff;
	v26 =	vand.u32 $0x7D, v17;
	v28 =	vshll.u32 v17, $0x3  }
0x49: {  	s21 =	sor.u32 $0x50, s2;
	v14 =	vor.u32 v25, v14;
	v25 =	vor.u32 v3, v11;
	v17 =	vld.idx.msk [tilespmem:v23+s3+$0x0], $0xffff;
	v23 =	vand.u32 $0x400, v28;
	[tilespmem:s5+$0x8000] =	vst v18  }
0x4a: {  	[tilespmem:s21+$0x8000] =	vst v10;
	v10 =	vor.u32 v26, v23;
	v23 =	vor.u32 v0, v14;
	v19 =	vld.idx.msk [tilespmem:v19+s3+$0x0], $0xffff  }
0x4b: {  	v28 =	vld.idx.msk [tilespmem:v27+s3+$0x0], $0xffff;
	v26 =	vor.u32 v0, v10  }
0x4c: {  	v31 =	vor.u32 v4, v12;
	[tilespmem:s31+$0x10] =	vst v21;
	v30 =	vld.idx.msk [tilespmem:v22+s3+$0x0], $0xffff  }
0x4d: {  	v22 =	vor.u32 v4, v16;
	[tilespmem:s31+$0xFFFFFF90] =	vst v20;
	v20 =	vld.idx.msk [tilespmem:v29+s3+$0x0], $0xffff  }
0x4e: {  	s22 =	simm.s32 $0xA;
	v18 =	vld.idx.msk [tilespmem:v25+s3+$0x0], $0xffff;
	v25 =	vor.u32 v2, v13  }
0x4f: {  	v12 =	vmov s22;
	s21 =	sor.u32 $0x60, s11;
	v27 =	vor.u32 v2, v9;
	v21 =	vld.idx.msk [tilespmem:v23+s3+$0x0], $0xffff  }
0x50: {  	s23 =	sor.u32 $0x60, s2;
	v23 =	vshll.u32 v12, $0x3;
	[tilespmem:s21+$0x8000] =	vst v19;
	v16 =	vld.idx.msk [tilespmem:v26+s3+$0x0], $0xffff;
	v26 =	vor.u32 v2, v8  }
0x51: {  	s1 =	simm.s32 $0x8180;
	s22 =	sor.u32 $0x70, s11;
	v12 =	vand.u32 $0x7E, v12;
	[tilespmem:s23+$0x8000] =	vst v28;
	v28 =	vand.u32 $0x400, v23;
	v23 =	vor.u32 v2, v14;
	v19 =	vld.idx.msk [tilespmem:v31+s3+$0x0], $0xffff  }
0x52: {  	v24 =	vor.u32 v4, v24;
	s5 =	simm.s32 $0x8;
	s11 =	simm.s32 $0xC;
	s21 =	simm.s32 $0xB;
	v12 =	vor.u32 v12, v28;
	v22 =	vld.idx.msk [tilespmem:v22+s3+$0x0], $0xffff;
	[tilespmem:s1+$0x40] =	vst v30  }
.LBB2_4:
0x53: {  	p2 =	slt.u32 s11, $0xFC;
	v28 =	vmov s5;
	v29 =	vor.u32 v0, v12;
	v30 =	vmov s21;
	[tilespmem:s1+$0xFFFFFFC0] =	vst v15;
	v25 =	vld.idx.msk [tilespmem:v25+s3+$0x0], $0xffff;
	s5 =	smov.u32 s11  }
0x54: {  	v32 =	vor.u32 v4, v11;
	v11 =	vmovc v14;
	v31 =	vand.u32 $0x7C, v28;
	v15 =	vshll.u32 v30, $0x3;
	v27 =	vld.idx.msk [tilespmem:v27+s3+$0x0], $0xffff;
	[tilespmem:s1+$0x0] =	vst v17  }
0x55: {  	v14 =	vand.u32 $0x7F, v30;
	v34 =	vand.u32 $0x400, v15;
	[tilespmem:s1+$0xFFFFFF80] =	vst v21;
	v21 =	vld.idx.msk [tilespmem:v26+s3+$0x0], $0xffff;
	v26 =	vor.u32 v3, v13  }
0x56: {  	s21 =	sadd.s32 $0x1, s11;
	s23 =	sor.u32 $0x70, s2;
	v17 =	vshll.u32 v28, $0x3;
	v30 =	vor.u32 v3, v9;
	v28 =	vor.u32 v14, v34;
	v23 =	vld.idx.msk [tilespmem:v23+s3+$0x0], $0xffff;
	[tilespmem:s31+$0x20] =	vst v20  }
0x57: {  	s2 =	sadd.s32 $0x100, s2;
	v14 =	vmov s21;
	v20 =	vand.u32 $0x400, v17;
	v33 =	vor.u32 v0, v28;
	v24 =	vld.idx.msk [tilespmem:v24+s3+$0x0], $0xffff;
	[tilespmem:s23+$0x8000] =	vst v22;
	v15 =	vmovc v16  }
0x58: {  	s21 =	sadd.s32 $0xFFFFFF80, s2;
	v16 =	vand.u32 $0x7D, v14;
	v14 =	vshll.u32 v14, $0x3;
	v22 =	vor.u32 v3, v8;
	s23 =	sor.u32 $0x50, s2;
	v17 =	vld.idx.msk [tilespmem:v29+s3+$0x0], $0xffff;
	[tilespmem:s31+$0xFFFFFFA0] =	vst v18  }
0x59: {  	s12 =	sor.u32 $0x50, s21;
	s14 =	sor.u32 $0x60, s21;
	s21 =	sor.u32 $0x70, s21;
	v18 =	vand.u32 $0x400, v14;
	v14 =	vor.u32 v31, v20;
	v29 =	vor.u32 v3, v11;
	[tilespmem:s23+$0x8000] =	vst v25;
	v31 =	vld.idx.msk [tilespmem:v32+s3+$0x0], $0xffff  }
0x5a: {  	v16 =	vor.u32 v16, v18;
	v32 =	vor.u32 v0, v14;
	[tilespmem:s12+$0x8000] =	vst v27;
	v34 =	vld.idx.msk [tilespmem:v26+s3+$0x0], $0xffff  }
0x5b: {  	v26 =	vor.u32 v0, v16;
	v30 =	vld.idx.msk [tilespmem:v30+s3+$0x0], $0xffff;
	[tilespmem:s1+$0x10] =	vst v21  }
0x5c: {  	v35 =	vor.u32 v4, v13;
	v13 =	vmov v28;
	v33 =	vld.idx.msk [tilespmem:v33+s3+$0x0], $0xffff;
	[tilespmem:s1+$0xFFFFFF90] =	vst v23  }
0x5d: {  	v28 =	vor.u32 v4, v9;
	v9 =	vmov v10;
	v10 =	vmov v16;
	v20 =	vld.idx.msk [tilespmem:v22+s3+$0x0], $0xffff;
	[tilespmem:s22+$0x8000] =	vst v19;
	s22 =	smov.u32 s21  }
.Ltmp5:
0x5e: {  	v25 =	vor.u32 v2, v13;
	s12 =	sadd.s32 $0x2, s11;
	v18 =	vld.idx.msk [tilespmem:v29+s3+$0x0], $0xffff;
	[tilespmem:s31+$0x30] =	vst v24;
	(pc) =	sbr.rel @p2 .LBB2_4-.Ltmp5, $4  }
0x5f: {  	v27 =	vor.u32 v2, v9;
	v19 =	vmov s12;
	s12 =	sor.u32 $0x60, s2;
	v21 =	vld.idx.msk [tilespmem:v32+s3+$0x0], $0xffff;
	[tilespmem:s31+$0xFFFFFFB0] =	vst v31;
	s31 =	smov.u32 s1  }
0x60: {  	v22 =	vshll.u32 v19, $0x3;
	v16 =	vld.idx.msk [tilespmem:v26+s3+$0x0], $0xffff;
	v26 =	vor.u32 v2, v12;
	[tilespmem:s12+$0x8000] =	vst v34  }
0x61: {  	v23 =	vor.u32 v2, v14;
	v29 =	vand.u32 $0x7E, v19;
	v31 =	vand.u32 $0x400, v22;
	s1 =	sadd.s32 $0x100, s1;
	[tilespmem:s14+$0x8000] =	vst v30;
	v22 =	vld.idx.msk [tilespmem:v35+s3+$0x0], $0xffff  }
0x62: {  	s11 =	sadd.s32 $0x4, s11;
	s21 =	sadd.s32 $0x3, s5;
	v24 =	vor.u32 v4, v8;
	v8 =	vmov v12;
	v12 =	vor.u32 v29, v31;
	[tilespmem:s1+$0x40] =	vst v33;
	v19 =	vld.idx.msk [tilespmem:v28+s3+$0x0], $0xffff  }
0x63: {  	_ = 	snop  }
0x64: {  	[tilespmem:s1+$0xFFFFFFC0] =	vst v15  }
0x65: {  	[tilespmem:s1+$0x0] =	vst v17  }
0x66: {  	v59 =	vmov s21;
	[tilespmem:s31+$0x20] =	vst v20  }
0x67: {  	v25 =	vld.idx.msk [tilespmem:v25+s3+$0x0], $0xffff;
	v11 =	vor.u32 v4, v11;
	v62 =	vor.u32 v3, v13;
	v63 =	vmov s5;
	[tilespmem:s31+$0xFFFFFFA0] =	vst v18  }
0x68: {  	v38 =	vor.u32 v0, v12;
	v44 =	vor.u32 v2, v10;
	s5 =	sadd.s32 $0x100, s1;
	v60 =	vshll.u32 v59, $0x3;
	v27 =	vld.idx.msk [tilespmem:v27+s3+$0x0], $0xffff;
	[tilespmem:s1+$0xFFFFFF80] =	vst v21  }
0x69: {  	s11 =	sor.u32 $0x70, s2;
	v15 =	vand.u32 $0x7F, v59;
	v61 =	vld.idx.msk [tilespmem:v26+s3+$0x0], $0xffff;
	v34 =	vshll.u32 v63, $0x3;
	v17 =	vand.u32 $0x400, v60;
	[tilespmem:s5+$0xFFFFFFC0] =	vst v16  }
0x6a: {  	v35 =	vand.u32 $0x7C, v63;
	v37 =	vld.idx.msk [tilespmem:v24+s3+$0x0], $0xffff;
	v36 =	vand.u32 $0x400, v34;
	v15 =	vor.u32 v15, v17;
	[tilespmem:s11+$0x8000] =	vst v22;
	s11 =	sadd.s32 $0x100, s2  }
0x6b: {  	v32 =	vld.idx.msk [tilespmem:v23+s3+$0x0], $0xffff;
	v18 =	vor.u32 v35, v36;
	v28 =	vor.u32 v0, v15;
	s2 =	sadd.s32 $0xFFFFFF80, s11;
	s23 =	sor.u32 $0x50, s11;
	[tilespmem:s22+$0x8000] =	vst v19  }
0x6c: {  	v20 =	vor.u32 v0, v18;
	s12 =	sor.u32 $0x50, s2;
	[tilespmem:s23+$0x8000] =	vst v25;
	v11 =	vld.idx.msk [tilespmem:v11+s3+$0x0], $0xffff  }
0x6d: {  	v33 =	vor.u32 v3, v9;
	v43 =	vld.idx.msk [tilespmem:v38+s3+$0x0], $0xffff;
	[tilespmem:s12+$0x8000] =	vst v27  }
0x6e: {  	v39 =	vor.u32 v3, v8;
	v25 =	vld.idx.msk [tilespmem:v62+s3+$0x0], $0xffff;
	[tilespmem:s1+$0x10] =	vst v61  }
0x6f: {  	v46 =	vor.u32 v2, v12;
	v51 =	vld.idx.msk [tilespmem:v44+s3+$0x0], $0xffff;
	[tilespmem:s31+$0x30] =	vst v37  }
0x70: {  	v41 =	vor.u32 v4, v13;
	[tilespmem:s1+$0xFFFFFF90] =	vst v32;
	v40 =	vld.idx.msk [tilespmem:v28+s3+$0x0], $0xffff  }
0x71: {  	v42 =	vor.u32 v2, v15;
	s14 =	sor.u32 $0x60, s11;
	s22 =	sor.u32 $0x70, s11;
	s11 =	sadd.s32 $0x100, s11;
	v45 =	vld.idx.msk [tilespmem:v20+s3+$0x0], $0xffff;
	[tilespmem:s31+$0xFFFFFFB0] =	vst v11  }
0x72: {  	v47 =	vor.u32 v2, v18;
	s23 =	sadd.s32 $0xFFFFFF80, s11;
	v23 =	vld.idx.msk [tilespmem:v33+s3+$0x0], $0xffff;
	[tilespmem:s5+$0x0] =	vst v43  }
0x73: {  	v48 =	vor.u32 v3, v14;
	v21 =	vld.idx.msk [tilespmem:v39+s3+$0x0], $0xffff;
	s31 =	sor.u32 $0x50, s23;
	[tilespmem:s14+$0x8000] =	vst v25  }
0x74: {  	v54 =	vor.u32 v3, v10;
	v53 =	vld.idx.msk [tilespmem:v46+s3+$0x0], $0xffff;
	[tilespmem:s31+$0x8000] =	vst v51  }
0x75: {  	v49 =	vor.u32 v4, v9;
	v13 =	vld.idx.msk [tilespmem:v41+s3+$0x0], $0xffff;
	[tilespmem:s5+$0x40] =	vst v40  }
0x76: {  	v56 =	vor.u32 v3, v12;
	s21 =	sor.u32 $0x60, s2;
	[tilespmem:s5+$0xFFFFFF80] =	vst v45;
	v50 =	vld.idx.msk [tilespmem:v42+s3+$0x0], $0xffff  }
0x77: {  	v52 =	vor.u32 v3, v15;
	[tilespmem:s21+$0x8000] =	vst v23;
	v55 =	vld.idx.msk [tilespmem:v47+s3+$0x0], $0xffff  }
0x78: {  	v57 =	vor.u32 v3, v18;
	[tilespmem:s1+$0x20] =	vst v21;
	v23 =	vld.idx.msk [tilespmem:v48+s3+$0x0], $0xffff  }
0x79: {  	v8 =	vor.u32 v4, v8;
	v17 =	vld.idx.msk [tilespmem:v54+s3+$0x0], $0xffff;
	[tilespmem:s5+$0x10] =	vst v53  }
0x7a: {  	v58 =	vor.u32 v4, v14;
	s14 =	sor.u32 $0x50, s11;
	v9 =	vld.idx.msk [tilespmem:v49+s3+$0x0], $0xffff;
	[tilespmem:s22+$0x8000] =	vst v13  }
0x7b: {  	v60 =	vor.u32 v4, v10;
	v61 =	vld.idx.msk [tilespmem:v56+s3+$0x0], $0xffff;
	[tilespmem:s14+$0x8000] =	vst v50  }
0x7c: {  	v62 =	vor.u32 v4, v12;
	[tilespmem:s5+$0xFFFFFF90] =	vst v55;
	v16 =	vld.idx.msk [tilespmem:v52+s3+$0x0], $0xffff  }
0x7d: {  	v59 =	vor.u32 v4, v15;
	s21 =	sor.u32 $0x60, s23;
	[tilespmem:s1+$0xFFFFFFA0] =	vst v23;
	v13 =	vld.idx.msk [tilespmem:v57+s3+$0x0], $0xffff  }
0x7e: {  	v63 =	vor.u32 v4, v18;
	s2 =	sor.u32 $0x70, s2;
	v8 =	vld.idx.msk [tilespmem:v8+s3+$0x0], $0xffff;
	[tilespmem:s21+$0x8000] =	vst v17  }
0x7f: {  	[tilespmem:s2+$0x8000] =	vst v9;
	v14 =	vld.idx.msk [tilespmem:v58+s3+$0x0], $0xffff  }
0x80: {  	v10 =	vld.idx.msk [tilespmem:v60+s3+$0x0], $0xffff;
	s14 =	sor.u32 $0x60, s11;
	[tilespmem:s5+$0x20] =	vst v61  }
0x81: {  	v12 =	vld.idx.msk [tilespmem:v62+s3+$0x0], $0xffff;
	[tilespmem:s14+$0x8000] =	vst v16  }
0x82: {  	[tilespmem:s5+$0xFFFFFFA0] =	vst v13;
	v11 =	vld.idx.msk [tilespmem:v59+s3+$0x0], $0xffff  }
0x83: {  	[tilespmem:s1+$0x30] =	vst v8;
	v8 =	vld.idx.msk [tilespmem:v63+s3+$0x0], $0xffff  }
0x84: {  	s23 =	sor.u32 $0x70, s23;
	[tilespmem:s1+$0xFFFFFFB0] =	vst v14  }
0x85: {  	s2 =	sadd.s32 s9, s29;
	[tilespmem:s23+$0x8000] =	vst v10  }
0x86: {  	s22 =	sor.u32 $0x70, s11;
	p2 =	sgt.u32 s2, $0xF41;
	[tilespmem:s5+$0x30] =	vst v12  }
0x87: {  	s31 =	sshll.u32 s30, $0xB;
	s11 =	simm.s32 @!p2 $0x0;
	s1 =	sshll.u32 @!p2 s2, $0x8;
	[tilespmem:s22+$0x8000] =	vst v11  }
0x88: {  	s2 =	simm.s32 @!p2 $0x800;
	s1 =	sadd.s32 @!p2 s0, s1;
	[tilespmem:s5+$0xFFFFFFB0] =	vst v8;
	s5 =	simm.s32 @!p2 $0x7A1400  }
0x89: {  	[tilespmem:s11], [sflag:$0x1] =	stream.strided.gather @!p2 [hbm4b:s1+s2], $0x4000, s5, s2, $0x38;
	[tilespmem:$0x14000] =	vst v63  }
0x8a: {  	s1 =	sadd.s32 s6, s31  }
0x8b: {  	[hbm4b:s1+s3] =	stream.linear.scatter [tilespmem:s17], [sflag:$0x3], $0x4000, $0x38;
	[tilespmem:$0x14000] =	vst v63  }
.LBB2_6:
0x8c: {  	s30 =	sor.u32 $0x20, s30  }
0x8d: {  	p2 =	sgt.u32 s30, $0xF41  }
.Ltmp6:
0x8e: {  	_ = 	snop;
	(pc) =	sbr.rel @p2 .LBB2_10-.Ltmp6, $1  }
0x8f: {  	_ =	sdelay $0x3  }
0x90: {  	s1 =	simm.s32 $0x1  }
0x91: {  	s21 =	simm.s32 $0x3;
	v8 =	vmov s1  }
0x92: {  	v10 =	vmov s21;
	v9 =	vshll.u32 v8, $0x3  }
0x93: {  	v8 =	vand.u32 $0x7D, v8;
	v11 =	vshll.u32 v10, $0x3;
	v9 =	vand.u32 $0x400, v9  }
0x94: {  	s22 =	simm.s32 $0x2;
	_ =	swait.ge [sflag:s18], $0x4000;
	v12 =	vor.u32 v8, v9;
	v8 =	vand.u32 $0x7F, v10;
	v9 =	vand.u32 $0x400, v11  }
0x95: {  	s2 =	simm.s32 $0x0;
	[sflag:s18] =	ssyncset.done $0x0;
	v11 =	vmov s22;
	v10 =	vor.u32 v0, v12;
	v16 =	vor.u32 v8, v9  }
0x96: {  	s1 =	simm.s32 @!p1 $0x4;
	[sflag:s18] =	ssyncadd.s32 $0xFFFFC000;
	v8 =	vshll.u32 v11, $0x3;
	v9 =	vmov s2;
	v13 =	vor.u32 v0, v16  }
0x97: {  	_ =	swait.ge @!p1 [sflag:s1], $0x4000;
	v11 =	vand.u32 $0x7E, v11;
	v8 =	vand.u32 $0x400, v8;
	v14 =	vshll.u32 v9, $0x3  }
0x98: {  	s23 =	simm.s32 $0x5;
	[sflag:s1] =	ssyncset.done @!p1 $0x0;
	v24 =	vor.u32 v11, v8;
	v8 =	vand.u32 $0x7C, v9;
	v9 =	vand.u32 $0x400, v14  }
0x99: {  	[sflag:s1] =	ssyncadd.s32 @!p1 $0xFFFFC000;
	v14 =	vor.u32 v0, v24;
	v11 =	vor.u32 v8, v9;
	v8 =	vmov s23  }
0x9a: {  	v15 =	vor.u32 v0, v11;
	v9 =	vshll.u32 v8, $0x3;
	v10 =	vld.idx.msk [tilespmem:v10+s15+$0x0], $0xffff  }
0x9b: {  	v18 =	vor.u32 v2, v12;
	v8 =	vand.u32 $0x7D, v8;
	v9 =	vand.u32 $0x400, v9;
	v13 =	vld.idx.msk [tilespmem:v13+s15+$0x0], $0xffff  }
0x9c: {  	s5 =	simm.s32 $0x6;
	v17 =	vor.u32 v2, v16;
	v9 =	vor.u32 v8, v9  }
0x9d: {  	v8 =	vmov s5;
	v19 =	vor.u32 v0, v9  }
0x9e: {  	s31 =	simm.s32 $0xC080;
	v27 =	vor.u32 v3, v16;
	v20 =	vshll.u32 v8, $0x3;
	v14 =	vld.idx.msk [tilespmem:v14+s15+$0x0], $0xffff  }
0x9f: {  	s12 =	simm.s32 $0x7;
	v21 =	vor.u32 v2, v24;
	v8 =	vand.u32 $0x7E, v8;
	v22 =	vld.idx.msk [tilespmem:v15+s15+$0x0], $0xffff;
	v15 =	vand.u32 $0x400, v20;
	[tilespmem:s31+$0xFFFFFFC0] =	vst v10  }
0xa0: {  	s11 =	simm.s32 $0x4;
	v20 =	vor.u32 v2, v11;
	v8 =	vor.u32 v8, v15;
	v15 =	vmov s12;
	[tilespmem:s31+$0x40] =	vst v13;
	v18 =	vld.idx.msk [tilespmem:v18+s15+$0x0], $0xffff  }
0xa1: {  	v13 =	vmov s11;
	v23 =	vor.u32 v0, v8;
	v10 =	vld.idx.msk [tilespmem:v17+s15+$0x0], $0xffff;
	v17 =	vshll.u32 v15, $0x3  }
0xa2: {  	v26 =	vand.u32 $0x7F, v15;
	v15 =	vld.idx.msk [tilespmem:v19+s15+$0x0], $0xffff;
	v19 =	vor.u32 v3, v12;
	v17 =	vand.u32 $0x400, v17  }
0xa3: {  	s14 =	simm.s32 $0x9;
	v25 =	vand.u32 $0x7C, v13;
	[tilespmem:s31+$0x0] =	vst v14;
	v14 =	vshll.u32 v13, $0x3;
	v13 =	vor.u32 v26, v17  }
0xa4: {  	v29 =	vor.u32 v3, v24;
	s11 =	simm.s32 $0x40;
	[tilespmem:s31+$0xFFFFFF80] =	vst v22;
	v21 =	vld.idx.msk [tilespmem:v21+s15+$0x0], $0xffff;
	v17 =	vmov s14;
	v22 =	vor.u32 v0, v13  }
0xa5: {  	s2 =	simm.s32 $0xC0;
	s5 =	sor.u32 $0x50, s11;
	v14 =	vand.u32 $0x400, v14;
	v20 =	vld.idx.msk [tilespmem:v20+s15+$0x0], $0xffff;
	v26 =	vand.u32 $0x7D, v17;
	v28 =	vshll.u32 v17, $0x3  }
0xa6: {  	s21 =	sor.u32 $0x50, s2;
	v14 =	vor.u32 v25, v14;
	v25 =	vor.u32 v3, v11;
	v17 =	vld.idx.msk [tilespmem:v23+s15+$0x0], $0xffff;
	v23 =	vand.u32 $0x400, v28;
	[tilespmem:s5+$0xC000] =	vst v18  }
0xa7: {  	[tilespmem:s21+$0xC000] =	vst v10;
	v10 =	vor.u32 v26, v23;
	v23 =	vor.u32 v0, v14;
	v19 =	vld.idx.msk [tilespmem:v19+s15+$0x0], $0xffff  }
0xa8: {  	v28 =	vld.idx.msk [tilespmem:v27+s15+$0x0], $0xffff;
	v26 =	vor.u32 v0, v10  }
0xa9: {  	v31 =	vor.u32 v4, v12;
	[tilespmem:s31+$0x10] =	vst v21;
	v30 =	vld.idx.msk [tilespmem:v22+s15+$0x0], $0xffff  }
0xaa: {  	v22 =	vor.u32 v4, v16;
	[tilespmem:s31+$0xFFFFFF90] =	vst v20;
	v20 =	vld.idx.msk [tilespmem:v29+s15+$0x0], $0xffff  }
0xab: {  	s22 =	simm.s32 $0xA;
	v18 =	vld.idx.msk [tilespmem:v25+s15+$0x0], $0xffff;
	v25 =	vor.u32 v2, v13  }
0xac: {  	v12 =	vmov s22;
	s12 =	sor.u32 $0x60, s11;
	v27 =	vor.u32 v2, v9;
	v21 =	vld.idx.msk [tilespmem:v23+s15+$0x0], $0xffff  }
0xad: {  	s23 =	sor.u32 $0x60, s2;
	v23 =	vshll.u32 v12, $0x3;
	[tilespmem:s12+$0xC000] =	vst v19;
	v16 =	vld.idx.msk [tilespmem:v26+s15+$0x0], $0xffff;
	v26 =	vor.u32 v2, v8  }
0xae: {  	s1 =	simm.s32 $0xC180;
	s22 =	sor.u32 $0x70, s11;
	v12 =	vand.u32 $0x7E, v12;
	[tilespmem:s23+$0xC000] =	vst v28;
	v28 =	vand.u32 $0x400, v23;
	v23 =	vor.u32 v2, v14;
	v19 =	vld.idx.msk [tilespmem:v31+s15+$0x0], $0xffff  }
0xaf: {  	v24 =	vor.u32 v4, v24;
	s11 =	simm.s32 $0xC;
	s5 =	simm.s32 $0x8;
	s21 =	simm.s32 $0xB;
	v12 =	vor.u32 v12, v28;
	v22 =	vld.idx.msk [tilespmem:v22+s15+$0x0], $0xffff;
	[tilespmem:s1+$0x40] =	vst v30  }
.LBB2_8:
0xb0: {  	p1 =	slt.u32 s11, $0xFC;
	v28 =	vmov s5;
	v29 =	vor.u32 v0, v12;
	v30 =	vmov s21;
	[tilespmem:s1+$0xFFFFFFC0] =	vst v15;
	v25 =	vld.idx.msk [tilespmem:v25+s15+$0x0], $0xffff;
	s5 =	smov.u32 s11  }
0xb1: {  	v32 =	vor.u32 v4, v11;
	v11 =	vmovc v14;
	v31 =	vand.u32 $0x7C, v28;
	v15 =	vshll.u32 v30, $0x3;
	v27 =	vld.idx.msk [tilespmem:v27+s15+$0x0], $0xffff;
	[tilespmem:s1+$0x0] =	vst v17  }
0xb2: {  	v14 =	vand.u32 $0x7F, v30;
	v34 =	vand.u32 $0x400, v15;
	[tilespmem:s1+$0xFFFFFF80] =	vst v21;
	v21 =	vld.idx.msk [tilespmem:v26+s15+$0x0], $0xffff;
	v26 =	vor.u32 v3, v13  }
0xb3: {  	s12 =	sadd.s32 $0x1, s11;
	s14 =	sor.u32 $0x70, s2;
	v17 =	vshll.u32 v28, $0x3;
	v30 =	vor.u32 v3, v9;
	v28 =	vor.u32 v14, v34;
	v23 =	vld.idx.msk [tilespmem:v23+s15+$0x0], $0xffff;
	[tilespmem:s31+$0x20] =	vst v20  }
0xb4: {  	s2 =	sadd.s32 $0x100, s2;
	v14 =	vmov s12;
	v20 =	vand.u32 $0x400, v17;
	v33 =	vor.u32 v0, v28;
	v24 =	vld.idx.msk [tilespmem:v24+s15+$0x0], $0xffff;
	[tilespmem:s14+$0xC000] =	vst v22;
	v15 =	vmovc v16  }
0xb5: {  	s12 =	sadd.s32 $0xFFFFFF80, s2;
	v16 =	vand.u32 $0x7D, v14;
	v14 =	vshll.u32 v14, $0x3;
	v22 =	vor.u32 v3, v8;
	s14 =	sor.u32 $0x50, s2;
	v17 =	vld.idx.msk [tilespmem:v29+s15+$0x0], $0xffff;
	[tilespmem:s31+$0xFFFFFFA0] =	vst v18  }
0xb6: {  	s21 =	sor.u32 $0x50, s12;
	s23 =	sor.u32 $0x60, s12;
	s12 =	sor.u32 $0x70, s12;
	v18 =	vand.u32 $0x400, v14;
	v14 =	vor.u32 v31, v20;
	v29 =	vor.u32 v3, v11;
	[tilespmem:s14+$0xC000] =	vst v25;
	v31 =	vld.idx.msk [tilespmem:v32+s15+$0x0], $0xffff  }
0xb7: {  	v16 =	vor.u32 v16, v18;
	v32 =	vor.u32 v0, v14;
	[tilespmem:s21+$0xC000] =	vst v27;
	v34 =	vld.idx.msk [tilespmem:v26+s15+$0x0], $0xffff  }
0xb8: {  	v26 =	vor.u32 v0, v16;
	v30 =	vld.idx.msk [tilespmem:v30+s15+$0x0], $0xffff;
	[tilespmem:s1+$0x10] =	vst v21  }
0xb9: {  	v35 =	vor.u32 v4, v13;
	v13 =	vmov v28;
	v33 =	vld.idx.msk [tilespmem:v33+s15+$0x0], $0xffff;
	[tilespmem:s1+$0xFFFFFF90] =	vst v23  }
0xba: {  	v28 =	vor.u32 v4, v9;
	v9 =	vmov v10;
	v10 =	vmov v16;
	v20 =	vld.idx.msk [tilespmem:v22+s15+$0x0], $0xffff;
	[tilespmem:s22+$0xC000] =	vst v19;
	s22 =	smov.u32 s12  }
.Ltmp7:
0xbb: {  	v25 =	vor.u32 v2, v13;
	s12 =	sadd.s32 $0x2, s11;
	v18 =	vld.idx.msk [tilespmem:v29+s15+$0x0], $0xffff;
	[tilespmem:s31+$0x30] =	vst v24;
	(pc) =	sbr.rel @p1 .LBB2_8-.Ltmp7, $4  }
0xbc: {  	v27 =	vor.u32 v2, v9;
	v19 =	vmov s12;
	s12 =	sor.u32 $0x60, s2;
	v21 =	vld.idx.msk [tilespmem:v32+s15+$0x0], $0xffff;
	[tilespmem:s31+$0xFFFFFFB0] =	vst v31;
	s31 =	smov.u32 s1  }
0xbd: {  	v22 =	vshll.u32 v19, $0x3;
	v16 =	vld.idx.msk [tilespmem:v26+s15+$0x0], $0xffff;
	v26 =	vor.u32 v2, v12;
	[tilespmem:s12+$0xC000] =	vst v34  }
0xbe: {  	v23 =	vor.u32 v2, v14;
	v29 =	vand.u32 $0x7E, v19;
	s1 =	sadd.s32 $0x100, s1;
	v31 =	vand.u32 $0x400, v22;
	[tilespmem:s23+$0xC000] =	vst v30;
	v22 =	vld.idx.msk [tilespmem:v35+s15+$0x0], $0xffff  }
0xbf: {  	s21 =	sadd.s32 $0x3, s5;
	s11 =	sadd.s32 $0x4, s11;
	v24 =	vor.u32 v4, v8;
	v8 =	vmov v12;
	v12 =	vor.u32 v29, v31;
	[tilespmem:s1+$0x40] =	vst v33;
	v19 =	vld.idx.msk [tilespmem:v28+s15+$0x0], $0xffff  }
0xc0: {  	_ = 	snop  }
0xc1: {  	[tilespmem:s1+$0xFFFFFFC0] =	vst v15  }
0xc2: {  	[tilespmem:s1+$0x0] =	vst v17  }
0xc3: {  	v59 =	vmov s21;
	[tilespmem:s31+$0x20] =	vst v20  }
0xc4: {  	v25 =	vld.idx.msk [tilespmem:v25+s15+$0x0], $0xffff;
	v11 =	vor.u32 v4, v11;
	v62 =	vor.u32 v3, v13;
	v63 =	vmov s5;
	[tilespmem:s31+$0xFFFFFFA0] =	vst v18  }
0xc5: {  	v38 =	vor.u32 v0, v12;
	v44 =	vor.u32 v2, v10;
	s5 =	sadd.s32 $0x100, s1;
	v60 =	vshll.u32 v59, $0x3;
	v27 =	vld.idx.msk [tilespmem:v27+s15+$0x0], $0xffff;
	[tilespmem:s1+$0xFFFFFF80] =	vst v21  }
0xc6: {  	s11 =	sor.u32 $0x70, s2;
	v15 =	vand.u32 $0x7F, v59;
	v61 =	vld.idx.msk [tilespmem:v26+s15+$0x0], $0xffff;
	v34 =	vshll.u32 v63, $0x3;
	v17 =	vand.u32 $0x400, v60;
	[tilespmem:s5+$0xFFFFFFC0] =	vst v16  }
0xc7: {  	v35 =	vand.u32 $0x7C, v63;
	v37 =	vld.idx.msk [tilespmem:v24+s15+$0x0], $0xffff;
	v36 =	vand.u32 $0x400, v34;
	v15 =	vor.u32 v15, v17;
	[tilespmem:s11+$0xC000] =	vst v22;
	s11 =	sadd.s32 $0x100, s2  }
0xc8: {  	v32 =	vld.idx.msk [tilespmem:v23+s15+$0x0], $0xffff;
	v18 =	vor.u32 v35, v36;
	v28 =	vor.u32 v0, v15;
	s2 =	sadd.s32 $0xFFFFFF80, s11;
	s14 =	sor.u32 $0x50, s11;
	[tilespmem:s22+$0xC000] =	vst v19  }
0xc9: {  	v20 =	vor.u32 v0, v18;
	s12 =	sor.u32 $0x50, s2;
	[tilespmem:s14+$0xC000] =	vst v25;
	v11 =	vld.idx.msk [tilespmem:v11+s15+$0x0], $0xffff  }
0xca: {  	v33 =	vor.u32 v3, v9;
	v43 =	vld.idx.msk [tilespmem:v38+s15+$0x0], $0xffff;
	[tilespmem:s12+$0xC000] =	vst v27  }
0xcb: {  	v39 =	vor.u32 v3, v8;
	v25 =	vld.idx.msk [tilespmem:v62+s15+$0x0], $0xffff;
	[tilespmem:s1+$0x10] =	vst v61  }
0xcc: {  	v46 =	vor.u32 v2, v12;
	v51 =	vld.idx.msk [tilespmem:v44+s15+$0x0], $0xffff;
	[tilespmem:s31+$0x30] =	vst v37  }
0xcd: {  	v41 =	vor.u32 v4, v13;
	[tilespmem:s1+$0xFFFFFF90] =	vst v32;
	v40 =	vld.idx.msk [tilespmem:v28+s15+$0x0], $0xffff  }
0xce: {  	v42 =	vor.u32 v2, v15;
	s21 =	sor.u32 $0x60, s11;
	s23 =	sor.u32 $0x70, s11;
	s11 =	sadd.s32 $0x100, s11;
	v45 =	vld.idx.msk [tilespmem:v20+s15+$0x0], $0xffff;
	[tilespmem:s31+$0xFFFFFFB0] =	vst v11  }
0xcf: {  	v47 =	vor.u32 v2, v18;
	s12 =	sadd.s32 $0xFFFFFF80, s11;
	v23 =	vld.idx.msk [tilespmem:v33+s15+$0x0], $0xffff;
	[tilespmem:s5+$0x0] =	vst v43  }
0xd0: {  	v48 =	vor.u32 v3, v14;
	v21 =	vld.idx.msk [tilespmem:v39+s15+$0x0], $0xffff;
	s31 =	sor.u32 $0x50, s12;
	[tilespmem:s21+$0xC000] =	vst v25  }
0xd1: {  	v54 =	vor.u32 v3, v10;
	v53 =	vld.idx.msk [tilespmem:v46+s15+$0x0], $0xffff;
	[tilespmem:s31+$0xC000] =	vst v51  }
0xd2: {  	v49 =	vor.u32 v4, v9;
	v13 =	vld.idx.msk [tilespmem:v41+s15+$0x0], $0xffff;
	[tilespmem:s5+$0x40] =	vst v40  }
0xd3: {  	v56 =	vor.u32 v3, v12;
	s22 =	sor.u32 $0x60, s2;
	[tilespmem:s5+$0xFFFFFF80] =	vst v45;
	v50 =	vld.idx.msk [tilespmem:v42+s15+$0x0], $0xffff  }
0xd4: {  	v52 =	vor.u32 v3, v15;
	[tilespmem:s22+$0xC000] =	vst v23;
	v55 =	vld.idx.msk [tilespmem:v47+s15+$0x0], $0xffff  }
0xd5: {  	v57 =	vor.u32 v3, v18;
	[tilespmem:s1+$0x20] =	vst v21;
	v23 =	vld.idx.msk [tilespmem:v48+s15+$0x0], $0xffff  }
0xd6: {  	v8 =	vor.u32 v4, v8;
	v17 =	vld.idx.msk [tilespmem:v54+s15+$0x0], $0xffff;
	[tilespmem:s5+$0x10] =	vst v53  }
0xd7: {  	v58 =	vor.u32 v4, v14;
	s14 =	sor.u32 $0x50, s11;
	v9 =	vld.idx.msk [tilespmem:v49+s15+$0x0], $0xffff;
	[tilespmem:s23+$0xC000] =	vst v13  }
0xd8: {  	v60 =	vor.u32 v4, v10;
	v61 =	vld.idx.msk [tilespmem:v56+s15+$0x0], $0xffff;
	[tilespmem:s14+$0xC000] =	vst v50  }
0xd9: {  	v62 =	vor.u32 v4, v12;
	[tilespmem:s5+$0xFFFFFF90] =	vst v55;
	v16 =	vld.idx.msk [tilespmem:v52+s15+$0x0], $0xffff  }
0xda: {  	v59 =	vor.u32 v4, v15;
	s22 =	sor.u32 $0x60, s12;
	[tilespmem:s1+$0xFFFFFFA0] =	vst v23;
	v13 =	vld.idx.msk [tilespmem:v57+s15+$0x0], $0xffff  }
0xdb: {  	v63 =	vor.u32 v4, v18;
	s2 =	sor.u32 $0x70, s2;
	v8 =	vld.idx.msk [tilespmem:v8+s15+$0x0], $0xffff;
	[tilespmem:s22+$0xC000] =	vst v17  }
0xdc: {  	[tilespmem:s2+$0xC000] =	vst v9;
	v14 =	vld.idx.msk [tilespmem:v58+s15+$0x0], $0xffff  }
0xdd: {  	s21 =	sor.u32 $0x60, s11;
	v10 =	vld.idx.msk [tilespmem:v60+s15+$0x0], $0xffff;
	[tilespmem:s5+$0x20] =	vst v61  }
0xde: {  	v12 =	vld.idx.msk [tilespmem:v62+s15+$0x0], $0xffff;
	[tilespmem:s21+$0xC000] =	vst v16  }
0xdf: {  	[tilespmem:s5+$0xFFFFFFA0] =	vst v13;
	v11 =	vld.idx.msk [tilespmem:v59+s15+$0x0], $0xffff  }
0xe0: {  	[tilespmem:s1+$0x30] =	vst v8;
	v8 =	vld.idx.msk [tilespmem:v63+s15+$0x0], $0xffff  }
0xe1: {  	s2 =	sadd.s32 s10, s29;
	s29 =	sor.u32 $0x70, s12;
	[tilespmem:s1+$0xFFFFFFB0] =	vst v14  }
0xe2: {  	[tilespmem:s29+$0xC000] =	vst v10  }
0xe3: {  	s31 =	sshll.u32 s30, $0xB;
	s23 =	sor.u32 $0x70, s11;
	p1 =	sgt.u32 s2, $0xF41;
	[tilespmem:s5+$0x30] =	vst v12  }
.Ltmp8:
0xe4: {  	s11 =	simm.s32 @!p1 $0x4000;
	s1 =	sshll.u32 @!p1 s2, $0x8;
	[tilespmem:s23+$0xC000] =	vst v11;
	(pc) =	sbr.rel .LBB2_10-.Ltmp8, $4  }
0xe5: {  	s2 =	simm.s32 @!p1 $0x800;
	s1 =	sadd.s32 @!p1 s0, s1;
	[tilespmem:s5+$0xFFFFFFB0] =	vst v8;
	s5 =	simm.s32 @!p1 $0x7A1400  }
0xe6: {  	[tilespmem:s11], [sflag:$0x2] =	stream.strided.gather @!p1 [hbm4b:s1+s2], $0x4000, s5, s2, $0x38;
	[tilespmem:$0x14000] =	vst v63  }
0xe7: {  	s1 =	sadd.s32 s6, s31  }
0xe8: {  	[hbm4b:s1+s3] =	stream.linear.scatter [tilespmem:s19], [sflag:$0x4], $0x4000, $0x38;
	[tilespmem:$0x14000] =	vst v63  }
.LBB2_11:
.Ltmp9:
0xe9: {  	(pc) =	sbr.rel @p0 .LBB2_15-.Ltmp9, $1  }
0xea: {  	_ =	sdelay $0x3  }
0xeb: {  	s1 =	simm.s32 $0x3  }
0xec: {  	s2 =	simm.s32 $0x1;
	v8 =	vmov s1  }
0xed: {  	v9 =	vmov s2;
	v8 =	vand.u32 $0x7F, v8  }
0xee: {  	s2 =	simm.s32 $0x2;
	v9 =	vand.u32 $0x7D, v9;
	v15 =	vbroadcast v8, $0x0  }
0xef: {  	s5 =	simm.s32 $0x0;
	v17 =	vbroadcast v9, $0x0;
	v8 =	vmov s2  }
0xf0: {  	s11 =	rddreg [dreg:$0x3];
	s12 =	simm.s32 $0x5;
	v9 =	vmov s5;
	v8 =	vand.u32 $0x7E, v8;
	v10 =	vor.u32 v1, v15  }
0xf1: {  	[tilespmem:s20], [sflag:$0x5] =	stream.linear.gather [hbm4b:s11+s5], $0x2000, $0x38;
	v11 =	vor.u32 v1, v17;
	v23 =	vbroadcast v8, $0x0;
	v8 =	vand.u32 $0x7C, v9;
	[tilespmem:$0x14000] =	vst v63  }
0xf2: {  	_ =	swait.ge [sflag:s12], $0x2000;
	v12 =	vbroadcast v8, $0x0  }
0xf3: {  	s14 =	simm.s32 $0x5;
	[sflag:s12] =	ssyncset.done $0x0;
	v8 =	vor.u32 v1, v23  }
0xf4: {  	[sflag:s12] =	ssyncadd.s32 $0xFFFFE000;
	v9 =	vmov s14;
	v13 =	vor.u32 v1, v12  }
0xf5: {  	v9 =	vand.u32 $0x7D, v9;
	v10 =	vld.idx.msk [tilespmem:v10+s20+$0x0], $0xffff  }
0xf6: {  	s21 =	simm.s32 $0x6;
	v14 =	vor.u32 v5, v15;
	v9 =	vbroadcast v9, $0x0;
	v11 =	vld.idx.msk [tilespmem:v11+s20+$0x0], $0xffff  }
0xf7: {  	v16 =	vmov s21;
	v18 =	vor.u32 v5, v17  }
0xf8: {  	v20 =	vor.u32 v1, v9;
	v19 =	vld.idx.msk [tilespmem:v8+s20+$0x0], $0xffff;
	v8 =	vand.u32 $0x7E, v16  }
0xf9: {  	s22 =	simm.s32 $0x7;
	s1 =	simm.s32 $0x12080;
	v21 =	vor.u32 v5, v23;
	v16 =	vld.idx.msk [tilespmem:v13+s20+$0x0], $0xffff;
	v8 =	vbroadcast v8, $0x0  }
0xfa: {  	v22 =	vor.u32 v5, v12;
	[tilespmem:s1+$0x40] =	vst v10;
	v10 =	vmov s22  }
0xfb: {  	v24 =	vor.u32 v1, v8;
	[tilespmem:s1+$0xFFFFFFC0] =	vst v11;
	v25 =	vld.idx.msk [tilespmem:v14+s20+$0x0], $0xffff;
	v10 =	vand.u32 $0x7F, v10  }
0xfc: {  	s23 =	simm.s32 $0x4;
	s5 =	simm.s32 $0x9;
	v26 =	vor.u32 v6, v15;
	v18 =	vld.idx.msk [tilespmem:v18+s20+$0x0], $0xffff;
	v13 =	vbroadcast v10, $0x0  }
0xfd: {  	v11 =	vmov s5;
	v14 =	vld.idx.msk [tilespmem:v20+s20+$0x0], $0xffff;
	[tilespmem:s1+$0x0] =	vst v19;
	v10 =	vmov s23;
	v19 =	vor.u32 v6, v17  }
0xfe: {  	s2 =	simm.s32 $0xC0;
	v27 =	vand.u32 $0x7D, v11;
	[tilespmem:s1+$0xFFFFFF80] =	vst v16;
	v20 =	vld.idx.msk [tilespmem:v21+s20+$0x0], $0xffff;
	v10 =	vand.u32 $0x7C, v10;
	v21 =	vor.u32 v1, v13  }
0xff: {  	s11 =	simm.s32 $0x40;
	s29 =	sor.u32 $0x50, s2;
	v28 =	vor.u32 v6, v23;
	v22 =	vld.idx.msk [tilespmem:v22+s20+$0x0], $0xffff;
	v11 =	vbroadcast v10, $0x0;
	v10 =	vbroadcast v27, $0x0  }
0x100: {  	s12 =	sor.u32 $0x50, s11;
	v16 =	vld.idx.msk [tilespmem:v24+s20+$0x0], $0xffff;
	v24 =	vor.u32 v6, v12;
	[tilespmem:s29+$0x12000] =	vst v25  }
0x101: {  	[tilespmem:s12+$0x12000] =	vst v18;
	v27 =	vor.u32 v1, v10;
	v26 =	vld.idx.msk [tilespmem:v26+s20+$0x0], $0xffff  }
0x102: {  	v25 =	vor.u32 v1, v11;
	v19 =	vld.idx.msk [tilespmem:v19+s20+$0x0], $0xffff  }
0x103: {  	v15 =	vor.u32 v7, v15;
	[tilespmem:s1+$0x10] =	vst v20;
	v29 =	vld.idx.msk [tilespmem:v21+s20+$0x0], $0xffff  }
0x104: {  	v30 =	vor.u32 v7, v17;
	[tilespmem:s1+$0xFFFFFF90] =	vst v22;
	v20 =	vld.idx.msk [tilespmem:v28+s20+$0x0], $0xffff  }
0x105: {  	s30 =	simm.s32 $0xA;
	v18 =	vld.idx.msk [tilespmem:v24+s20+$0x0], $0xffff;
	v24 =	vor.u32 v5, v13  }
0x106: {  	s31 =	sor.u32 $0x60, s2;
	v22 =	vmov s30;
	v17 =	vld.idx.msk [tilespmem:v27+s20+$0x0], $0xffff;
	v27 =	vor.u32 v5, v9  }
0x107: {  	s14 =	sor.u32 $0x60, s11;
	v21 =	vld.idx.msk [tilespmem:v25+s20+$0x0], $0xffff;
	v25 =	vor.u32 v5, v8;
	[tilespmem:s31+$0x12000] =	vst v26;
	v26 =	vand.u32 $0x7E, v22  }
0x108: {  	s28 =	simm.s32 $0x12180;
	s21 =	simm.s32 $0xB;
	[tilespmem:s14+$0x12000] =	vst v19;
	v22 =	vld.idx.msk [tilespmem:v15+s20+$0x0], $0xffff;
	v15 =	vbroadcast v26, $0x0;
	v26 =	vor.u32 v5, v11  }
0x109: {  	v23 =	vor.u32 v7, v23;
	s5 =	simm.s32 $0x8;
	s22 =	sor.u32 $0x70, s11;
	s11 =	simm.s32 $0xC;
	v19 =	vld.idx.msk [tilespmem:v30+s20+$0x0], $0xffff;
	[tilespmem:s28+$0x40] =	vst v29  }
.LBB2_13:
0x10a: {  	p1 =	slt.u32 s11, $0x7C;
	v28 =	vor.u32 v1, v15;
	v29 =	vmov s21;
	[tilespmem:s28+$0xFFFFFFC0] =	vst v14;
	v24 =	vld.idx.msk [tilespmem:v24+s20+$0x0], $0xffff;
	v30 =	vmov v15  }
0x10b: {  	v32 =	vand.u32 $0x7F, v29;
	v15 =	vld.idx.msk [tilespmem:v27+s20+$0x0], $0xffff;
	[tilespmem:s28+$0x0] =	vst v16;
	v27 =	vor.u32 v7, v12;
	v12 =	vmov v11  }
0x10c: {  	v29 =	vbroadcast v32, $0x0;
	[tilespmem:s28+$0xFFFFFF80] =	vst v21;
	v21 =	vld.idx.msk [tilespmem:v25+s20+$0x0], $0xffff;
	v25 =	vor.u32 v6, v13  }
0x10d: {  	s12 =	sadd.s32 $0x1, s11;
	v31 =	vor.u32 v6, v9;
	s14 =	sor.u32 $0x70, s2;
	v11 =	vmov s5;
	s5 =	smov.u32 s11;
	v14 =	vmov v17;
	v26 =	vld.idx.msk [tilespmem:v26+s20+$0x0], $0xffff;
	[tilespmem:s1+$0x20] =	vst v20  }
0x10e: {  	s2 =	sadd.s32 $0x100, s2;
	v16 =	vmov s12;
	v11 =	vand.u32 $0x7C, v11;
	v17 =	vor.u32 v1, v29;
	v23 =	vld.idx.msk [tilespmem:v23+s20+$0x0], $0xffff;
	[tilespmem:s14+$0x12000] =	vst v22  }
0x10f: {  	s12 =	sadd.s32 $0xFFFFFF80, s2;
	v20 =	vand.u32 $0x7D, v16;
	v11 =	vbroadcast v11, $0x0;
	v22 =	vor.u32 v6, v8;
	s14 =	sor.u32 $0x50, s2;
	v16 =	vld.idx.msk [tilespmem:v28+s20+$0x0], $0xffff;
	[tilespmem:s1+$0xFFFFFFA0] =	vst v18  }
0x110: {  	s21 =	sor.u32 $0x50, s12;
	s23 =	sor.u32 $0x60, s12;
	s12 =	sor.u32 $0x70, s12;
	v18 =	vbroadcast v20, $0x0;
	v28 =	vor.u32 v6, v12;
	[tilespmem:s14+$0x12000] =	vst v24;
	v32 =	vld.idx.msk [tilespmem:v27+s20+$0x0], $0xffff  }
0x111: {  	v27 =	vor.u32 v1, v11;
	[tilespmem:s21+$0x12000] =	vst v15;
	v15 =	vld.idx.msk [tilespmem:v25+s20+$0x0], $0xffff  }
0x112: {  	v25 =	vor.u32 v1, v18;
	v31 =	vld.idx.msk [tilespmem:v31+s20+$0x0], $0xffff;
	[tilespmem:s28+$0x10] =	vst v21  }
0x113: {  	v34 =	vor.u32 v7, v13;
	v13 =	vmov v29;
	v33 =	vld.idx.msk [tilespmem:v17+s20+$0x0], $0xffff;
	[tilespmem:s28+$0xFFFFFF90] =	vst v26  }
0x114: {  	v29 =	vor.u32 v7, v9;
	v9 =	vmov v10;
	v10 =	vmov v18;
	v20 =	vld.idx.msk [tilespmem:v22+s20+$0x0], $0xffff;
	[tilespmem:s22+$0x12000] =	vst v19;
	s22 =	smov.u32 s12  }
.Ltmp10:
0x115: {  	v24 =	vor.u32 v5, v13;
	s12 =	sadd.s32 $0x2, s11;
	v18 =	vld.idx.msk [tilespmem:v28+s20+$0x0], $0xffff;
	[tilespmem:s1+$0x30] =	vst v23;
	(pc) =	sbr.rel @p1 .LBB2_13-.Ltmp10, $4  }
0x116: {  	v19 =	vmov s12;
	s12 =	sor.u32 $0x60, s2;
	v21 =	vld.idx.msk [tilespmem:v27+s20+$0x0], $0xffff;
	v27 =	vor.u32 v5, v9;
	[tilespmem:s1+$0xFFFFFFB0] =	vst v32;
	s1 =	smov.u32 s28  }
0x117: {  	v19 =	vand.u32 $0x7E, v19;
	v17 =	vld.idx.msk [tilespmem:v25+s20+$0x0], $0xffff;
	v25 =	vor.u32 v5, v30;
	[tilespmem:s12+$0x12000] =	vst v15  }
0x118: {  	v26 =	vor.u32 v5, v11;
	s28 =	sadd.s32 $0x100, s28;
	v15 =	vbroadcast v19, $0x0;
	[tilespmem:s23+$0x12000] =	vst v31;
	v22 =	vld.idx.msk [tilespmem:v34+s20+$0x0], $0xffff  }
0x119: {  	s21 =	sadd.s32 $0x3, s5;
	s11 =	sadd.s32 $0x4, s11;
	v23 =	vor.u32 v7, v8;
	v8 =	vmov v30;
	[tilespmem:s28+$0x40] =	vst v33;
	v19 =	vld.idx.msk [tilespmem:v29+s20+$0x0], $0xffff  }
0x11a: {  	_ =	sdelay $0x1  }
0x11b: {  	[tilespmem:s28+$0xFFFFFFC0] =	vst v14  }
0x11c: {  	[tilespmem:s28+$0x0] =	vst v16  }
0x11d: {  	v24 =	vld.idx.msk [tilespmem:v24+s20+$0x0], $0xffff;
	v12 =	vor.u32 v7, v12;
	[tilespmem:s1+$0x20] =	vst v20  }
0x11e: {  	v62 =	vmov s21;
	v31 =	vor.u32 v6, v13;
	[tilespmem:s1+$0xFFFFFFA0] =	vst v18;
	v63 =	vld.idx.msk [tilespmem:v27+s20+$0x0], $0xffff  }
0x11f: {  	s11 =	sor.u32 $0x70, s2;
	v32 =	vmov s5;
	v14 =	vand.u32 $0x7F, v62;
	[tilespmem:s28+$0xFFFFFF80] =	vst v21;
	v30 =	vld.idx.msk [tilespmem:v25+s20+$0x0], $0xffff  }
0x120: {  	s14 =	sadd.s32 $0x100, s2;
	v36 =	vor.u32 v1, v15;
	v20 =	vand.u32 $0x7C, v32;
	v35 =	vld.idx.msk [tilespmem:v23+s20+$0x0], $0xffff;
	v14 =	vbroadcast v14, $0x0;
	[tilespmem:s11+$0x12000] =	vst v22  }
0x121: {  	v33 =	vor.u32 v6, v9;
	s2 =	sadd.s32 $0xFFFFFF80, s14;
	s21 =	sor.u32 $0x50, s14;
	v26 =	vld.idx.msk [tilespmem:v26+s20+$0x0], $0xffff;
	v20 =	vbroadcast v20, $0x0;
	[tilespmem:s22+$0x12000] =	vst v19  }
0x122: {  	s12 =	sor.u32 $0x50, s2;
	v34 =	vor.u32 v1, v14;
	[tilespmem:s21+$0x12000] =	vst v24;
	v12 =	vld.idx.msk [tilespmem:v12+s20+$0x0], $0xffff  }
0x123: {  	v37 =	vor.u32 v1, v20;
	[tilespmem:s12+$0x12000] =	vst v63;
	v24 =	vld.idx.msk [tilespmem:v31+s20+$0x0], $0xffff  }
0x124: {  	v38 =	vor.u32 v6, v8;
	[tilespmem:s28+$0x10] =	vst v30  }
0x125: {  	v47 =	vor.u32 v6, v11;
	v42 =	vld.idx.msk [tilespmem:v36+s20+$0x0], $0xffff;
	[tilespmem:s1+$0x30] =	vst v35  }
0x126: {  	v43 =	vor.u32 v5, v10;
	v39 =	vld.idx.msk [tilespmem:v33+s20+$0x0], $0xffff;
	[tilespmem:s28+$0xFFFFFF90] =	vst v26  }
0x127: {  	v45 =	vor.u32 v5, v15;
	s23 =	sor.u32 $0x60, s14;
	v22 =	vld.idx.msk [tilespmem:v34+s20+$0x0], $0xffff;
	[tilespmem:s1+$0xFFFFFFB0] =	vst v12  }
0x128: {  	v41 =	vor.u32 v5, v14;
	v44 =	vld.idx.msk [tilespmem:v37+s20+$0x0], $0xffff;
	s1 =	sadd.s32 $0x100, s28;
	[tilespmem:s23+$0x12000] =	vst v24  }
0x129: {  	v46 =	vor.u32 v5, v20;
	v21 =	vld.idx.msk [tilespmem:v38+s20+$0x0], $0xffff;
	[tilespmem:s1+$0xFFFFFFC0] =	vst v17  }
0x12a: {  	v40 =	vor.u32 v7, v13;
	s29 =	sor.u32 $0x60, s2;
	v56 =	vld.idx.msk [tilespmem:v47+s20+$0x0], $0xffff;
	[tilespmem:s1+$0x0] =	vst v42  }
0x12b: {  	v48 =	vor.u32 v7, v9;
	[tilespmem:s29+$0x12000] =	vst v39;
	v50 =	vld.idx.msk [tilespmem:v43+s20+$0x0], $0xffff  }
0x12c: {  	v53 =	vor.u32 v6, v10;
	v52 =	vld.idx.msk [tilespmem:v45+s20+$0x0], $0xffff;
	[tilespmem:s1+$0x40] =	vst v22  }
0x12d: {  	v55 =	vor.u32 v6, v15;
	s5 =	sadd.s32 $0x100, s14;
	[tilespmem:s1+$0xFFFFFF80] =	vst v44;
	v49 =	vld.idx.msk [tilespmem:v41+s20+$0x0], $0xffff  }
0x12e: {  	s31 =	sadd.s32 $0xFFFFFF80, s5;
	v51 =	vor.u32 v6, v14;
	[tilespmem:s28+$0x20] =	vst v21;
	v54 =	vld.idx.msk [tilespmem:v46+s20+$0x0], $0xffff  }
0x12f: {  	s30 =	sor.u32 $0x70, s14;
	s14 =	sor.u32 $0x50, s31;
	v57 =	vor.u32 v6, v20;
	v13 =	vld.idx.msk [tilespmem:v40+s20+$0x0], $0xffff;
	[tilespmem:s28+$0xFFFFFFA0] =	vst v56  }
0x130: {  	v8 =	vor.u32 v7, v8;
	v9 =	vld.idx.msk [tilespmem:v48+s20+$0x0], $0xffff;
	[tilespmem:s14+$0x12000] =	vst v50  }
0x131: {  	v58 =	vor.u32 v7, v11;
	s21 =	sor.u32 $0x50, s5;
	[tilespmem:s1+$0x10] =	vst v52;
	v16 =	vld.idx.msk [tilespmem:v53+s20+$0x0], $0xffff  }
0x132: {  	v60 =	vor.u32 v7, v10;
	v61 =	vld.idx.msk [tilespmem:v55+s20+$0x0], $0xffff;
	[tilespmem:s21+$0x12000] =	vst v49  }
0x133: {  	v62 =	vor.u32 v7, v15;
	[tilespmem:s1+$0xFFFFFF90] =	vst v54;
	v17 =	vld.idx.msk [tilespmem:v51+s20+$0x0], $0xffff  }
0x134: {  	s2 =	sor.u32 $0x70, s2;
	v59 =	vor.u32 v7, v14;
	[tilespmem:s30+$0x12000] =	vst v13;
	v13 =	vld.idx.msk [tilespmem:v57+s20+$0x0], $0xffff  }
0x135: {  	v63 =	vor.u32 v7, v20;
	s23 =	sor.u32 $0x60, s31;
	v8 =	vld.idx.msk [tilespmem:v8+s20+$0x0], $0xffff;
	[tilespmem:s2+$0x12000] =	vst v9  }
0x136: {  	v11 =	vld.idx.msk [tilespmem:v58+s20+$0x0], $0xffff;
	[tilespmem:s23+$0x12000] =	vst v16  }
0x137: {  	s22 =	sor.u32 $0x60, s5;
	[tilespmem:s1+$0x20] =	vst v61;
	v10 =	vld.idx.msk [tilespmem:v60+s20+$0x0], $0xffff  }
0x138: {  	v14 =	vld.idx.msk [tilespmem:v62+s20+$0x0], $0xffff;
	[tilespmem:s22+$0x12000] =	vst v17  }
0x139: {  	[tilespmem:s1+$0xFFFFFFA0] =	vst v13;
	v12 =	vld.idx.msk [tilespmem:v59+s20+$0x0], $0xffff  }
0x13a: {  	[tilespmem:s28+$0x30] =	vst v8;
	v8 =	vld.idx.msk [tilespmem:v63+s20+$0x0], $0xffff  }
0x13b: {  	s29 =	sor.u32 $0x70, s31;
	[tilespmem:s28+$0xFFFFFFB0] =	vst v11  }
0x13c: {  	[tilespmem:s29+$0x12000] =	vst v10  }
0x13d: {  	s28 =	sor.u32 $0x70, s5;
	[tilespmem:s1+$0x30] =	vst v14  }
0x13e: {  	[tilespmem:s28+$0x12000] =	vst v12  }
0x13f: {  	s31 =	simm.s32 $0x6;
	[tilespmem:s1+$0xFFFFFFB0] =	vst v8  }
.Ltmp11:
0x140: {  	s30 =	simm.s32 $0x12000;
	s1 =	rddreg [dreg:$0x4];
	(pc) =	sbr.rel .LBB2_15-.Ltmp11, $4  }
0x141: {  	[hbm4b:s1+s3] =	stream.linear.scatter [tilespmem:s30], [sflag:$0x6], $0x2000, $0x38;
	[tilespmem:$0x14000] =	vst v63  }
0x142: {  	_ =	swait.ge [sflag:s31], $0x2000  }
0x143: {  	[sflag:s31] =	ssyncset.done $0x0  }
0x144: {  	[sflag:s31] =	ssyncadd.s32 $0xFFFFE000  }
.LBB2_16:
0x145: {  	_ =	sfence.sel $0x180000  }
0x146: {  	[bflag:$0x0] =	sbarrier.arrive $0xFFFF  }
0x147: {  	_ =	strace $0x90000047  }
0x148: {  	s0 =	stileid.u32;
	[bflag:$0x2] =	sbarrier.arrive $0xFFFF  }
0x149: {  	p0 =	sne.s32 s0, $0x0;
	s0 =	rddreg [dreg:$0x2]  }
0x14a: {  	s0 =	sadd.s32 @!p0 $0x100000, s0  }
0x14b: {  	[sflag:s0] =	ssyncadd.tile.s32 @!p0 $0x1;
	_ =	shalt  }
.Lfunc_end2:
_tile_overlayer_lowered:
.L_overlay_start_2:
0x14c: {  	(tag) =	ssettag $0x2  }
0x14d: {  	s0 =	rddreg [dreg:$0x0];
	s2 =	stileid.u32  }
0x14e: {  	s1 =	rddreg [dreg:$0x1];
	p0 =	sne.s32 s2, $0x0  }
0x14f: {  	s3 =	rddreg [dreg:$0x2];
	[bflag:$0x3] =	sbarrier.arrive $0xFFFF;
	s2 =	simm.s32 @!p0 $0x1C07  }
0x150: {  	[timem:s3], [sflag:s2] =	dma.local @!p0 [hbm:s0], s1  }
0x151: {  	s0 =	simm.s32 @!p0 $0x7  }
0x152: {  	_ =	swait.ge @!p0 [sflag:s0], s1  }
0x153: {  	s1 =	ssub.s32 @!p0 $0x0, s1;
	[sflag:s0] =	ssyncset.done @!p0 $0x0  }
0x154: {  	[sflag:s0] =	ssyncadd.s32 @!p0 s1  }
0x155: {  	[bflag:$0x3] =	sbarrier.arrive $0xFFFF  }
0x156: {  	_ =	shalt  }

// kernel: kernel.7.cloned.1.call-start
scs
__scs_entry_jumppad:
0x0: {  	(pc) =	sbr.rel $0x88, $3  }
0x1: {  	(tag) =	ssettag $0x0;
	lr =	simm.s32 $0x1  }
0x2: {  	[smem:$0x3F9F] =	sst lr;
	_ =	strace $0xD0000000  }
0x3: {  	_ = 	snop  }
0x4: {  	_ = 	snop  }
0x5: {  	_ = 	snop  }
0x6: {  	_ = 	snop  }
0x7: {  	_ = 	snop  }
__scs_overlays_trampoline_lowered:
0x8: {  	[smem:$0x3FAE] =	sst s0  }
0x9: {  	[smem:$0x3FAF] =	sst s1  }
0xa: {  	[smem:$0x3FB0] =	sst s2  }
0xb: {  	[smem:$0x3FB1] =	sst s3  }
0xc: {  	[smem:$0x3FB2] =	sst s4  }
0xd: {  	[smem:$0x3FB3] =	sst s5  }
0xe: {  	[smem:$0x3FB4] =	sst s6  }
0xf: {  	[smem:$0x3FB5] =	sst s7  }
0x10: {  	[smem:$0x3FB6] =	sst s8  }
0x11: {  	[smem:$0x3FB7] =	sst s9;
	s0 =	simm.s32 @!p0 $0x0  }
0x12: {  	s1 =	sld [smem:$0x3F9D];
	s0 =	simm.s32 @p0 $0x1  }
0x13: {  	[smem:$0x3FB8] =	sst s0;
	s0 =	simm.s32 @!p1 $0x0  }
0x14: {  	s2 =	sld [smem:$0x3F9C];
	s0 =	simm.s32 @p1 $0x1  }
0x15: {  	[smem:$0x3FB9] =	sst s0;
	s0 =	simm.s32 @!p2 $0x0  }
0x16: {  	s3 =	sld [smem:$0x3FDB];
	s0 =	simm.s32 @p2 $0x1  }
0x17: {  	s4 =	simm.s32 $0x1BF5;
	[smem:$0x3FBB] =	sst s0  }
0x18: {  	s0 =	sld [smem:$0x3F9E];
	_ =	swait.ge [sflag:s4], $0x0  }
0x19: {  	s7 =	sld [smem:$0x3F9F]  }
0x1a: {  	s8 =	sadd.s32 $0xFFFFE003, lr  }
0x1b: {  	s9 =	sadd.s32 $0xFFFFFEF7, lr;
	s5 =	simm.s32 $0xFFFFFFFF;
	p2 =	slt.u32 s8, $0xFFFFF086  }
0x1c: {  	p1 =	slt.u32 s9, $0xF7A;
	s5 =	simm.s32 @!p2 $0x0  }
0x1d: {  	s5 =	simm.s32 @p1 $0x1;
	p0 =	seq.s32 s7, s2  }
0x1e: {  	s7 =	smul.u32 @!p0 $0xF7A, s2;
	p2 =	seq.s32 @!p0 s5, $0x0  }
0x1f: {  	s9 =	smul.u32 $0xF7A, s1;
	s8 =	simm.s32 @!p0 $0x1BF5;
	p2 =	por !p2, p0  }
0x20: {  	[sflag:s8] =	ssyncset.s32 @!p0 $0xFFFFF086;
	s6 =	sadd.s32 @!p0 s3, s7;
	s7 =	simm.s32 @!p0 $0x108  }
0x21: {  	s3 =	sadd.s32 s3, s9;
	s6 =	sadd.s32 @!p0 $0x88, s6;
	s7 =	simm.s32 @p2 $0x1082  }
0x22: {  	[simem:s7], [sflag:s8] =	dma.local @!p0 [hbm:s6], $0xF7A  }
0x23: {  	s9 =	sor.u32 $0xD0000000, s2;
	s6 =	simm.s32 $0x108;
	_ =	swait.ge @!p0 [sflag:s8], $0x0  }
0x24: {  	s3 =	sadd.s32 $0x88, s3;
	s6 =	simm.s32 @!p1 $0x1082;
	[sflag:s4] =	ssyncset.s32 $0xFFFFF086  }
0x25: {  	[simem:s6], [sflag:s4] =	dma.local [hbm:s3], $0xF7A  }
0x26: {  	[smem:$0x3F9F] =	sst s1;
	(tag) =	ssettag s2;
	_ =	strace s9  }
0x27: {  	s1 =	sld [smem:$0x3FAF]  }
0x28: {  	s2 =	sld [smem:$0x3FB0]  }
0x29: {  	s4 =	sld [smem:$0x3FB2]  }
0x2a: {  	p0 =	seq.s32 s5, $0x0;
	s5 =	sld [smem:$0x3FB3]  }
0x2b: {  	s6 =	sld [smem:$0x3FB4]  }
0x2c: {  	s7 =	sld [smem:$0x3FB5]  }
0x2d: {  	s3 =	simm.s32 $0x108;
	s8 =	sld [smem:$0x3FB6]  }
0x2e: {  	s3 =	simm.s32 @!p0 $0x1082;
	s9 =	sld [smem:$0x3FB7]  }
0x2f: {  	lr =	sadd.s32 s0, s3;
	s0 =	sld [smem:$0x3FAE]  }
0x30: {  	s3 =	sld [smem:$0x3FB1]  }
0x31: {  	[smem:$0x3FBA] =	sst s10  }
0x32: {  	s10 =	sld [smem:$0x3FB8];
	_ =	sdelay $0x3  }
0x33: {  	p0 =	seq.s32 s10, $0x1;
	s10 =	sld [smem:$0x3FBA];
	_ =	sdelay $0x3  }
0x34: {  	[smem:$0x3FBA] =	sst s10  }
0x35: {  	s10 =	sld [smem:$0x3FB9];
	_ =	sdelay $0x3  }
0x36: {  	p1 =	seq.s32 s10, $0x1;
	s10 =	sld [smem:$0x3FBA];
	_ =	sdelay $0x3  }
0x37: {  	[smem:$0x3FBA] =	sst s10  }
0x38: {  	s10 =	sld [smem:$0x3FBB]  }
0x39: {  	_ = 	snop;
	(pc) =	sbr.ind lr, $3  }
0x3a: {  	_ = 	snop  }
0x3b: {  	_ = 	snop  }
0x3c: {  	p2 =	seq.s32 s10, $0x1;
	s10 =	sld [smem:$0x3FBA]  }
0x3d: {  	_ =	shalt  }
0x3e: {  	_ =	shalt  }
0x3f: {  	_ =	shalt  }
0x40: {  	_ =	shalt  }
0x41: {  	_ =	shalt  }
0x42: {  	_ =	shalt  }
0x43: {  	_ =	shalt  }
0x44: {  	_ =	shalt  }
0x45: {  	_ =	shalt  }
0x46: {  	_ =	shalt  }
0x47: {  	_ =	shalt  }
0x48: {  	_ =	shalt  }
0x49: {  	_ =	shalt  }
0x4a: {  	_ =	shalt  }
0x4b: {  	_ =	shalt  }
0x4c: {  	_ =	shalt  }
0x4d: {  	_ =	shalt  }
0x4e: {  	_ =	shalt  }
0x4f: {  	_ =	shalt  }
0x50: {  	_ =	shalt  }
0x51: {  	_ =	shalt  }
0x52: {  	_ =	shalt  }
0x53: {  	_ =	shalt  }
0x54: {  	_ =	shalt  }
0x55: {  	_ =	shalt  }
0x56: {  	_ =	shalt  }
0x57: {  	_ =	shalt  }
0x58: {  	_ =	shalt  }
0x59: {  	_ =	shalt  }
0x5a: {  	_ =	shalt  }
0x5b: {  	_ =	shalt  }
0x5c: {  	_ =	shalt  }
0x5d: {  	_ =	shalt  }
0x5e: {  	_ =	shalt  }
0x5f: {  	_ =	shalt  }
0x60: {  	_ =	shalt  }
0x61: {  	_ =	shalt  }
0x62: {  	_ =	shalt  }
0x63: {  	_ =	shalt  }
0x64: {  	_ =	shalt  }
0x65: {  	_ =	shalt  }
0x66: {  	_ =	shalt  }
0x67: {  	_ =	shalt  }
0x68: {  	_ =	shalt  }
0x69: {  	_ =	shalt  }
0x6a: {  	_ =	shalt  }
0x6b: {  	_ =	shalt  }
0x6c: {  	_ =	shalt  }
0x6d: {  	_ =	shalt  }
0x6e: {  	_ =	shalt  }
0x6f: {  	_ =	shalt  }
0x70: {  	_ =	shalt  }
0x71: {  	_ =	shalt  }
0x72: {  	_ =	shalt  }
0x73: {  	_ =	shalt  }
0x74: {  	_ =	shalt  }
0x75: {  	_ =	shalt  }
0x76: {  	_ =	shalt  }
0x77: {  	_ =	shalt  }
0x78: {  	_ =	shalt  }
0x79: {  	_ =	shalt  }
0x7a: {  	_ =	shalt  }
0x7b: {  	_ =	shalt  }
0x7c: {  	_ =	shalt  }
0x7d: {  	_ =	shalt  }
0x7e: {  	_ =	shalt  }
0x7f: {  	_ =	shalt  }
0x80: {  	_ =	shalt  }
0x81: {  	_ =	shalt  }
0x82: {  	_ =	shalt  }
0x83: {  	_ =	shalt  }
0x84: {  	_ =	shalt  }
0x85: {  	_ =	shalt  }
0x86: {  	_ =	shalt  }
0x87: {  	_ =	shalt  }
.Lfunc_end0:
.L_simem_size_0:
called_computation.1_lowered:
.L_overlay_start_0:
0x88: {  	s2 =	sld [smem:$0x3FD9]  }
0x89: {  	s3 =	sld [smem:$0x3FFE];
	_ =	sdelay $0x1  }
0x8a: {  	s1 =	srdreg.scid  }
0x8b: {  	s0 =	sand.u32 $0x1, s1  }
0x8c: {  	s17 =	sshll.u32 s0, $0xA;
	s2 =	sadd.s32 s3, s2  }
0x8d: {  	s2 =	sadd.s32 s2, s17  }
0x8e: {  	[smem:$0x3FC6] =	sst s2  }
0x8f: {  	_ = 	snop  }
0x90: {  	s2 =	sld [smem:$0x3FD0];
	(tm) =	ssettm $0x1  }
0x91: {  	s18 =	sld [smem:$0x3FFB];
	_ =	sdelay $0x3  }
0x92: {  	_ =	strace s18  }
0x93: {  	s3 =	sld [smem:$0x3FFC];
	_ =	sdelay $0x3  }
0x94: {  	_ =	strace s3  }
0x95: {  	s3 =	sld [smem:$0x3FFD];
	_ =	sdelay $0x3  }
0x96: {  	_ =	strace s3  }
0x97: {  	_ =	strace $0x8FFFFFFF  }
0x98: {  	s19 =	sld [smem:$0x3FDB];
	_ =	sdelay $0x1  }
0x99: {  	s4 =	simm.s32 $_scs_section_size  }
0x9a: {  	s5 =	simm.s32 $_size__tile_overlayer_lowered;
	s6 =	simm.s32 $_tile_overlayer_lowered  }
0x9b: {  	s22 =	simm.s32 $0x1BFF;
	s21 =	sshll.u32 s6, $0x1;
	s3 =	sadd.s32 s4, s19  }
0x9c: {  	s7 =	simm.s32 $0x0;
	s20 =	sshll.u32 s5, $0x1;
	s5 =	sadd.s32 s21, s3  }
0x9d: {  	[timem:s7], [sflag:s22] =	dma.local [hbm:s5], s20  }
0x9e: {  	_ =	swait.ge [sflag:s22], s20  }
0x9f: {  	s4 =	ssub.s32 $0x0, s20;
	[sflag:s22] =	ssyncset.done $0x0  }
0xa0: {  	[sflag:s22] =	ssyncadd.s32 s4;
	_ =	sdelay $0x1  }
0xa1: {  	s23 =	simm.s32 $0x1B8B  }
0xa2: {  	_ =	swait.ge [sflag:s23], $0x1  }
0xa3: {  	[sflag:s23] =	ssyncset.done $0x0  }
0xa4: {  	s25 =	simm.s32 $0x1B8E;
	s24 =	sld [smem:$0x3FFE];
	[sflag:s23] =	ssyncadd.s32 $0xFFFFFFFF  }
0xa5: {  	s26 =	simm.s32 $execute0_lowered;
	[smem:$0x3FD2] =	sst s25  }
0xa6: {  	s5 =	sshll.u32 s26, $0x1;
	_ =	strace $0x80000049;
	[dreg:$0x1] =	wrdreg $0xFFFFFFFF  }
0xa7: {  	s28 =	simm.s32 $_size_execute0_lowered;
	s3 =	sadd.s32 s3, s5;
	[dreg:$0x0] =	wrdreg $0x0  }
0xa8: {  	s5 =	sshll.u32 s28, $0x1;
	[dreg:$0x2] =	wrdreg s3  }
0xa9: {  	[dreg:$0x3] =	wrdreg s5  }
0xaa: {  	[dreg:$0x4] =	wrdreg $0xC0  }
0xab: {  	_ =	task [dreg:s7], $0x5FFFF  }
0xac: {  	[dreg:$0x1] =	wrdreg $0xFFFFFFFF  }
0xad: {  	[dreg:$0x0] =	wrdreg $0x60  }
0xae: {  	[dreg:$0x2] =	wrdreg s2  }
0xaf: {  	[dreg:$0x3] =	wrdreg s24  }
0xb0: {  	[dreg:$0x4] =	wrdreg $0x9  }
0xb1: {  	_ =	task.clear_ibuf [dreg:s7], $0x5FFFF;
	_ =	strace $0x90000049  }
0xb2: {  	s29 =	simm.s32 $0x9;
	_ =	strace $0x8000004B  }
0xb3: {  	_ =	swait.ge [sflag:s29], $0x1  }
0xb4: {  	[sflag:s29] =	ssyncadd.s32 $0xFFFFFFFF  }
0xb5: {  	_ =	strace $0x9000004B  }
0xb6: {  	_ =	sfence  }
0xb7: {  	s30 =	sld [smem:$0x0];
	_ =	sdelay $0x2  }
0xb8: {  	s31 =	sshll.u32 s1, $0xD;
	s1 =	sshrl.u32 s1, $0x2  }
0xb9: {  	s3 =	sand.u32 $0x4000, s31;
	s1 =	sadd.s32 s1, s30  }
0xba: {  	s0 =	sor.u32 s3, s0;
	s1 =	sshll.u32 s1, $0x11  }
0xbb: {  	s0 =	sor.u32 s1, s0  }
0xbc: {  	s0 =	sadd.s32 $0x8F2B, s0  }
0xbd: {  	[sflag:s0] =	ssyncadd.remote.s32 $0x1  }
0xbe: {  	_ =	sfence.sel $0xFFFF  }
0xbf: {  	[dreg:$0x0] =	wrdreg $0xFFFFFFFF;
	(pc) =	sbr.abs _section_cstart, $3  }
0xc0: {  	[dreg:$0x1] =	wrdreg $0xFFFFFFFF  }
0xc1: {  	_ =	task.clear_ibuf [dreg:s7], $0x2FFFF;
	_ =	strace $0x9FFFFFFF  }
0xc2: {  	(tm) =	ssettm $0x7FFFFFFF  }
0xc3: {  	_ =	shalt  }
tec
execute0_lowered:
.L_overlay_start_1:
0x0: {  	(tag) =	ssettag $0x1  }
0x1: {  	s0 =	rddreg [dreg:$0x0]  }
0x2: {  	s1 =	rddreg [dreg:$0x1];
	s2 =	simm.s32 $0x0  }
0x3: {  	s3 =	srdreg.scid;
	s5 =	stileid.u32;
	s11 =	simm.s32 $0x80  }
0x4: {  	s13 =	simm.s32 $0x7;
	s20 =	simm.s32 $0x1;
	s21 =	simm.s32 $0xE400  }
0x5: {  	s22 =	simm.s32 $0x2;
	s23 =	simm.s32 $0x10600;
	s24 =	simm.s32 $0x3  }
0x6: {  	s25 =	simm.s32 $0x5;
	s26 =	simm.s32 $0x4;
	s28 =	simm.s32 $0x6  }
0x7: {  	s29 =	simm.s32 $0x0;
	[smem:$0x7FF] =	sst s2;
	s4 =	sand.u32 $0x1, s3  }
0x8: {  	s5 =	sshll.u32 s5, $0x8;
	s3 =	sadd.s32 $0xE00, s1;
	s9 =	sadd.s32 $0x7BA000, s1  }
0x9: {  	v0 =	vlaneseq.u32;
	_ =	strace $0x8000004A;
	s6 =	sshll.u32 s4, $0x7;
	s7 =	ssub.s32 $0x2, s4  }
0xa: {  	v0 =	vmul.u32 $0x88, v0;
	s4 =	sor.u32 s6, s5;
	s5 =	sadd.s32 $0x7A2000, s1;
	s31 =	sshrl.u32 s7, $0x1  }
0xb: {  	s8 =	sshrl.u32 s4, $0x3;
	s10 =	ssub.s32 s7, s31;
	s7 =	sadd.s32 $0x7AA000, s1  }
0xc: {  	v1 =	vadd.s32 $0x880, v0;
	v2 =	vadd.s32 $0x1100, v0;
	v3 =	vadd.s32 $0x1980, v0;
	s6 =	sadd.s32 s0, s8;
	s8 =	sadd.s32 $0x7B2000, s1;
	s10 =	smax.u32 s10, $0x1  }
.LBB2_1:
0xd: {  	s0 =	simm.s32 $0x1000  }
0xe: {  	[tilespmem:s2], [sflag:$0x7] =	stream.strided.gather [hbm4b:s6+s11], $0x6400, s0, s11, $0x38;
	[tilespmem:$0x12800] =	vst v63  }
0xf: {  	_ =	swait.ge [sflag:s13], $0x6400  }
0x10: {  	[sflag:s13] =	ssyncset.done $0x0  }
0x11: {  	s16 =	simm.s32 $0x6400;
	[sflag:s13] =	ssyncadd.s32 $0xFFFF9C00  }
0x12: {  	[tilespmem:s16], [sflag:$0x1] =	stream.indirect.gather [hbm4b:s3+s11], $0x40, s2, s11, $0xb8;
	[tilespmem:$0x12800] =	vst v63  }
0x13: {  	s17 =	simm.s32 $0x8400  }
0x14: {  	[tilespmem:s17], [sflag:$0x2] =	stream.indirect.gather [hbm4b:s3+s11], $0x40, s11, s11, $0xb8;
	[tilespmem:$0x12800] =	vst v63  }
0x15: {  	s18 =	simm.s32 $0x100;
	s1 =	simm.s32 $0xA400  }
0x16: {  	[tilespmem:s1], [sflag:$0x3] =	stream.indirect.gather [hbm4b:s3+s11], $0x40, s18, s11, $0xb8;
	[tilespmem:$0x12800] =	vst v63  }
0x17: {  	s19 =	simm.s32 $0x180;
	s31 =	simm.s32 $0xC400;
	s30 =	simm.s32 $0x0  }
0x18: {  	[tilespmem:s31], [sflag:$0x4] =	stream.indirect.gather [hbm4b:s3+s11], $0x40, s19, s11, $0xb8;
	[tilespmem:$0x12800] =	vst v63  }
.LBB2_2:
0x19: {  	_ =	swait.ge [sflag:s20], $0x2000  }
0x1a: {  	p1 =	seq.s32 s30, $0x0;
	[sflag:s20] =	ssyncset.done $0x0  }
0x1b: {  	s0 =	simm.s32 @!p1 $0x5;
	[sflag:s20] =	ssyncadd.s32 $0xFFFFE000  }
0x1c: {  	_ =	swait.ge @!p1 [sflag:s0], $0x2000  }
0x1d: {  	[sflag:s0] =	ssyncset.done @!p1 $0x0  }
0x1e: {  	s14 =	simm.s32 $0x6440;
	s15 =	simm.s32 $0x1;
	[sflag:s0] =	ssyncadd.s32 @!p1 $0xFFFFE000  }
0x1f: {  	v4 =	vmov s15;
	v5 =	vld [tilespmem:s14+$0x0]  }
0x20: {  	v9 =	vand.u32 $0x7F, v4  }
0x21: {  	v4 =	vadd.s32 v0, v9  }
0x22: {  	s16 =	simm.s32 $0x0  }
0x23: {  	v6 =	vmov s16;
	v7 =	vld [tilespmem:s14+$0xFFFFFFC0]  }
0x24: {  	v14 =	vand.u32 $0x7E, v6;
	v5 =	vmul.f32 $8.000000000e+00, v5  }
0x25: {  	s1 =	simm.s32 $0x3;
	v6 =	vadd.s32 v0, v14;
	s0 =	simm.s32 $0x64C0  }
0x26: {  	v8 =	vld [tilespmem:s0+$0x0];
	[tilespmem:v4+s21+$0x0] =	vst.idx.msk $0xffff, v5;
	v4 =	vmov s1  }
0x27: {  	v4 =	vand.u32 $0x7F, v4;
	v10 =	vld [tilespmem:s14+$0x10]  }
0x28: {  	v5 =	vmul.f32 $8.000000000e+00, v7;
	v7 =	vadd.s32 v0, v4  }
0x29: {  	s17 =	simm.s32 $0x2;
	v11 =	vadd.s32 v1, v9  }
0x2a: {  	v12 =	vld [tilespmem:s0+$0xFFFFFFC0];
	[tilespmem:v6+s21+$0x0] =	vst.idx.msk $0xffff, v5;
	v5 =	vmov s17  }
0x2b: {  	v6 =	vmul.f32 $8.000000000e+00, v8;
	v5 =	vand.u32 $0x7E, v5;
	v8 =	vld [tilespmem:s14+$0xFFFFFFD0]  }
0x2c: {  	s12 =	simm.s32 $0x5;
	s1 =	simm.s32 $0x6540;
	v13 =	vadd.s32 v0, v5;
	v10 =	vmul.f32 $8.000000000e+00, v10  }
0x2d: {  	v15 =	vld [tilespmem:s1+$0x0];
	[tilespmem:v7+s21+$0x0] =	vst.idx.msk $0xffff, v6;
	v7 =	vadd.s32 v1, v14;
	v6 =	vmov s12  }
0x2e: {  	[tilespmem:v11+s21+$0x0] =	vst.idx.msk $0xffff, v10;
	v6 =	vand.u32 $0x7F, v6;
	v10 =	vld [tilespmem:s0+$0x10]  }
0x2f: {  	v11 =	vmul.f32 $8.000000000e+00, v12;
	v12 =	vadd.s32 v0, v6;
	v16 =	vld [tilespmem:s14+$0x20]  }
0x30: {  	s18 =	simm.s32 $0x4;
	v17 =	vadd.s32 v1, v4;
	v8 =	vmul.f32 $8.000000000e+00, v8  }
0x31: {  	v18 =	vadd.s32 v2, v9;
	[tilespmem:v13+s21+$0x0] =	vst.idx.msk $0xffff, v11;
	v11 =	vmov s18;
	v13 =	vld [tilespmem:s1+$0xFFFFFFC0]  }
0x32: {  	[tilespmem:v7+s21+$0x0] =	vst.idx.msk $0xffff, v8;
	v7 =	vand.u32 $0x7E, v11;
	v8 =	vmul.f32 $8.000000000e+00, v15;
	v11 =	vld [tilespmem:s0+$0xFFFFFFD0]  }
0x33: {  	s15 =	simm.s32 $0x7;
	s12 =	simm.s32 $0x65C0;
	v15 =	vadd.s32 v0, v7;
	v10 =	vmul.f32 $8.000000000e+00, v10;
	v19 =	vld [tilespmem:s14+$0xFFFFFFE0]  }
0x34: {  	v20 =	vld [tilespmem:s12+$0x0];
	[tilespmem:v12+s21+$0x0] =	vst.idx.msk $0xffff, v8;
	v12 =	vadd.s32 v1, v5;
	v16 =	vmul.f32 $8.000000000e+00, v16;
	v8 =	vmov s15  }
0x35: {  	[tilespmem:v17+s21+$0x0] =	vst.idx.msk $0xffff, v10;
	v10 =	vadd.s32 v2, v14;
	v8 =	vand.u32 $0x7F, v8;
	v17 =	vld [tilespmem:s1+$0x10]  }
0x36: {  	v13 =	vmul.f32 $8.000000000e+00, v13;
	[tilespmem:v18+s21+$0x0] =	vst.idx.msk $0xffff, v16;
	v16 =	vadd.s32 v0, v8;
	v18 =	vld [tilespmem:s0+$0x20]  }
0x37: {  	s19 =	simm.s32 $0x6;
	v21 =	vadd.s32 v1, v6;
	v11 =	vmul.f32 $8.000000000e+00, v11;
	v22 =	vld [tilespmem:s14+$0x30]  }
0x38: {  	v23 =	vadd.s32 v2, v4;
	[tilespmem:v15+s21+$0x0] =	vst.idx.msk $0xffff, v13;
	v13 =	vmul.f32 $8.000000000e+00, v19;
	v15 =	vld [tilespmem:s12+$0xFFFFFFC0];
	v19 =	vmov s19  }
0x39: {  	v25 =	vadd.s32 v3, v9;
	[tilespmem:v12+s21+$0x0] =	vst.idx.msk $0xffff, v11;
	v12 =	vmul.f32 $8.000000000e+00, v20;
	v24 =	vld [tilespmem:s1+$0xFFFFFFD0];
	v9 =	vand.u32 $0x7E, v19  }
0x3a: {  	[tilespmem:v10+s21+$0x0] =	vst.idx.msk $0xffff, v13;
	v10 =	vmul.f32 $8.000000000e+00, v17;
	v11 =	vld [tilespmem:s0+$0xFFFFFFE0];
	v17 =	vadd.s32 v0, v9  }
0x3b: {  	s16 =	simm.s32 $0x9;
	s15 =	simm.s32 $0x6640;
	[tilespmem:v16+s21+$0x0] =	vst.idx.msk $0xffff, v12;
	v20 =	vmul.f32 $8.000000000e+00, v18;
	v12 =	vld [tilespmem:s14+$0xFFFFFFF0];
	v16 =	vadd.s32 v1, v7  }
0x3c: {  	v19 =	vld [tilespmem:s15+$0x0];
	v13 =	vadd.s32 v2, v5;
	v18 =	vmov s16;
	[tilespmem:v21+s21+$0x0] =	vst.idx.msk $0xffff, v10;
	v26 =	vmul.f32 $8.000000000e+00, v22  }
0x3d: {  	s31 =	simm.s32 $0x6640;
	v14 =	vadd.s32 v3, v14;
	v10 =	vand.u32 $0x7F, v18;
	v18 =	vld [tilespmem:s12+$0x10];
	v22 =	vmul.f32 $8.000000000e+00, v15;
	[tilespmem:v23+s21+$0x0] =	vst.idx.msk $0xffff, v20  }
0x3e: {  	s17 =	simm.s32 $0x8;
	s14 =	sshll.u32 s30, $0x14;
	s16 =	simm.s32 $0xA;
	v20 =	vadd.s32 v0, v10;
	v15 =	vld [tilespmem:s1+$0x20];
	v21 =	vmul.f32 $8.000000000e+00, v24;
	[tilespmem:v25+s21+$0x0] =	vst.idx.msk $0xffff, v26  }
.LBB2_3:
0x3f: {  	p0 =	slt.u32 s16, $0x7E;
	[tilespmem:v17+s21+$0x0] =	vst.idx.msk $0xffff, v22;
	v22 =	vadd.s32 v1, v8;
	v11 =	vmul.f32 $8.000000000e+00, v11;
	v23 =	vld [tilespmem:s0+$0x30]  }
0x40: {  	v17 =	vmov s17;
	s17 =	smov.u32 s16;
	v24 =	vld [tilespmem:s15+$0xFFFFFFC0];
	[tilespmem:v16+s21+$0x0] =	vst.idx.msk $0xffff, v21;
	v21 =	vadd.s32 v2, v6;
	v12 =	vmul.f32 $8.000000000e+00, v12  }
0x41: {  	v27 =	vadd.s32 v3, v4;
	v4 =	vmovc v6;
	v25 =	vand.u32 $0x7E, v17;
	v16 =	vmul.f32 $8.000000000e+00, v19;
	v26 =	vld [tilespmem:s12+$0xFFFFFFD0];
	[tilespmem:v13+s21+$0x0] =	vst.idx.msk $0xffff, v11  }
.Ltmp0:
0x42: {  	v6 =	vmovc v8;
	v8 =	vmov v10;
	v17 =	vadd.s32 v0, v25;
	v13 =	vmul.f32 $8.000000000e+00, v18;
	v11 =	vld [tilespmem:s1+$0xFFFFFFE0];
	[tilespmem:v14+s21+$0x0] =	vst.idx.msk $0xffff, v12;
	(pc) =	sbr.rel @p0 .LBB2_3-.Ltmp0, $4  }
0x43: {  	s18 =	sadd.s32 $0x1, s16;
	s15 =	sadd.s32 $0x80, s15;
	[tilespmem:v20+s21+$0x0] =	vst.idx.msk $0xffff, v16;
	v16 =	vadd.s32 v1, v9;
	v14 =	vmul.f32 $8.000000000e+00, v15;
	v12 =	vld [tilespmem:s0+$0xFFFFFFF0];
	s0 =	smov.u32 s1  }
0x44: {  	v10 =	vmov s18;
	s1 =	smov.u32 s12;
	s12 =	smov.u32 s31;
	s31 =	smov.u32 s15;
	v19 =	vld [tilespmem:s15+$0x0];
	[tilespmem:v22+s21+$0x0] =	vst.idx.msk $0xffff, v13;
	v13 =	vadd.s32 v2, v7;
	v23 =	vmul.f32 $8.000000000e+00, v23  }
0x45: {  	v10 =	vand.u32 $0x7F, v10;
	v22 =	vmul.f32 $8.000000000e+00, v24;
	v18 =	vld [tilespmem:s12+$0x10];
	[tilespmem:v21+s21+$0x0] =	vst.idx.msk $0xffff, v14;
	v14 =	vadd.s32 v3, v5;
	v5 =	vmovc v7  }
0x46: {  	s16 =	sadd.s32 $0x2, s16;
	v20 =	vadd.s32 v0, v10;
	v7 =	vmovc v9;
	v9 =	vmov v25;
	v21 =	vmul.f32 $8.000000000e+00, v26;
	v15 =	vld [tilespmem:s1+$0x20];
	[tilespmem:v27+s21+$0x0] =	vst.idx.msk $0xffff, v23  }
0x47: {  	v23 =	vmov s17;
	v24 =	vld [tilespmem:s15+$0xFFFFFFC0]  }
0x48: {  	v23 =	vand.u32 $0x7E, v23  }
0x49: {  	v25 =	vadd.s32 v0, v23;
	_ =	sdelay $0x1  }
0x4a: {  	v19 =	vmul.f32 $8.000000000e+00, v19  }
0x4b: {  	[tilespmem:v17+s21+$0x0] =	vst.idx.msk $0xffff, v22;
	v62 =	vmul.f32 $8.000000000e+00, v24  }
0x4c: {  	v22 =	vld [tilespmem:s12+$0xFFFFFFD0];
	[tilespmem:v20+s21+$0x0] =	vst.idx.msk $0xffff, v19  }
0x4d: {  	v63 =	vadd.s32 v1, v8;
	v20 =	vld [tilespmem:s31+$0x10];
	[tilespmem:v25+s21+$0x0] =	vst.idx.msk $0xffff, v62  }
0x4e: {  	v28 =	vadd.s32 v1, v9;
	v29 =	vld [tilespmem:s31+$0xFFFFFFD0]  }
0x4f: {  	v30 =	vadd.s32 v1, v10  }
0x50: {  	v26 =	vadd.s32 v1, v23;
	v18 =	vmul.f32 $8.000000000e+00, v18  }
0x51: {  	[tilespmem:v16+s21+$0x0] =	vst.idx.msk $0xffff, v21;
	v31 =	vmul.f32 $8.000000000e+00, v22  }
0x52: {  	v32 =	vld [tilespmem:s1+$0xFFFFFFE0];
	[tilespmem:v63+s21+$0x0] =	vst.idx.msk $0xffff, v18;
	v33 =	vmul.f32 $8.000000000e+00, v20  }
0x53: {  	v34 =	vadd.s32 v2, v6;
	v35 =	vld [tilespmem:s12+$0x20];
	[tilespmem:v28+s21+$0x0] =	vst.idx.msk $0xffff, v31;
	v36 =	vmul.f32 $8.000000000e+00, v29  }
0x54: {  	v11 =	vmul.f32 $8.000000000e+00, v11;
	v37 =	vadd.s32 v2, v7;
	v38 =	vld [tilespmem:s12+$0xFFFFFFE0];
	[tilespmem:v30+s21+$0x0] =	vst.idx.msk $0xffff, v33  }
0x55: {  	v39 =	vadd.s32 v2, v8;
	v12 =	vmul.f32 $8.000000000e+00, v12;
	v40 =	vld [tilespmem:s31+$0x20];
	[tilespmem:v26+s21+$0x0] =	vst.idx.msk $0xffff, v36  }
0x56: {  	v42 =	vadd.s32 v2, v9;
	[tilespmem:v13+s21+$0x0] =	vst.idx.msk $0xffff, v11;
	v41 =	vmul.f32 $8.000000000e+00, v15;
	v43 =	vld [tilespmem:s31+$0xFFFFFFE0]  }
0x57: {  	v44 =	vld [tilespmem:s0+$0x30];
	v46 =	vadd.s32 v2, v10;
	[tilespmem:v14+s21+$0x0] =	vst.idx.msk $0xffff, v12;
	v45 =	vmul.f32 $8.000000000e+00, v32  }
0x58: {  	v49 =	vadd.s32 v2, v23;
	v47 =	vld [tilespmem:s0+$0xFFFFFFF0];
	[tilespmem:v34+s21+$0x0] =	vst.idx.msk $0xffff, v41;
	v48 =	vmul.f32 $8.000000000e+00, v35  }
0x59: {  	v4 =	vadd.s32 v3, v4;
	[tilespmem:v37+s21+$0x0] =	vst.idx.msk $0xffff, v45;
	v20 =	vld [tilespmem:s1+$0x30];
	v50 =	vmul.f32 $8.000000000e+00, v38  }
0x5a: {  	v5 =	vadd.s32 v3, v5;
	v51 =	vld [tilespmem:s1+$0xFFFFFFF0];
	[tilespmem:v39+s21+$0x0] =	vst.idx.msk $0xffff, v48;
	v52 =	vmul.f32 $8.000000000e+00, v40  }
0x5b: {  	v53 =	vadd.s32 v3, v6;
	v54 =	vld [tilespmem:s12+$0x30];
	[tilespmem:v42+s21+$0x0] =	vst.idx.msk $0xffff, v50;
	v55 =	vmul.f32 $8.000000000e+00, v43  }
0x5c: {  	v57 =	vadd.s32 v3, v7;
	v56 =	vmul.f32 $8.000000000e+00, v44;
	v58 =	vld [tilespmem:s12+$0xFFFFFFF0];
	[tilespmem:v46+s21+$0x0] =	vst.idx.msk $0xffff, v52  }
0x5d: {  	v60 =	vadd.s32 v3, v8;
	v59 =	vmul.f32 $8.000000000e+00, v47;
	v14 =	vld [tilespmem:s31+$0x30];
	[tilespmem:v49+s21+$0x0] =	vst.idx.msk $0xffff, v55  }
0x5e: {  	v61 =	vadd.s32 v3, v9;
	[tilespmem:v4+s21+$0x0] =	vst.idx.msk $0xffff, v56;
	v4 =	vmul.f32 $8.000000000e+00, v20;
	v12 =	vld [tilespmem:s31+$0xFFFFFFF0]  }
0x5f: {  	v62 =	vadd.s32 v3, v10;
	[tilespmem:v5+s21+$0x0] =	vst.idx.msk $0xffff, v59;
	v5 =	vmul.f32 $8.000000000e+00, v51  }
0x60: {  	v63 =	vadd.s32 v3, v23;
	[tilespmem:v53+s21+$0x0] =	vst.idx.msk $0xffff, v4;
	v4 =	vmul.f32 $8.000000000e+00, v54  }
0x61: {  	[tilespmem:v57+s21+$0x0] =	vst.idx.msk $0xffff, v5;
	v5 =	vmul.f32 $8.000000000e+00, v58  }
0x62: {  	p0 =	seq.s32 s30, $0x31;
	[tilespmem:v60+s21+$0x0] =	vst.idx.msk $0xffff, v4;
	v4 =	vmul.f32 $8.000000000e+00, v14  }
0x63: {  	s0 =	sshll.u32 @!p0 s30, $0x9;
	[tilespmem:v61+s21+$0x0] =	vst.idx.msk $0xffff, v5;
	v5 =	vmul.f32 $8.000000000e+00, v12  }
0x64: {  	s19 =	sor.u32 s4, s14;
	s31 =	sand.u32 @!p0 $0x3FFFFE00, s0;
	[tilespmem:v62+s21+$0x0] =	vst.idx.msk $0xffff, v4  }
0x65: {  	s1 =	simm.s32 @!p0 $0x80;
	s12 =	simm.s32 @!p0 $0x6400;
	s0 =	sadd.s32 @!p0 $0x200, s31;
	[tilespmem:v63+s21+$0x0] =	vst.idx.msk $0xffff, v5  }
0x66: {  	[tilespmem:s12], [sflag:$0x1] =	stream.indirect.gather @!p0 [hbm4b:s3+s1], $0x40, s0, s1, $0xb8;
	[tilespmem:$0x12800] =	vst v63  }
0x67: {  	s0 =	sshrl.u32 s19, $0x3  }
0x68: {  	s14 =	simm.s32 $0x200;
	s1 =	sadd.s32 s5, s0  }
0x69: {  	s15 =	simm.s32 $0xE488;
	s12 =	simm.s32 $0xE400;
	s16 =	sadd.s32 $0x0, s1  }
.LBB2_5:
0x6a: {  	[hbm4b:s16+s2] =	stream.linear.scatter [tilespmem:s12], [sflag:$0x5], $0x80, $0x38;
	[tilespmem:$0x12800] =	vst v63  }
0x6b: {  	s16 =	smov.u32 s14;
	s12 =	smov.u32 s15;
	p2 =	sne.s32 s14, $0x7E00  }
.Ltmp1:
0x6c: {  	s14 =	sadd.s32 $0x200, s14;
	(pc) =	sbr.rel @p2 .LBB2_5-.Ltmp1, $2  }
0x6d: {  	_ =	sdelay $0x2  }
0x6e: {  	s15 =	sadd.s32 $0x88, s15;
	s16 =	sadd.s32 s16, s1  }
0x6f: {  	[hbm4b:s16+s2] =	stream.linear.scatter [tilespmem:s12], [sflag:$0x5], $0x80, $0x38;
	[tilespmem:$0x12800] =	vst v63  }
0x70: {  	_ =	swait.ge [sflag:s22], $0x2000  }
0x71: {  	[sflag:s22] =	ssyncset.done $0x0  }
0x72: {  	s1 =	simm.s32 @!p1 $0x6;
	[sflag:s22] =	ssyncadd.s32 $0xFFFFE000  }
0x73: {  	_ =	swait.ge @!p1 [sflag:s1], $0x2000  }
0x74: {  	[sflag:s1] =	ssyncset.done @!p1 $0x0  }
0x75: {  	s15 =	simm.s32 $0x8440;
	s19 =	simm.s32 $0x1;
	[sflag:s1] =	ssyncadd.s32 @!p1 $0xFFFFE000  }
0x76: {  	v4 =	vmov s19;
	v5 =	vld [tilespmem:s15+$0x0]  }
0x77: {  	v9 =	vand.u32 $0x7F, v4  }
0x78: {  	v4 =	vadd.s32 v0, v9  }
0x79: {  	s12 =	simm.s32 $0x0  }
0x7a: {  	v6 =	vmov s12;
	v7 =	vld [tilespmem:s15+$0xFFFFFFC0]  }
0x7b: {  	v14 =	vand.u32 $0x7E, v6;
	v5 =	vmul.f32 $8.000000000e+00, v5  }
0x7c: {  	s14 =	simm.s32 $0x3;
	v6 =	vadd.s32 v0, v14;
	s1 =	simm.s32 $0x84C0  }
0x7d: {  	v8 =	vld [tilespmem:s1+$0x0];
	[tilespmem:v4+s23+$0x0] =	vst.idx.msk $0xffff, v5;
	v4 =	vmov s14  }
0x7e: {  	v4 =	vand.u32 $0x7F, v4;
	v10 =	vld [tilespmem:s15+$0x10]  }
0x7f: {  	v5 =	vmul.f32 $8.000000000e+00, v7;
	v7 =	vadd.s32 v0, v4  }
0x80: {  	s16 =	simm.s32 $0x2;
	v11 =	vadd.s32 v1, v9  }
0x81: {  	v12 =	vld [tilespmem:s1+$0xFFFFFFC0];
	[tilespmem:v6+s23+$0x0] =	vst.idx.msk $0xffff, v5;
	v5 =	vmov s16  }
0x82: {  	v6 =	vmul.f32 $8.000000000e+00, v8;
	v5 =	vand.u32 $0x7E, v5;
	v8 =	vld [tilespmem:s15+$0xFFFFFFD0]  }
0x83: {  	s12 =	simm.s32 $0x8540;
	s14 =	simm.s32 $0x5;
	v13 =	vadd.s32 v0, v5;
	v10 =	vmul.f32 $8.000000000e+00, v10  }
0x84: {  	v15 =	vld [tilespmem:s12+$0x0];
	[tilespmem:v7+s23+$0x0] =	vst.idx.msk $0xffff, v6;
	v7 =	vadd.s32 v1, v14;
	v6 =	vmov s14  }
0x85: {  	[tilespmem:v11+s23+$0x0] =	vst.idx.msk $0xffff, v10;
	v6 =	vand.u32 $0x7F, v6;
	v10 =	vld [tilespmem:s1+$0x10]  }
0x86: {  	v11 =	vmul.f32 $8.000000000e+00, v12;
	v12 =	vadd.s32 v0, v6;
	v16 =	vld [tilespmem:s15+$0x20]  }
0x87: {  	s17 =	simm.s32 $0x4;
	v17 =	vadd.s32 v1, v4;
	v8 =	vmul.f32 $8.000000000e+00, v8  }
0x88: {  	v18 =	vadd.s32 v2, v9;
	[tilespmem:v13+s23+$0x0] =	vst.idx.msk $0xffff, v11;
	v11 =	vmov s17;
	v13 =	vld [tilespmem:s12+$0xFFFFFFC0]  }
0x89: {  	[tilespmem:v7+s23+$0x0] =	vst.idx.msk $0xffff, v8;
	v7 =	vand.u32 $0x7E, v11;
	v8 =	vmul.f32 $8.000000000e+00, v15;
	v11 =	vld [tilespmem:s1+$0xFFFFFFD0]  }
0x8a: {  	s18 =	simm.s32 $0x7;
	s14 =	simm.s32 $0x85C0;
	v15 =	vadd.s32 v0, v7;
	v10 =	vmul.f32 $8.000000000e+00, v10;
	v19 =	vld [tilespmem:s15+$0xFFFFFFE0]  }
0x8b: {  	v20 =	vld [tilespmem:s14+$0x0];
	[tilespmem:v12+s23+$0x0] =	vst.idx.msk $0xffff, v8;
	v12 =	vadd.s32 v1, v5;
	v16 =	vmul.f32 $8.000000000e+00, v16;
	v8 =	vmov s18  }
0x8c: {  	[tilespmem:v17+s23+$0x0] =	vst.idx.msk $0xffff, v10;
	v10 =	vadd.s32 v2, v14;
	v8 =	vand.u32 $0x7F, v8;
	v17 =	vld [tilespmem:s12+$0x10]  }
0x8d: {  	v13 =	vmul.f32 $8.000000000e+00, v13;
	[tilespmem:v18+s23+$0x0] =	vst.idx.msk $0xffff, v16;
	v16 =	vadd.s32 v0, v8;
	v18 =	vld [tilespmem:s1+$0x20]  }
0x8e: {  	s19 =	simm.s32 $0x6;
	v21 =	vadd.s32 v1, v6;
	v11 =	vmul.f32 $8.000000000e+00, v11;
	v22 =	vld [tilespmem:s15+$0x30]  }
0x8f: {  	v23 =	vadd.s32 v2, v4;
	[tilespmem:v15+s23+$0x0] =	vst.idx.msk $0xffff, v13;
	v13 =	vmul.f32 $8.000000000e+00, v19;
	v15 =	vld [tilespmem:s14+$0xFFFFFFC0];
	v19 =	vmov s19  }
0x90: {  	v25 =	vadd.s32 v3, v9;
	[tilespmem:v12+s23+$0x0] =	vst.idx.msk $0xffff, v11;
	v12 =	vmul.f32 $8.000000000e+00, v20;
	v24 =	vld [tilespmem:s12+$0xFFFFFFD0];
	v9 =	vand.u32 $0x7E, v19  }
0x91: {  	[tilespmem:v10+s23+$0x0] =	vst.idx.msk $0xffff, v13;
	v10 =	vmul.f32 $8.000000000e+00, v17;
	v11 =	vld [tilespmem:s1+$0xFFFFFFE0];
	v17 =	vadd.s32 v0, v9  }
0x92: {  	s16 =	simm.s32 $0x8640;
	s17 =	simm.s32 $0x9;
	[tilespmem:v16+s23+$0x0] =	vst.idx.msk $0xffff, v12;
	v20 =	vmul.f32 $8.000000000e+00, v18;
	v12 =	vld [tilespmem:s15+$0xFFFFFFF0];
	v16 =	vadd.s32 v1, v7  }
0x93: {  	v19 =	vld [tilespmem:s16+$0x0];
	v13 =	vadd.s32 v2, v5;
	v18 =	vmov s17;
	[tilespmem:v21+s23+$0x0] =	vst.idx.msk $0xffff, v10;
	v26 =	vmul.f32 $8.000000000e+00, v22  }
0x94: {  	v14 =	vadd.s32 v3, v14;
	v10 =	vand.u32 $0x7F, v18;
	v18 =	vld [tilespmem:s14+$0x10];
	v22 =	vmul.f32 $8.000000000e+00, v15;
	[tilespmem:v23+s23+$0x0] =	vst.idx.msk $0xffff, v20  }
0x95: {  	s18 =	simm.s32 $0x8;
	s17 =	simm.s32 $0xA;
	s15 =	simm.s32 $0x8640;
	v20 =	vadd.s32 v0, v10;
	v15 =	vld [tilespmem:s12+$0x20];
	v21 =	vmul.f32 $8.000000000e+00, v24;
	[tilespmem:v25+s23+$0x0] =	vst.idx.msk $0xffff, v26  }
.LBB2_7:
0x96: {  	p1 =	slt.u32 s17, $0x7E;
	[tilespmem:v17+s23+$0x0] =	vst.idx.msk $0xffff, v22;
	v22 =	vadd.s32 v1, v8;
	v11 =	vmul.f32 $8.000000000e+00, v11;
	v23 =	vld [tilespmem:s1+$0x30]  }
0x97: {  	v17 =	vmov s18;
	s18 =	smov.u32 s17;
	v24 =	vld [tilespmem:s16+$0xFFFFFFC0];
	[tilespmem:v16+s23+$0x0] =	vst.idx.msk $0xffff, v21;
	v21 =	vadd.s32 v2, v6;
	v12 =	vmul.f32 $8.000000000e+00, v12  }
0x98: {  	v27 =	vadd.s32 v3, v4;
	v4 =	vmovc v6;
	v25 =	vand.u32 $0x7E, v17;
	v16 =	vmul.f32 $8.000000000e+00, v19;
	v26 =	vld [tilespmem:s14+$0xFFFFFFD0];
	[tilespmem:v13+s23+$0x0] =	vst.idx.msk $0xffff, v11  }
.Ltmp2:
0x99: {  	v6 =	vmovc v8;
	v8 =	vmov v10;
	v17 =	vadd.s32 v0, v25;
	v13 =	vmul.f32 $8.000000000e+00, v18;
	v11 =	vld [tilespmem:s12+$0xFFFFFFE0];
	[tilespmem:v14+s23+$0x0] =	vst.idx.msk $0xffff, v12;
	(pc) =	sbr.rel @p1 .LBB2_7-.Ltmp2, $4  }
0x9a: {  	s19 =	sadd.s32 $0x1, s17;
	s16 =	sadd.s32 $0x80, s16;
	[tilespmem:v20+s23+$0x0] =	vst.idx.msk $0xffff, v16;
	v16 =	vadd.s32 v1, v9;
	v14 =	vmul.f32 $8.000000000e+00, v15;
	v12 =	vld [tilespmem:s1+$0xFFFFFFF0];
	s1 =	smov.u32 s12  }
0x9b: {  	v10 =	vmov s19;
	s12 =	smov.u32 s14;
	s14 =	smov.u32 s15;
	s15 =	smov.u32 s16;
	v19 =	vld [tilespmem:s16+$0x0];
	[tilespmem:v22+s23+$0x0] =	vst.idx.msk $0xffff, v13;
	v13 =	vadd.s32 v2, v7;
	v23 =	vmul.f32 $8.000000000e+00, v23  }
0x9c: {  	v10 =	vand.u32 $0x7F, v10;
	v22 =	vmul.f32 $8.000000000e+00, v24;
	v18 =	vld [tilespmem:s14+$0x10];
	[tilespmem:v21+s23+$0x0] =	vst.idx.msk $0xffff, v14;
	v14 =	vadd.s32 v3, v5;
	v5 =	vmovc v7  }
0x9d: {  	s17 =	sadd.s32 $0x2, s17;
	v20 =	vadd.s32 v0, v10;
	v7 =	vmovc v9;
	v9 =	vmov v25;
	v21 =	vmul.f32 $8.000000000e+00, v26;
	v15 =	vld [tilespmem:s12+$0x20];
	[tilespmem:v27+s23+$0x0] =	vst.idx.msk $0xffff, v23  }
0x9e: {  	v23 =	vmov s18;
	v24 =	vld [tilespmem:s16+$0xFFFFFFC0]  }
0x9f: {  	v23 =	vand.u32 $0x7E, v23  }
0xa0: {  	v25 =	vadd.s32 v0, v23;
	_ =	sdelay $0x1  }
0xa1: {  	v19 =	vmul.f32 $8.000000000e+00, v19  }
0xa2: {  	[tilespmem:v17+s23+$0x0] =	vst.idx.msk $0xffff, v22;
	v62 =	vmul.f32 $8.000000000e+00, v24  }
0xa3: {  	v22 =	vld [tilespmem:s14+$0xFFFFFFD0];
	[tilespmem:v20+s23+$0x0] =	vst.idx.msk $0xffff, v19  }
0xa4: {  	v63 =	vadd.s32 v1, v8;
	v20 =	vld [tilespmem:s15+$0x10];
	[tilespmem:v25+s23+$0x0] =	vst.idx.msk $0xffff, v62  }
0xa5: {  	v28 =	vadd.s32 v1, v9;
	v29 =	vld [tilespmem:s15+$0xFFFFFFD0]  }
0xa6: {  	v30 =	vadd.s32 v1, v10  }
0xa7: {  	v26 =	vadd.s32 v1, v23;
	v18 =	vmul.f32 $8.000000000e+00, v18  }
0xa8: {  	[tilespmem:v16+s23+$0x0] =	vst.idx.msk $0xffff, v21;
	v31 =	vmul.f32 $8.000000000e+00, v22  }
0xa9: {  	v32 =	vld [tilespmem:s12+$0xFFFFFFE0];
	[tilespmem:v63+s23+$0x0] =	vst.idx.msk $0xffff, v18;
	v33 =	vmul.f32 $8.000000000e+00, v20  }
0xaa: {  	v34 =	vadd.s32 v2, v6;
	v35 =	vld [tilespmem:s14+$0x20];
	[tilespmem:v28+s23+$0x0] =	vst.idx.msk $0xffff, v31;
	v36 =	vmul.f32 $8.000000000e+00, v29  }
0xab: {  	v11 =	vmul.f32 $8.000000000e+00, v11;
	v37 =	vadd.s32 v2, v7;
	v38 =	vld [tilespmem:s14+$0xFFFFFFE0];
	[tilespmem:v30+s23+$0x0] =	vst.idx.msk $0xffff, v33  }
0xac: {  	v39 =	vadd.s32 v2, v8;
	v12 =	vmul.f32 $8.000000000e+00, v12;
	v40 =	vld [tilespmem:s15+$0x20];
	[tilespmem:v26+s23+$0x0] =	vst.idx.msk $0xffff, v36  }
0xad: {  	v42 =	vadd.s32 v2, v9;
	[tilespmem:v13+s23+$0x0] =	vst.idx.msk $0xffff, v11;
	v41 =	vmul.f32 $8.000000000e+00, v15;
	v43 =	vld [tilespmem:s15+$0xFFFFFFE0]  }
0xae: {  	v44 =	vld [tilespmem:s1+$0x30];
	v46 =	vadd.s32 v2, v10;
	[tilespmem:v14+s23+$0x0] =	vst.idx.msk $0xffff, v12;
	v45 =	vmul.f32 $8.000000000e+00, v32  }
0xaf: {  	v49 =	vadd.s32 v2, v23;
	v47 =	vld [tilespmem:s1+$0xFFFFFFF0];
	[tilespmem:v34+s23+$0x0] =	vst.idx.msk $0xffff, v41;
	v48 =	vmul.f32 $8.000000000e+00, v35  }
0xb0: {  	v4 =	vadd.s32 v3, v4;
	[tilespmem:v37+s23+$0x0] =	vst.idx.msk $0xffff, v45;
	v20 =	vld [tilespmem:s12+$0x30];
	v50 =	vmul.f32 $8.000000000e+00, v38  }
0xb1: {  	v5 =	vadd.s32 v3, v5;
	v51 =	vld [tilespmem:s12+$0xFFFFFFF0];
	[tilespmem:v39+s23+$0x0] =	vst.idx.msk $0xffff, v48;
	v52 =	vmul.f32 $8.000000000e+00, v40  }
0xb2: {  	v53 =	vadd.s32 v3, v6;
	v54 =	vld [tilespmem:s14+$0x30];
	[tilespmem:v42+s23+$0x0] =	vst.idx.msk $0xffff, v50;
	v55 =	vmul.f32 $8.000000000e+00, v43  }
0xb3: {  	v57 =	vadd.s32 v3, v7;
	v56 =	vmul.f32 $8.000000000e+00, v44;
	v58 =	vld [tilespmem:s14+$0xFFFFFFF0];
	[tilespmem:v46+s23+$0x0] =	vst.idx.msk $0xffff, v52  }
0xb4: {  	v60 =	vadd.s32 v3, v8;
	v59 =	vmul.f32 $8.000000000e+00, v47;
	v14 =	vld [tilespmem:s15+$0x30];
	[tilespmem:v49+s23+$0x0] =	vst.idx.msk $0xffff, v55  }
0xb5: {  	v61 =	vadd.s32 v3, v9;
	[tilespmem:v4+s23+$0x0] =	vst.idx.msk $0xffff, v56;
	v4 =	vmul.f32 $8.000000000e+00, v20;
	v12 =	vld [tilespmem:s15+$0xFFFFFFF0]  }
0xb6: {  	v62 =	vadd.s32 v3, v10;
	[tilespmem:v5+s23+$0x0] =	vst.idx.msk $0xffff, v59;
	v5 =	vmul.f32 $8.000000000e+00, v51  }
0xb7: {  	v63 =	vadd.s32 v3, v23;
	[tilespmem:v53+s23+$0x0] =	vst.idx.msk $0xffff, v4;
	v4 =	vmul.f32 $8.000000000e+00, v54  }
0xb8: {  	[tilespmem:v57+s23+$0x0] =	vst.idx.msk $0xffff, v5;
	v5 =	vmul.f32 $8.000000000e+00, v58  }
0xb9: {  	[tilespmem:v60+s23+$0x0] =	vst.idx.msk $0xffff, v4;
	v4 =	vmul.f32 $8.000000000e+00, v14  }
0xba: {  	[tilespmem:v61+s23+$0x0] =	vst.idx.msk $0xffff, v5;
	v5 =	vmul.f32 $8.000000000e+00, v12  }
0xbb: {  	[tilespmem:v62+s23+$0x0] =	vst.idx.msk $0xffff, v4  }
0xbc: {  	s1 =	sadd.s32 @!p0 $0x280, s31;
	s12 =	simm.s32 @!p0 $0x80;
	s14 =	simm.s32 @!p0 $0x8400;
	[tilespmem:v63+s23+$0x0] =	vst.idx.msk $0xffff, v5  }
0xbd: {  	[tilespmem:s14], [sflag:$0x2] =	stream.indirect.gather @!p0 [hbm4b:s3+s12], $0x40, s1, s12, $0xb8;
	[tilespmem:$0x12800] =	vst v63  }
0xbe: {  	s15 =	simm.s32 $0x10688;
	s1 =	sadd.s32 s0, s7  }
0xbf: {  	s12 =	simm.s32 $0x10600;
	s14 =	simm.s32 $0x200;
	s16 =	sadd.s32 $0x0, s1  }
.LBB2_9:
0xc0: {  	[hbm4b:s16+s2] =	stream.linear.scatter [tilespmem:s12], [sflag:$0x6], $0x80, $0x38;
	[tilespmem:$0x12800] =	vst v63  }
0xc1: {  	s16 =	smov.u32 s14;
	s12 =	smov.u32 s15;
	p1 =	sne.s32 s14, $0x7E00  }
.Ltmp3:
0xc2: {  	s14 =	sadd.s32 $0x200, s14;
	(pc) =	sbr.rel @p1 .LBB2_9-.Ltmp3, $2  }
0xc3: {  	_ =	sdelay $0x2  }
0xc4: {  	s15 =	sadd.s32 $0x88, s15;
	s16 =	sadd.s32 s16, s1  }
0xc5: {  	[hbm4b:s16+s2] =	stream.linear.scatter [tilespmem:s12], [sflag:$0x6], $0x80, $0x38;
	[tilespmem:$0x12800] =	vst v63  }
0xc6: {  	_ =	swait.ge [sflag:s24], $0x2000  }
0xc7: {  	[sflag:s24] =	ssyncset.done $0x0  }
0xc8: {  	[sflag:s24] =	ssyncadd.s32 $0xFFFFE000  }
0xc9: {  	_ =	swait.ge [sflag:s25], $0x2000  }
0xca: {  	[sflag:s25] =	ssyncset.done $0x0  }
0xcb: {  	s15 =	simm.s32 $0xA440;
	s1 =	simm.s32 $0x1;
	[sflag:s25] =	ssyncadd.s32 $0xFFFFE000  }
0xcc: {  	v4 =	vmov s1;
	v5 =	vld [tilespmem:s15+$0x0]  }
0xcd: {  	v9 =	vand.u32 $0x7F, v4  }
0xce: {  	v4 =	vadd.s32 v0, v9  }
0xcf: {  	s12 =	simm.s32 $0x0  }
0xd0: {  	v6 =	vmov s12;
	v7 =	vld [tilespmem:s15+$0xFFFFFFC0]  }
0xd1: {  	v14 =	vand.u32 $0x7E, v6;
	v5 =	vmul.f32 $8.000000000e+00, v5  }
0xd2: {  	s14 =	simm.s32 $0x3;
	s1 =	simm.s32 $0xA4C0;
	v6 =	vadd.s32 v0, v14  }
0xd3: {  	v8 =	vld [tilespmem:s1+$0x0];
	[tilespmem:v4+s21+$0x0] =	vst.idx.msk $0xffff, v5;
	v4 =	vmov s14  }
0xd4: {  	v4 =	vand.u32 $0x7F, v4;
	v10 =	vld [tilespmem:s15+$0x10]  }
0xd5: {  	v5 =	vmul.f32 $8.000000000e+00, v7;
	v7 =	vadd.s32 v0, v4  }
0xd6: {  	s16 =	simm.s32 $0x2;
	v11 =	vadd.s32 v1, v9  }
0xd7: {  	v12 =	vld [tilespmem:s1+$0xFFFFFFC0];
	[tilespmem:v6+s21+$0x0] =	vst.idx.msk $0xffff, v5;
	v5 =	vmov s16  }
0xd8: {  	v6 =	vmul.f32 $8.000000000e+00, v8;
	v5 =	vand.u32 $0x7E, v5;
	v8 =	vld [tilespmem:s15+$0xFFFFFFD0]  }
0xd9: {  	s12 =	simm.s32 $0xA540;
	s14 =	simm.s32 $0x5;
	v13 =	vadd.s32 v0, v5;
	v10 =	vmul.f32 $8.000000000e+00, v10  }
0xda: {  	v15 =	vld [tilespmem:s12+$0x0];
	[tilespmem:v7+s21+$0x0] =	vst.idx.msk $0xffff, v6;
	v7 =	vadd.s32 v1, v14;
	v6 =	vmov s14  }
0xdb: {  	[tilespmem:v11+s21+$0x0] =	vst.idx.msk $0xffff, v10;
	v6 =	vand.u32 $0x7F, v6;
	v10 =	vld [tilespmem:s1+$0x10]  }
0xdc: {  	v11 =	vmul.f32 $8.000000000e+00, v12;
	v12 =	vadd.s32 v0, v6;
	v16 =	vld [tilespmem:s15+$0x20]  }
0xdd: {  	s17 =	simm.s32 $0x4;
	v17 =	vadd.s32 v1, v4;
	v8 =	vmul.f32 $8.000000000e+00, v8  }
0xde: {  	v18 =	vadd.s32 v2, v9;
	[tilespmem:v13+s21+$0x0] =	vst.idx.msk $0xffff, v11;
	v11 =	vmov s17;
	v13 =	vld [tilespmem:s12+$0xFFFFFFC0]  }
0xdf: {  	[tilespmem:v7+s21+$0x0] =	vst.idx.msk $0xffff, v8;
	v7 =	vand.u32 $0x7E, v11;
	v8 =	vmul.f32 $8.000000000e+00, v15;
	v11 =	vld [tilespmem:s1+$0xFFFFFFD0]  }
0xe0: {  	s18 =	simm.s32 $0x7;
	s14 =	simm.s32 $0xA5C0;
	v15 =	vadd.s32 v0, v7;
	v10 =	vmul.f32 $8.000000000e+00, v10;
	v19 =	vld [tilespmem:s15+$0xFFFFFFE0]  }
0xe1: {  	v20 =	vld [tilespmem:s14+$0x0];
	[tilespmem:v12+s21+$0x0] =	vst.idx.msk $0xffff, v8;
	v12 =	vadd.s32 v1, v5;
	v16 =	vmul.f32 $8.000000000e+00, v16;
	v8 =	vmov s18  }
0xe2: {  	[tilespmem:v17+s21+$0x0] =	vst.idx.msk $0xffff, v10;
	v10 =	vadd.s32 v2, v14;
	v8 =	vand.u32 $0x7F, v8;
	v17 =	vld [tilespmem:s12+$0x10]  }
0xe3: {  	v13 =	vmul.f32 $8.000000000e+00, v13;
	[tilespmem:v18+s21+$0x0] =	vst.idx.msk $0xffff, v16;
	v16 =	vadd.s32 v0, v8;
	v18 =	vld [tilespmem:s1+$0x20]  }
0xe4: {  	s19 =	simm.s32 $0x6;
	v21 =	vadd.s32 v1, v6;
	v11 =	vmul.f32 $8.000000000e+00, v11;
	v22 =	vld [tilespmem:s15+$0x30]  }
0xe5: {  	v23 =	vadd.s32 v2, v4;
	[tilespmem:v15+s21+$0x0] =	vst.idx.msk $0xffff, v13;
	v13 =	vmul.f32 $8.000000000e+00, v19;
	v15 =	vld [tilespmem:s14+$0xFFFFFFC0];
	v19 =	vmov s19  }
0xe6: {  	v25 =	vadd.s32 v3, v9;
	[tilespmem:v12+s21+$0x0] =	vst.idx.msk $0xffff, v11;
	v12 =	vmul.f32 $8.000000000e+00, v20;
	v24 =	vld [tilespmem:s12+$0xFFFFFFD0];
	v9 =	vand.u32 $0x7E, v19  }
0xe7: {  	[tilespmem:v10+s21+$0x0] =	vst.idx.msk $0xffff, v13;
	v10 =	vmul.f32 $8.000000000e+00, v17;
	v11 =	vld [tilespmem:s1+$0xFFFFFFE0];
	v17 =	vadd.s32 v0, v9  }
0xe8: {  	s16 =	simm.s32 $0xA640;
	s17 =	simm.s32 $0x9;
	[tilespmem:v16+s21+$0x0] =	vst.idx.msk $0xffff, v12;
	v20 =	vmul.f32 $8.000000000e+00, v18;
	v12 =	vld [tilespmem:s15+$0xFFFFFFF0];
	v16 =	vadd.s32 v1, v7  }
0xe9: {  	v19 =	vld [tilespmem:s16+$0x0];
	v13 =	vadd.s32 v2, v5;
	v18 =	vmov s17;
	[tilespmem:v21+s21+$0x0] =	vst.idx.msk $0xffff, v10;
	v26 =	vmul.f32 $8.000000000e+00, v22  }
0xea: {  	v14 =	vadd.s32 v3, v14;
	v10 =	vand.u32 $0x7F, v18;
	v18 =	vld [tilespmem:s14+$0x10];
	v22 =	vmul.f32 $8.000000000e+00, v15;
	[tilespmem:v23+s21+$0x0] =	vst.idx.msk $0xffff, v20  }
0xeb: {  	s18 =	simm.s32 $0x8;
	s17 =	simm.s32 $0xA;
	s15 =	simm.s32 $0xA640;
	v20 =	vadd.s32 v0, v10;
	v15 =	vld [tilespmem:s12+$0x20];
	v21 =	vmul.f32 $8.000000000e+00, v24;
	[tilespmem:v25+s21+$0x0] =	vst.idx.msk $0xffff, v26  }
.LBB2_11:
0xec: {  	p1 =	slt.u32 s17, $0x7E;
	[tilespmem:v17+s21+$0x0] =	vst.idx.msk $0xffff, v22;
	v22 =	vadd.s32 v1, v8;
	v11 =	vmul.f32 $8.000000000e+00, v11;
	v23 =	vld [tilespmem:s1+$0x30]  }
0xed: {  	v17 =	vmov s18;
	s18 =	smov.u32 s17;
	v24 =	vld [tilespmem:s16+$0xFFFFFFC0];
	[tilespmem:v16+s21+$0x0] =	vst.idx.msk $0xffff, v21;
	v21 =	vadd.s32 v2, v6;
	v12 =	vmul.f32 $8.000000000e+00, v12  }
0xee: {  	v27 =	vadd.s32 v3, v4;
	v4 =	vmovc v6;
	v25 =	vand.u32 $0x7E, v17;
	v16 =	vmul.f32 $8.000000000e+00, v19;
	v26 =	vld [tilespmem:s14+$0xFFFFFFD0];
	[tilespmem:v13+s21+$0x0] =	vst.idx.msk $0xffff, v11  }
.Ltmp4:
0xef: {  	v6 =	vmovc v8;
	v8 =	vmov v10;
	v17 =	vadd.s32 v0, v25;
	v13 =	vmul.f32 $8.000000000e+00, v18;
	v11 =	vld [tilespmem:s12+$0xFFFFFFE0];
	[tilespmem:v14+s21+$0x0] =	vst.idx.msk $0xffff, v12;
	(pc) =	sbr.rel @p1 .LBB2_11-.Ltmp4, $4  }
0xf0: {  	s19 =	sadd.s32 $0x1, s17;
	s16 =	sadd.s32 $0x80, s16;
	[tilespmem:v20+s21+$0x0] =	vst.idx.msk $0xffff, v16;
	v16 =	vadd.s32 v1, v9;
	v14 =	vmul.f32 $8.000000000e+00, v15;
	v12 =	vld [tilespmem:s1+$0xFFFFFFF0];
	s1 =	smov.u32 s12  }
0xf1: {  	v10 =	vmov s19;
	s12 =	smov.u32 s14;
	s14 =	smov.u32 s15;
	s15 =	smov.u32 s16;
	v19 =	vld [tilespmem:s16+$0x0];
	[tilespmem:v22+s21+$0x0] =	vst.idx.msk $0xffff, v13;
	v13 =	vadd.s32 v2, v7;
	v23 =	vmul.f32 $8.000000000e+00, v23  }
0xf2: {  	v10 =	vand.u32 $0x7F, v10;
	v22 =	vmul.f32 $8.000000000e+00, v24;
	v18 =	vld [tilespmem:s14+$0x10];
	[tilespmem:v21+s21+$0x0] =	vst.idx.msk $0xffff, v14;
	v14 =	vadd.s32 v3, v5;
	v5 =	vmovc v7  }
0xf3: {  	s17 =	sadd.s32 $0x2, s17;
	v20 =	vadd.s32 v0, v10;
	v7 =	vmovc v9;
	v9 =	vmov v25;
	v21 =	vmul.f32 $8.000000000e+00, v26;
	v15 =	vld [tilespmem:s12+$0x20];
	[tilespmem:v27+s21+$0x0] =	vst.idx.msk $0xffff, v23  }
0xf4: {  	v23 =	vmov s18;
	v24 =	vld [tilespmem:s16+$0xFFFFFFC0]  }
0xf5: {  	v23 =	vand.u32 $0x7E, v23  }
0xf6: {  	v25 =	vadd.s32 v0, v23;
	_ =	sdelay $0x1  }
0xf7: {  	v19 =	vmul.f32 $8.000000000e+00, v19  }
0xf8: {  	[tilespmem:v17+s21+$0x0] =	vst.idx.msk $0xffff, v22;
	v62 =	vmul.f32 $8.000000000e+00, v24  }
0xf9: {  	v22 =	vld [tilespmem:s14+$0xFFFFFFD0];
	[tilespmem:v20+s21+$0x0] =	vst.idx.msk $0xffff, v19  }
0xfa: {  	v63 =	vadd.s32 v1, v8;
	v20 =	vld [tilespmem:s15+$0x10];
	[tilespmem:v25+s21+$0x0] =	vst.idx.msk $0xffff, v62  }
0xfb: {  	v28 =	vadd.s32 v1, v9;
	v29 =	vld [tilespmem:s15+$0xFFFFFFD0]  }
0xfc: {  	v30 =	vadd.s32 v1, v10  }
0xfd: {  	v26 =	vadd.s32 v1, v23;
	v18 =	vmul.f32 $8.000000000e+00, v18  }
0xfe: {  	[tilespmem:v16+s21+$0x0] =	vst.idx.msk $0xffff, v21;
	v31 =	vmul.f32 $8.000000000e+00, v22  }
0xff: {  	v32 =	vld [tilespmem:s12+$0xFFFFFFE0];
	[tilespmem:v63+s21+$0x0] =	vst.idx.msk $0xffff, v18;
	v33 =	vmul.f32 $8.000000000e+00, v20  }
0x100: {  	v34 =	vadd.s32 v2, v6;
	v35 =	vld [tilespmem:s14+$0x20];
	[tilespmem:v28+s21+$0x0] =	vst.idx.msk $0xffff, v31;
	v36 =	vmul.f32 $8.000000000e+00, v29  }
0x101: {  	v11 =	vmul.f32 $8.000000000e+00, v11;
	v37 =	vadd.s32 v2, v7;
	v38 =	vld [tilespmem:s14+$0xFFFFFFE0];
	[tilespmem:v30+s21+$0x0] =	vst.idx.msk $0xffff, v33  }
0x102: {  	v39 =	vadd.s32 v2, v8;
	v12 =	vmul.f32 $8.000000000e+00, v12;
	v40 =	vld [tilespmem:s15+$0x20];
	[tilespmem:v26+s21+$0x0] =	vst.idx.msk $0xffff, v36  }
0x103: {  	v42 =	vadd.s32 v2, v9;
	[tilespmem:v13+s21+$0x0] =	vst.idx.msk $0xffff, v11;
	v41 =	vmul.f32 $8.000000000e+00, v15;
	v43 =	vld [tilespmem:s15+$0xFFFFFFE0]  }
0x104: {  	v44 =	vld [tilespmem:s1+$0x30];
	v46 =	vadd.s32 v2, v10;
	[tilespmem:v14+s21+$0x0] =	vst.idx.msk $0xffff, v12;
	v45 =	vmul.f32 $8.000000000e+00, v32  }
0x105: {  	v49 =	vadd.s32 v2, v23;
	v47 =	vld [tilespmem:s1+$0xFFFFFFF0];
	[tilespmem:v34+s21+$0x0] =	vst.idx.msk $0xffff, v41;
	v48 =	vmul.f32 $8.000000000e+00, v35  }
0x106: {  	v4 =	vadd.s32 v3, v4;
	[tilespmem:v37+s21+$0x0] =	vst.idx.msk $0xffff, v45;
	v20 =	vld [tilespmem:s12+$0x30];
	v50 =	vmul.f32 $8.000000000e+00, v38  }
0x107: {  	v5 =	vadd.s32 v3, v5;
	v51 =	vld [tilespmem:s12+$0xFFFFFFF0];
	[tilespmem:v39+s21+$0x0] =	vst.idx.msk $0xffff, v48;
	v52 =	vmul.f32 $8.000000000e+00, v40  }
0x108: {  	v53 =	vadd.s32 v3, v6;
	v54 =	vld [tilespmem:s14+$0x30];
	[tilespmem:v42+s21+$0x0] =	vst.idx.msk $0xffff, v50;
	v55 =	vmul.f32 $8.000000000e+00, v43  }
0x109: {  	v57 =	vadd.s32 v3, v7;
	v56 =	vmul.f32 $8.000000000e+00, v44;
	v58 =	vld [tilespmem:s14+$0xFFFFFFF0];
	[tilespmem:v46+s21+$0x0] =	vst.idx.msk $0xffff, v52  }
0x10a: {  	v60 =	vadd.s32 v3, v8;
	v59 =	vmul.f32 $8.000000000e+00, v47;
	v14 =	vld [tilespmem:s15+$0x30];
	[tilespmem:v49+s21+$0x0] =	vst.idx.msk $0xffff, v55  }
0x10b: {  	v61 =	vadd.s32 v3, v9;
	[tilespmem:v4+s21+$0x0] =	vst.idx.msk $0xffff, v56;
	v4 =	vmul.f32 $8.000000000e+00, v20;
	v12 =	vld [tilespmem:s15+$0xFFFFFFF0]  }
0x10c: {  	v62 =	vadd.s32 v3, v10;
	[tilespmem:v5+s21+$0x0] =	vst.idx.msk $0xffff, v59;
	v5 =	vmul.f32 $8.000000000e+00, v51  }
0x10d: {  	v63 =	vadd.s32 v3, v23;
	[tilespmem:v53+s21+$0x0] =	vst.idx.msk $0xffff, v4;
	v4 =	vmul.f32 $8.000000000e+00, v54  }
0x10e: {  	[tilespmem:v57+s21+$0x0] =	vst.idx.msk $0xffff, v5;
	v5 =	vmul.f32 $8.000000000e+00, v58  }
0x10f: {  	[tilespmem:v60+s21+$0x0] =	vst.idx.msk $0xffff, v4;
	v4 =	vmul.f32 $8.000000000e+00, v14  }
0x110: {  	[tilespmem:v61+s21+$0x0] =	vst.idx.msk $0xffff, v5;
	v5 =	vmul.f32 $8.000000000e+00, v12  }
0x111: {  	[tilespmem:v62+s21+$0x0] =	vst.idx.msk $0xffff, v4  }
0x112: {  	s1 =	sadd.s32 @!p0 $0x300, s31;
	s12 =	simm.s32 @!p0 $0x80;
	s14 =	simm.s32 @!p0 $0xA400;
	[tilespmem:v63+s21+$0x0] =	vst.idx.msk $0xffff, v5  }
0x113: {  	[tilespmem:s14], [sflag:$0x3] =	stream.indirect.gather @!p0 [hbm4b:s3+s12], $0x40, s1, s12, $0xb8;
	[tilespmem:$0x12800] =	vst v63  }
0x114: {  	s15 =	simm.s32 $0xE488;
	s1 =	sadd.s32 s0, s8  }
0x115: {  	s12 =	simm.s32 $0xE400;
	s14 =	simm.s32 $0x200;
	s16 =	sadd.s32 $0x0, s1  }
.LBB2_13:
0x116: {  	[hbm4b:s16+s2] =	stream.linear.scatter [tilespmem:s12], [sflag:$0x5], $0x80, $0x38;
	[tilespmem:$0x12800] =	vst v63  }
0x117: {  	s16 =	smov.u32 s14;
	s12 =	smov.u32 s15;
	p1 =	sne.s32 s14, $0x7E00  }
.Ltmp5:
0x118: {  	s14 =	sadd.s32 $0x200, s14;
	(pc) =	sbr.rel @p1 .LBB2_13-.Ltmp5, $2  }
0x119: {  	_ =	sdelay $0x2  }
0x11a: {  	s15 =	sadd.s32 $0x88, s15;
	s16 =	sadd.s32 s16, s1  }
0x11b: {  	[hbm4b:s16+s2] =	stream.linear.scatter [tilespmem:s12], [sflag:$0x5], $0x80, $0x38;
	[tilespmem:$0x12800] =	vst v63  }
0x11c: {  	_ =	swait.ge [sflag:s26], $0x2000  }
0x11d: {  	[sflag:s26] =	ssyncset.done $0x0  }
0x11e: {  	[sflag:s26] =	ssyncadd.s32 $0xFFFFE000  }
0x11f: {  	_ =	swait.ge [sflag:s28], $0x2000  }
0x120: {  	[sflag:s28] =	ssyncset.done $0x0  }
0x121: {  	s15 =	simm.s32 $0xC440;
	s1 =	simm.s32 $0x1;
	[sflag:s28] =	ssyncadd.s32 $0xFFFFE000  }
0x122: {  	v4 =	vmov s1;
	v5 =	vld [tilespmem:s15+$0x0]  }
0x123: {  	v9 =	vand.u32 $0x7F, v4  }
0x124: {  	v4 =	vadd.s32 v0, v9  }
0x125: {  	s12 =	simm.s32 $0x0  }
0x126: {  	v6 =	vmov s12;
	v7 =	vld [tilespmem:s15+$0xFFFFFFC0]  }
0x127: {  	v14 =	vand.u32 $0x7E, v6;
	v5 =	vmul.f32 $8.000000000e+00, v5  }
0x128: {  	s14 =	simm.s32 $0x3;
	s1 =	simm.s32 $0xC4C0;
	v6 =	vadd.s32 v0, v14  }
0x129: {  	v8 =	vld [tilespmem:s1+$0x0];
	[tilespmem:v4+s23+$0x0] =	vst.idx.msk $0xffff, v5;
	v4 =	vmov s14  }
0x12a: {  	v4 =	vand.u32 $0x7F, v4;
	v10 =	vld [tilespmem:s15+$0x10]  }
0x12b: {  	v5 =	vmul.f32 $8.000000000e+00, v7;
	v7 =	vadd.s32 v0, v4  }
0x12c: {  	s16 =	simm.s32 $0x2;
	v11 =	vadd.s32 v1, v9  }
0x12d: {  	v12 =	vld [tilespmem:s1+$0xFFFFFFC0];
	[tilespmem:v6+s23+$0x0] =	vst.idx.msk $0xffff, v5;
	v5 =	vmov s16  }
0x12e: {  	v6 =	vmul.f32 $8.000000000e+00, v8;
	v5 =	vand.u32 $0x7E, v5;
	v8 =	vld [tilespmem:s15+$0xFFFFFFD0]  }
0x12f: {  	s12 =	simm.s32 $0xC540;
	s14 =	simm.s32 $0x5;
	v13 =	vadd.s32 v0, v5;
	v10 =	vmul.f32 $8.000000000e+00, v10  }
0x130: {  	v15 =	vld [tilespmem:s12+$0x0];
	[tilespmem:v7+s23+$0x0] =	vst.idx.msk $0xffff, v6;
	v7 =	vadd.s32 v1, v14;
	v6 =	vmov s14  }
0x131: {  	[tilespmem:v11+s23+$0x0] =	vst.idx.msk $0xffff, v10;
	v6 =	vand.u32 $0x7F, v6;
	v10 =	vld [tilespmem:s1+$0x10]  }
0x132: {  	v11 =	vmul.f32 $8.000000000e+00, v12;
	v12 =	vadd.s32 v0, v6;
	v16 =	vld [tilespmem:s15+$0x20]  }
0x133: {  	s17 =	simm.s32 $0x4;
	v17 =	vadd.s32 v1, v4;
	v8 =	vmul.f32 $8.000000000e+00, v8  }
0x134: {  	v18 =	vadd.s32 v2, v9;
	[tilespmem:v13+s23+$0x0] =	vst.idx.msk $0xffff, v11;
	v11 =	vmov s17;
	v13 =	vld [tilespmem:s12+$0xFFFFFFC0]  }
0x135: {  	[tilespmem:v7+s23+$0x0] =	vst.idx.msk $0xffff, v8;
	v7 =	vand.u32 $0x7E, v11;
	v8 =	vmul.f32 $8.000000000e+00, v15;
	v11 =	vld [tilespmem:s1+$0xFFFFFFD0]  }
0x136: {  	s18 =	simm.s32 $0x7;
	s14 =	simm.s32 $0xC5C0;
	v15 =	vadd.s32 v0, v7;
	v10 =	vmul.f32 $8.000000000e+00, v10;
	v19 =	vld [tilespmem:s15+$0xFFFFFFE0]  }
0x137: {  	v20 =	vld [tilespmem:s14+$0x0];
	[tilespmem:v12+s23+$0x0] =	vst.idx.msk $0xffff, v8;
	v12 =	vadd.s32 v1, v5;
	v16 =	vmul.f32 $8.000000000e+00, v16;
	v8 =	vmov s18  }
0x138: {  	[tilespmem:v17+s23+$0x0] =	vst.idx.msk $0xffff, v10;
	v10 =	vadd.s32 v2, v14;
	v8 =	vand.u32 $0x7F, v8;
	v17 =	vld [tilespmem:s12+$0x10]  }
0x139: {  	v13 =	vmul.f32 $8.000000000e+00, v13;
	[tilespmem:v18+s23+$0x0] =	vst.idx.msk $0xffff, v16;
	v16 =	vadd.s32 v0, v8;
	v18 =	vld [tilespmem:s1+$0x20]  }
0x13a: {  	s19 =	simm.s32 $0x6;
	v21 =	vadd.s32 v1, v6;
	v11 =	vmul.f32 $8.000000000e+00, v11;
	v22 =	vld [tilespmem:s15+$0x30]  }
0x13b: {  	v23 =	vadd.s32 v2, v4;
	[tilespmem:v15+s23+$0x0] =	vst.idx.msk $0xffff, v13;
	v13 =	vmul.f32 $8.000000000e+00, v19;
	v15 =	vld [tilespmem:s14+$0xFFFFFFC0];
	v19 =	vmov s19  }
0x13c: {  	v25 =	vadd.s32 v3, v9;
	[tilespmem:v12+s23+$0x0] =	vst.idx.msk $0xffff, v11;
	v12 =	vmul.f32 $8.000000000e+00, v20;
	v24 =	vld [tilespmem:s12+$0xFFFFFFD0];
	v9 =	vand.u32 $0x7E, v19  }
0x13d: {  	[tilespmem:v10+s23+$0x0] =	vst.idx.msk $0xffff, v13;
	v10 =	vmul.f32 $8.000000000e+00, v17;
	v11 =	vld [tilespmem:s1+$0xFFFFFFE0];
	v17 =	vadd.s32 v0, v9  }
0x13e: {  	s16 =	simm.s32 $0xC640;
	s17 =	simm.s32 $0x9;
	[tilespmem:v16+s23+$0x0] =	vst.idx.msk $0xffff, v12;
	v20 =	vmul.f32 $8.000000000e+00, v18;
	v12 =	vld [tilespmem:s15+$0xFFFFFFF0];
	v16 =	vadd.s32 v1, v7  }
0x13f: {  	v19 =	vld [tilespmem:s16+$0x0];
	v13 =	vadd.s32 v2, v5;
	v18 =	vmov s17;
	[tilespmem:v21+s23+$0x0] =	vst.idx.msk $0xffff, v10;
	v26 =	vmul.f32 $8.000000000e+00, v22  }
0x140: {  	v14 =	vadd.s32 v3, v14;
	v10 =	vand.u32 $0x7F, v18;
	v18 =	vld [tilespmem:s14+$0x10];
	v22 =	vmul.f32 $8.000000000e+00, v15;
	[tilespmem:v23+s23+$0x0] =	vst.idx.msk $0xffff, v20  }
0x141: {  	s18 =	simm.s32 $0x8;
	s17 =	simm.s32 $0xA;
	s15 =	simm.s32 $0xC640;
	v20 =	vadd.s32 v0, v10;
	v15 =	vld [tilespmem:s12+$0x20];
	v21 =	vmul.f32 $8.000000000e+00, v24;
	[tilespmem:v25+s23+$0x0] =	vst.idx.msk $0xffff, v26  }
.LBB2_15:
0x142: {  	p1 =	slt.u32 s17, $0x7E;
	[tilespmem:v17+s23+$0x0] =	vst.idx.msk $0xffff, v22;
	v22 =	vadd.s32 v1, v8;
	v11 =	vmul.f32 $8.000000000e+00, v11;
	v23 =	vld [tilespmem:s1+$0x30]  }
0x143: {  	v17 =	vmov s18;
	s18 =	smov.u32 s17;
	v24 =	vld [tilespmem:s16+$0xFFFFFFC0];
	[tilespmem:v16+s23+$0x0] =	vst.idx.msk $0xffff, v21;
	v21 =	vadd.s32 v2, v6;
	v12 =	vmul.f32 $8.000000000e+00, v12  }
0x144: {  	v27 =	vadd.s32 v3, v4;
	v4 =	vmovc v6;
	v25 =	vand.u32 $0x7E, v17;
	v16 =	vmul.f32 $8.000000000e+00, v19;
	v26 =	vld [tilespmem:s14+$0xFFFFFFD0];
	[tilespmem:v13+s23+$0x0] =	vst.idx.msk $0xffff, v11  }
.Ltmp6:
0x145: {  	v6 =	vmovc v8;
	v8 =	vmov v10;
	v17 =	vadd.s32 v0, v25;
	v13 =	vmul.f32 $8.000000000e+00, v18;
	v11 =	vld [tilespmem:s12+$0xFFFFFFE0];
	[tilespmem:v14+s23+$0x0] =	vst.idx.msk $0xffff, v12;
	(pc) =	sbr.rel @p1 .LBB2_15-.Ltmp6, $4  }
0x146: {  	s19 =	sadd.s32 $0x1, s17;
	s16 =	sadd.s32 $0x80, s16;
	[tilespmem:v20+s23+$0x0] =	vst.idx.msk $0xffff, v16;
	v16 =	vadd.s32 v1, v9;
	v14 =	vmul.f32 $8.000000000e+00, v15;
	v12 =	vld [tilespmem:s1+$0xFFFFFFF0];
	s1 =	smov.u32 s12  }
0x147: {  	v10 =	vmov s19;
	s12 =	smov.u32 s14;
	s14 =	smov.u32 s15;
	s15 =	smov.u32 s16;
	v19 =	vld [tilespmem:s16+$0x0];
	[tilespmem:v22+s23+$0x0] =	vst.idx.msk $0xffff, v13;
	v13 =	vadd.s32 v2, v7;
	v23 =	vmul.f32 $8.000000000e+00, v23  }
0x148: {  	v10 =	vand.u32 $0x7F, v10;
	v22 =	vmul.f32 $8.000000000e+00, v24;
	v18 =	vld [tilespmem:s14+$0x10];
	[tilespmem:v21+s23+$0x0] =	vst.idx.msk $0xffff, v14;
	v14 =	vadd.s32 v3, v5;
	v5 =	vmovc v7  }
0x149: {  	s17 =	sadd.s32 $0x2, s17;
	v20 =	vadd.s32 v0, v10;
	v7 =	vmovc v9;
	v9 =	vmov v25;
	v21 =	vmul.f32 $8.000000000e+00, v26;
	v15 =	vld [tilespmem:s12+$0x20];
	[tilespmem:v27+s23+$0x0] =	vst.idx.msk $0xffff, v23  }
0x14a: {  	v23 =	vmov s18;
	v24 =	vld [tilespmem:s16+$0xFFFFFFC0]  }
0x14b: {  	v23 =	vand.u32 $0x7E, v23  }
0x14c: {  	v25 =	vadd.s32 v0, v23;
	_ =	sdelay $0x1  }
0x14d: {  	v19 =	vmul.f32 $8.000000000e+00, v19  }
0x14e: {  	[tilespmem:v17+s23+$0x0] =	vst.idx.msk $0xffff, v22;
	v62 =	vmul.f32 $8.000000000e+00, v24  }
0x14f: {  	v22 =	vld [tilespmem:s14+$0xFFFFFFD0];
	[tilespmem:v20+s23+$0x0] =	vst.idx.msk $0xffff, v19  }
0x150: {  	v63 =	vadd.s32 v1, v8;
	v20 =	vld [tilespmem:s15+$0x10];
	[tilespmem:v25+s23+$0x0] =	vst.idx.msk $0xffff, v62  }
0x151: {  	v28 =	vadd.s32 v1, v9;
	v29 =	vld [tilespmem:s15+$0xFFFFFFD0]  }
0x152: {  	v30 =	vadd.s32 v1, v10  }
0x153: {  	v26 =	vadd.s32 v1, v23;
	v18 =	vmul.f32 $8.000000000e+00, v18  }
0x154: {  	[tilespmem:v16+s23+$0x0] =	vst.idx.msk $0xffff, v21;
	v31 =	vmul.f32 $8.000000000e+00, v22  }
0x155: {  	v32 =	vld [tilespmem:s12+$0xFFFFFFE0];
	[tilespmem:v63+s23+$0x0] =	vst.idx.msk $0xffff, v18;
	v33 =	vmul.f32 $8.000000000e+00, v20  }
0x156: {  	v34 =	vadd.s32 v2, v6;
	v35 =	vld [tilespmem:s14+$0x20];
	[tilespmem:v28+s23+$0x0] =	vst.idx.msk $0xffff, v31;
	v36 =	vmul.f32 $8.000000000e+00, v29  }
0x157: {  	v11 =	vmul.f32 $8.000000000e+00, v11;
	v37 =	vadd.s32 v2, v7;
	v38 =	vld [tilespmem:s14+$0xFFFFFFE0];
	[tilespmem:v30+s23+$0x0] =	vst.idx.msk $0xffff, v33  }
0x158: {  	v39 =	vadd.s32 v2, v8;
	v12 =	vmul.f32 $8.000000000e+00, v12;
	v40 =	vld [tilespmem:s15+$0x20];
	[tilespmem:v26+s23+$0x0] =	vst.idx.msk $0xffff, v36  }
0x159: {  	v42 =	vadd.s32 v2, v9;
	[tilespmem:v13+s23+$0x0] =	vst.idx.msk $0xffff, v11;
	v41 =	vmul.f32 $8.000000000e+00, v15;
	v43 =	vld [tilespmem:s15+$0xFFFFFFE0]  }
0x15a: {  	v44 =	vld [tilespmem:s1+$0x30];
	v46 =	vadd.s32 v2, v10;
	[tilespmem:v14+s23+$0x0] =	vst.idx.msk $0xffff, v12;
	v45 =	vmul.f32 $8.000000000e+00, v32  }
0x15b: {  	v49 =	vadd.s32 v2, v23;
	v47 =	vld [tilespmem:s1+$0xFFFFFFF0];
	[tilespmem:v34+s23+$0x0] =	vst.idx.msk $0xffff, v41;
	v48 =	vmul.f32 $8.000000000e+00, v35  }
0x15c: {  	v4 =	vadd.s32 v3, v4;
	[tilespmem:v37+s23+$0x0] =	vst.idx.msk $0xffff, v45;
	v20 =	vld [tilespmem:s12+$0x30];
	v50 =	vmul.f32 $8.000000000e+00, v38  }
0x15d: {  	v5 =	vadd.s32 v3, v5;
	v51 =	vld [tilespmem:s12+$0xFFFFFFF0];
	[tilespmem:v39+s23+$0x0] =	vst.idx.msk $0xffff, v48;
	v52 =	vmul.f32 $8.000000000e+00, v40  }
0x15e: {  	v53 =	vadd.s32 v3, v6;
	v54 =	vld [tilespmem:s14+$0x30];
	[tilespmem:v42+s23+$0x0] =	vst.idx.msk $0xffff, v50;
	v55 =	vmul.f32 $8.000000000e+00, v43  }
0x15f: {  	v57 =	vadd.s32 v3, v7;
	v56 =	vmul.f32 $8.000000000e+00, v44;
	v58 =	vld [tilespmem:s14+$0xFFFFFFF0];
	[tilespmem:v46+s23+$0x0] =	vst.idx.msk $0xffff, v52  }
0x160: {  	v60 =	vadd.s32 v3, v8;
	v59 =	vmul.f32 $8.000000000e+00, v47;
	v14 =	vld [tilespmem:s15+$0x30];
	[tilespmem:v49+s23+$0x0] =	vst.idx.msk $0xffff, v55  }
0x161: {  	v61 =	vadd.s32 v3, v9;
	[tilespmem:v4+s23+$0x0] =	vst.idx.msk $0xffff, v56;
	v4 =	vmul.f32 $8.000000000e+00, v20;
	v12 =	vld [tilespmem:s15+$0xFFFFFFF0]  }
0x162: {  	v62 =	vadd.s32 v3, v10;
	[tilespmem:v5+s23+$0x0] =	vst.idx.msk $0xffff, v59;
	v5 =	vmul.f32 $8.000000000e+00, v51  }
0x163: {  	v63 =	vadd.s32 v3, v23;
	[tilespmem:v53+s23+$0x0] =	vst.idx.msk $0xffff, v4;
	v4 =	vmul.f32 $8.000000000e+00, v54  }
0x164: {  	[tilespmem:v57+s23+$0x0] =	vst.idx.msk $0xffff, v5;
	v5 =	vmul.f32 $8.000000000e+00, v58  }
0x165: {  	[tilespmem:v60+s23+$0x0] =	vst.idx.msk $0xffff, v4;
	v4 =	vmul.f32 $8.000000000e+00, v14  }
0x166: {  	[tilespmem:v61+s23+$0x0] =	vst.idx.msk $0xffff, v5;
	v5 =	vmul.f32 $8.000000000e+00, v12  }
0x167: {  	s0 =	sadd.s32 s0, s9;
	s1 =	sadd.s32 @!p0 $0x380, s31;
	[tilespmem:v62+s23+$0x0] =	vst.idx.msk $0xffff, v4  }
0x168: {  	s12 =	simm.s32 @!p0 $0x80;
	s14 =	simm.s32 @!p0 $0xC400;
	s15 =	sadd.s32 $0x0, s0;
	[tilespmem:v63+s23+$0x0] =	vst.idx.msk $0xffff, v5  }
0x169: {  	[tilespmem:s14], [sflag:$0x4] =	stream.indirect.gather @!p0 [hbm4b:s3+s12], $0x40, s1, s12, $0xb8;
	[tilespmem:$0x12800] =	vst v63  }
0x16a: {  	s1 =	simm.s32 $0x10600;
	s12 =	simm.s32 $0x200;
	s14 =	simm.s32 $0x10688  }
.LBB2_17:
0x16b: {  	[hbm4b:s15+s2] =	stream.linear.scatter [tilespmem:s1], [sflag:$0x6], $0x80, $0x38;
	[tilespmem:$0x12800] =	vst v63  }
0x16c: {  	s15 =	smov.u32 s12;
	s1 =	smov.u32 s14;
	p0 =	sne.s32 s12, $0x7E00  }
.Ltmp7:
0x16d: {  	s12 =	sadd.s32 $0x200, s12;
	(pc) =	sbr.rel @p0 .LBB2_17-.Ltmp7, $2  }
0x16e: {  	_ =	sdelay $0x2  }
0x16f: {  	s14 =	sadd.s32 $0x88, s14;
	s15 =	sadd.s32 s15, s0  }
0x170: {  	s30 =	sadd.s32 $0x1, s30  }
0x171: {  	p0 =	sne.s32 s30, $0x32  }
.Ltmp8:
0x172: {  	_ = 	snop;
	(pc) =	sbr.rel @p0 .LBB2_2-.Ltmp8, $2  }
0x173: {  	_ =	sdelay $0x2  }
0x174: {  	[hbm4b:s15+s2] =	stream.linear.scatter [tilespmem:s1], [sflag:$0x6], $0x80, $0x38;
	[tilespmem:$0x12800] =	vst v63  }
0x175: {  	s29 =	sadd.s32 $0x1, s29  }
0x176: {  	_ =	swait.ge [sflag:s25], $0x2000;
	p0 =	sne.s32 s29, s10  }
.Ltmp9:
0x177: {  	[sflag:s25] =	ssyncset.done $0x0;
	(pc) =	sbr.rel @p0 .LBB2_1-.Ltmp9, $4  }
0x178: {  	[sflag:s25] =	ssyncadd.s32 $0xFFFFE000  }
0x179: {  	_ =	swait.ge [sflag:s28], $0x2000  }
0x17a: {  	[sflag:s28] =	ssyncset.done $0x0  }
0x17b: {  	[sflag:s28] =	ssyncadd.s32 $0xFFFFE000  }
0x17c: {  	_ =	sfence.sel $0x180000  }
0x17d: {  	[bflag:$0x0] =	sbarrier.arrive $0xFFFF  }
0x17e: {  	_ =	strace $0x9000004A  }
0x17f: {  	s0 =	stileid.u32;
	[bflag:$0x2] =	sbarrier.arrive $0xFFFF  }
0x180: {  	p0 =	sne.s32 s0, $0x0;
	s0 =	rddreg [dreg:$0x2]  }
0x181: {  	s0 =	sadd.s32 @!p0 $0x100000, s0  }
0x182: {  	[sflag:s0] =	ssyncadd.tile.s32 @!p0 $0x1;
	_ =	shalt  }
.Lfunc_end2:
_tile_overlayer_lowered:
.L_overlay_start_2:
0x183: {  	(tag) =	ssettag $0x2  }
0x184: {  	s0 =	rddreg [dreg:$0x0];
	s2 =	stileid.u32  }
0x185: {  	s1 =	rddreg [dreg:$0x1];
	p0 =	sne.s32 s2, $0x0  }
0x186: {  	s3 =	rddreg [dreg:$0x2];
	[bflag:$0x3] =	sbarrier.arrive $0xFFFF;
	s2 =	simm.s32 @!p0 $0x1C07  }
0x187: {  	[timem:s3], [sflag:s2] =	dma.local @!p0 [hbm:s0], s1  }
0x188: {  	s0 =	simm.s32 @!p0 $0x7  }
0x189: {  	_ =	swait.ge @!p0 [sflag:s0], s1  }
0x18a: {  	s1 =	ssub.s32 @!p0 $0x0, s1;
	[sflag:s0] =	ssyncset.done @!p0 $0x0  }
0x18b: {  	[sflag:s0] =	ssyncadd.s32 @!p0 s1  }
0x18c: {  	[bflag:$0x3] =	sbarrier.arrive $0xFFFF  }
0x18d: {  	_ =	shalt  }

</sc_bundles>
